<compile_context>
chip_gen: v7x
topology: tpu7x:2x2x1
jax: 0.10.2.dev20260603
libtpu: 0.0.44.dev20260713+nightly
codegen_flags: <defaults>
</compile_context>

<pallas_src>
import functools

import jax
import jax.numpy as jnp
from jax import lax
from jax.experimental import pallas as pl
from jax.experimental.pallas import tpu as pltpu
from jax.experimental.pallas import tpu_sc as plsc

PRIOR = 0.3
NUM_BINS = 64
BIN_WIDTH = 1.0 / NUM_BINS
FRAC_PRIOR = 1.0 / (2.0 * PRIOR)

NC = 2
NS = 16
L = 16
NW = NC * NS
HB = 128
BINS = 2 * HB


def _sc_hist_body(logits_hbm, labels_hbm, out_hbm, x_v, lab_v, h2a_v,
                  h1_v, sem_x, sem_l):
    n = logits_hbm.shape[0]
    chunk = n // NW
    wid = lax.axis_index("s") * NC + lax.axis_index("c")
    base = wid * chunk
    cp_x = pltpu.make_async_copy(logits_hbm.at[pl.ds(base, chunk)], x_v, sem_x)
    cp_l = pltpu.make_async_copy(labels_hbm.at[pl.ds(base, chunk)], lab_v,
                                 sem_l)
    cp_x.start()
    cp_l.start()

    zeros = jnp.zeros((L,), jnp.float32)
    for j in range(L * BINS // L):
        h2a_v[pl.ds(j * L, L)] = zeros

    lane_base = lax.iota(jnp.int32, L) * BINS
    one = jnp.full((L,), 1.0, jnp.float32)

    cp_x.wait()
    cp_l.wait()

    PEEL = 32
    nvec = chunk // L

    def _vec_body(off, h2_v):
        x = x_v[pl.ds(off, L)]
        lab = lab_v[pl.ds(off, L)]
        s = one / (one + jnp.exp(-x))
        t = s * 64.0
        idx = t.astype(jnp.int32)
        frac = t - idx.astype(jnp.float32)
        flat = lane_base + idx + lab * HB
        plsc.addupdate_scatter(h2_v, [flat], one - frac)
        plsc.addupdate_scatter(h2_v, [flat + 1], frac)

    def _peel_body(i, carry):
        _vec_body(i * L, h2a_v)
        return carry

    lax.fori_loop(0, PEEL, _peel_body, 0)

    @functools.partial(plsc.parallel_loop, 0, nvec - PEEL, unroll=8)
    def _(i):
        _vec_body((i + PEEL) * L, h2a_v)

    for c in range(BINS // L):
        acc = h2a_v[pl.ds(c * L, L)]
        for lane in range(1, L):
            acc = acc + h2a_v[pl.ds(lane * BINS + c * L, L)]
        h1_v[pl.ds(c * L, L)] = acc

    pltpu.sync_copy(h1_v, out_hbm.at[wid])


def _sc_partial_hist(logits, labels):
    n = logits.shape[0]
    mesh = plsc.VectorSubcoreMesh(core_axis_name="c", subcore_axis_name="s")
    chunk = n // NW
    f = pl.kernel(
        _sc_hist_body,
        out_type=jax.ShapeDtypeStruct((NW, BINS), jnp.float32),
        mesh=mesh,
        scratch_types=[
            pltpu.VMEM((chunk,), jnp.float32),
            pltpu.VMEM((chunk,), jnp.int32),
            pltpu.VMEM((L * BINS,), jnp.float32),
            pltpu.VMEM((BINS,), jnp.float32),
            pltpu.SemaphoreType.DMA,
            pltpu.SemaphoreType.DMA,
        ],
        compiler_params=pltpu.CompilerParams(needs_layout_passes=False),
    )
    return f(logits, labels)


def _tc_loss_body(p_ref, o_ref):
    h = jnp.sum(p_ref[...], axis=0, keepdims=True) * BIN_WIDTH
    col = lax.broadcasted_iota(jnp.int32, (1, BINS), 1)
    valid_u = col < (NUM_BINS + 1)
    valid_p = (col >= HB) & (col < HB + NUM_BINS + 1)
    hu_sum = jnp.sum(jnp.where(valid_u, h, 0.0))
    hp_sum = jnp.sum(jnp.where(valid_p, h, 0.0))
    proxy_u = jnp.where(col == 0, 1.0 - PRIOR, 0.0) + jnp.where(
        col == NUM_BINS, PRIOR, 0.0)
    proxy_p = jnp.where(col == HB + NUM_BINS, 1.0, 0.0)
    lu = jnp.sum(
        jnp.where(valid_u, jnp.abs(h / (hu_sum + 1e-8) - proxy_u), 0.0))
    lp = jnp.sum(
        jnp.where(valid_p, jnp.abs(h / (hp_sum + 1e-8) - proxy_p), 0.0))
    o_ref[0, 0] = (lp + FRAC_PRIOR * lu) / (NUM_BINS + 1.0)


def _tc_loss(partials):
    f = pl.pallas_call(
        _tc_loss_body,
        out_shape=jax.ShapeDtypeStruct((1, 1), jnp.float32),
        in_specs=[pl.BlockSpec(memory_space=pltpu.VMEM)],
        out_specs=pl.BlockSpec(memory_space=pltpu.SMEM),
    )
    return f(partials)


@jax.jit
def kernel(logits, labels):
    labels_i32 = labels.astype(jnp.int32)
    partials = _sc_partial_hist(logits, labels_i32)
    out = _tc_loss(partials)
    return out[0, 0]

# --- scband reference (transcript-rebuilt; emitter-appended) ---
"""Pipeline reference for scband-label-distribution-loss-10711648436868 (READ-ONLY COPY).

The authoritative reference and input builder live on the scoring server;
editing this copy changes nothing except your own understanding.
"""

import jax, jax.numpy as jnp
import numpy as np

PRIOR = 0.3
NUM_BINS = 64
BIN_WIDTH = 1.0 / NUM_BINS
FRAC_PRIOR = 1.0 / (2.0 * PRIOR)
BIN_CENTERS = (jnp.arange(NUM_BINS + 1, dtype=jnp.float32) * BIN_WIDTH).reshape(1, -1)
_proxy_p = jnp.zeros(NUM_BINS + 1, dtype=jnp.float32).at[-1].set(1.0)
_proxy_n = jnp.zeros(NUM_BINS + 1, dtype=jnp.float32).at[0].set(1.0)
PROXY_POSITIVE = _proxy_p
PROXY_UNLABELED = PRIOR * _proxy_p + (1.0 - PRIOR) * _proxy_n


def setup_inputs(seed: int = 0) -> dict:
    key = jax.random.key(seed)
    k1, k2 = jax.random.split(key)
    N = 1048576
    logits = jax.random.normal(k1, (N,), dtype=jnp.float32)
    labels = jax.random.randint(k2, (N,), 0, 2, dtype=jnp.int64)
    return {"logits": logits, "labels": labels}


def _soft_histogram(scores, mask):
    # Differentiable soft histogram with triangular kernel; boolean-indexed
    # subset selection (scores[labels==1]) is expressed as a multiplicative
    # mask so shapes stay static. Masked-out rows contribute zero weight,
    # exactly matching the torch subset histogram.
    s = scores.reshape(-1, 1)
    distances = jnp.abs(s - BIN_CENTERS)
    in_range = (distances <= BIN_WIDTH).astype(scores.dtype)
    weights = (BIN_WIDTH - distances) * in_range
    weights = weights * mask.reshape(-1, 1)
    histogram = weights.sum(axis=0)
    return histogram / (histogram.sum() + 1e-08)


def reference(logits, labels):
    scores = jax.nn.sigmoid(logits)
    mask_p = (labels == 1).astype(scores.dtype)
    mask_u = (labels == 0).astype(scores.dtype)
    hist_positive = _soft_histogram(scores, mask_p)
    hist_unlabeled = _soft_histogram(scores, mask_u)
    loss_p = jnp.mean(jnp.abs(hist_positive - PROXY_POSITIVE))
    loss_u = jnp.mean(jnp.abs(hist_unlabeled - PROXY_UNLABELED))
    return loss_p + FRAC_PRIOR * loss_u

if __name__ == "__main__":
    import jax
    _d = setup_inputs()
    print(jax.jit(kernel)(*tuple(_d.values())))

</pallas_src>

<mosaic_0001>
#map = affine_map<(d0, d1) -> (0)>
#map1 = affine_map<(d0, d1) -> (0, 0)>
module attributes {stable_mosaic.version = 14 : i64} {
  func.func @_sc_hist_body(%arg0: i32, %arg1: i32, %arg2: memref<1048576xf32, #tpu.memory_space<hbm>>, %arg3: memref<1048576xi32, #tpu.memory_space<hbm>>, %arg4: memref<32x256xf32, #tpu.memory_space<hbm>>, %arg5: memref<32768xf32, #tpu.memory_space<vmem>>, %arg6: memref<32768xi32, #tpu.memory_space<vmem>>, %arg7: memref<4096xf32, #tpu.memory_space<vmem>>, %arg8: memref<256xf32, #tpu.memory_space<vmem>>, %arg9: memref<!tpu.dma_semaphore, #tpu.memory_space<semaphore_mem>>, %arg10: memref<!tpu.dma_semaphore, #tpu.memory_space<semaphore_mem>>) attributes {dimension_semantics = [#tpu.dimension_semantics<core_parallel>, #tpu.dimension_semantics<subcore_parallel>], iteration_bounds = array<i64: 2, 16>, scalar_prefetch = 0 : i64, scratch_operands = 6 : i64, tpu.core_type = #tpu.core_type<sc_vector_subcore>, window_params = [{transform_indices = #map}, {transform_indices = #map}, {transform_indices = #map1}]} {
    %mul3A = arith.constant 2 : i32
    %mul3A_0 = arith.muli %arg1, %mul3A : i32
    %add3A = arith.addi %mul3A_0, %arg0 : i32
    %mul3A_1 = arith.constant 32768 : i32
    %mul3A_2 = arith.muli %add3A, %mul3A_1 : i32
    %dma_start3A = tpu.memref_slice %arg2[%mul3A_2] : memref<1048576xf32, #tpu.memory_space<hbm>> -> memref<32768xf32, #tpu.memory_space<hbm>>
    %dma_start3A_3 = tpu.memref_slice %arg2[%mul3A_2] : memref<1048576xf32, #tpu.memory_space<hbm>> -> memref<32768xf32, #tpu.memory_space<hbm>>
    tpu.enqueue_dma source(%dma_start3A_3 : memref<32768xf32, #tpu.memory_space<hbm>>) target(%arg5 : memref<32768xf32, #tpu.memory_space<vmem>>) target_semaphore(%arg9 : memref<!tpu.dma_semaphore, #tpu.memory_space<semaphore_mem>>)
    %dma_start3A_4 = tpu.memref_slice %arg3[%mul3A_2] : memref<1048576xi32, #tpu.memory_space<hbm>> -> memref<32768xi32, #tpu.memory_space<hbm>>
    %dma_start3A_5 = tpu.memref_slice %arg3[%mul3A_2] : memref<1048576xi32, #tpu.memory_space<hbm>> -> memref<32768xi32, #tpu.memory_space<hbm>>
    tpu.enqueue_dma source(%dma_start3A_5 : memref<32768xi32, #tpu.memory_space<hbm>>) target(%arg6 : memref<32768xi32, #tpu.memory_space<vmem>>) target_semaphore(%arg10 : memref<!tpu.dma_semaphore, #tpu.memory_space<semaphore_mem>>)
    %broadcast_in_dim3A = arith.constant 0.000000e+00 : f32
    %broadcast_in_dim3A_6 = vector.broadcast %broadcast_in_dim3A : f32 to vector<16xf32>
    %swap3A = arith.constant 0 : index
    %swap3A_7 = tpu.vector_load %arg7[%swap3A] {strides = array<i32>} : memref<4096xf32, #tpu.memory_space<vmem>>, vector<16xf32>,
    tpu.vector_store %arg7[%swap3A], %broadcast_in_dim3A_6 {strides = array<i32>} : memref<4096xf32, #tpu.memory_space<vmem>>, vector<16xf32>,
    %swap3A_8 = arith.constant 16 : index
    %swap3A_9 = tpu.vector_load %arg7[%swap3A_8] {strides = array<i32>} : memref<4096xf32, #tpu.memory_space<vmem>>, vector<16xf32>,
    tpu.vector_store %arg7[%swap3A_8], %broadcast_in_dim3A_6 {strides = array<i32>} : memref<4096xf32, #tpu.memory_space<vmem>>, vector<16xf32>,
    %swap3A_10 = arith.constant 32 : index
    %swap3A_11 = tpu.vector_load %arg7[%swap3A_10] {strides = array<i32>} : memref<4096xf32, #tpu.memory_space<vmem>>, vector<16xf32>,
    tpu.vector_store %arg7[%swap3A_10], %broadcast_in_dim3A_6 {strides = array<i32>} : memref<4096xf32, #tpu.memory_space<vmem>>, vector<16xf32>,
    %swap3A_12 = arith.constant 48 : index
    %swap3A_13 = tpu.vector_load %arg7[%swap3A_12] {strides = array<i32>} : memref<4096xf32, #tpu.memory_space<vmem>>, vector<16xf32>,
    tpu.vector_store %arg7[%swap3A_12], %broadcast_in_dim3A_6 {strides = array<i32>} : memref<4096xf32, #tpu.memory_space<vmem>>, vector<16xf32>,
    %swap3A_14 = arith.constant 64 : index
    %swap3A_15 = tpu.vector_load %arg7[%swap3A_14] {strides = array<i32>} : memref<4096xf32, #tpu.memory_space<vmem>>, vector<16xf32>,
    tpu.vector_store %arg7[%swap3A_14], %broadcast_in_dim3A_6 {strides = array<i32>} : memref<4096xf32, #tpu.memory_space<vmem>>, vector<16xf32>,
    %swap3A_16 = arith.constant 80 : index
    %swap3A_17 = tpu.vector_load %arg7[%swap3A_16] {strides = array<i32>} : memref<4096xf32, #tpu.memory_space<vmem>>, vector<16xf32>,
    tpu.vector_store %arg7[%swap3A_16], %broadcast_in_dim3A_6 {strides = array<i32>} : memref<4096xf32, #tpu.memory_space<vmem>>, vector<16xf32>,
    %swap3A_18 = arith.constant 96 : index
    %swap3A_19 = tpu.vector_load %arg7[%swap3A_18] {strides = array<i32>} : memref<4096xf32, #tpu.memory_space<vmem>>, vector<16xf32>,
    tpu.vector_store %arg7[%swap3A_18], %broadcast_in_dim3A_6 {strides = array<i32>} : memref<4096xf32, #tpu.memory_space<vmem>>, vector<16xf32>,
    %swap3A_20 = arith.constant 112 : index
    %swap3A_21 = tpu.vector_load %arg7[%swap3A_20] {strides = array<i32>} : memref<4096xf32, #tpu.memory_space<vmem>>, vector<16xf32>,
    tpu.vector_store %arg7[%swap3A_20], %broadcast_in_dim3A_6 {strides = array<i32>} : memref<4096xf32, #tpu.memory_space<vmem>>, vector<16xf32>,
    %swap3A_22 = arith.constant 128 : index
    %swap3A_23 = tpu.vector_load %arg7[%swap3A_22] {strides = array<i32>} : memref<4096xf32, #tpu.memory_space<vmem>>, vector<16xf32>,
    tpu.vector_store %arg7[%swap3A_22], %broadcast_in_dim3A_6 {strides = array<i32>} : memref<4096xf32, #tpu.memory_space<vmem>>, vector<16xf32>,
    %swap3A_24 = arith.constant 144 : index
    %swap3A_25 = tpu.vector_load %arg7[%swap3A_24] {strides = array<i32>} : memref<4096xf32, #tpu.memory_space<vmem>>, vector<16xf32>,
    tpu.vector_store %arg7[%swap3A_24], %broadcast_in_dim3A_6 {strides = array<i32>} : memref<4096xf32, #tpu.memory_space<vmem>>, vector<16xf32>,
    %swap3A_26 = arith.constant 160 : index
    %swap3A_27 = tpu.vector_load %arg7[%swap3A_26] {strides = array<i32>} : memref<4096xf32, #tpu.memory_space<vmem>>, vector<16xf32>,
    tpu.vector_store %arg7[%swap3A_26], %broadcast_in_dim3A_6 {strides = array<i32>} : memref<4096xf32, #tpu.memory_space<vmem>>, vector<16xf32>,
    %swap3A_28 = arith.constant 176 : index
    %swap3A_29 = tpu.vector_load %arg7[%swap3A_28] {strides = array<i32>} : memref<4096xf32, #tpu.memory_space<vmem>>, vector<16xf32>,
    tpu.vector_store %arg7[%swap3A_28], %broadcast_in_dim3A_6 {strides = array<i32>} : memref<4096xf32, #tpu.memory_space<vmem>>, vector<16xf32>,
    %swap3A_30 = arith.constant 192 : index
    %swap3A_31 = tpu.vector_load %arg7[%swap3A_30] {strides = array<i32>} : memref<4096xf32, #tpu.memory_space<vmem>>, vector<16xf32>,
    tpu.vector_store %arg7[%swap3A_30], %broadcast_in_dim3A_6 {strides = array<i32>} : memref<4096xf32, #tpu.memory_space<vmem>>, vector<16xf32>,
    %swap3A_32 = arith.constant 208 : index
    %swap3A_33 = tpu.vector_load %arg7[%swap3A_32] {strides = array<i32>} : memref<4096xf32, #tpu.memory_space<vmem>>, vector<16xf32>,
    tpu.vector_store %arg7[%swap3A_32], %broadcast_in_dim3A_6 {strides = array<i32>} : memref<4096xf32, #tpu.memory_space<vmem>>, vector<16xf32>,
    %swap3A_34 = arith.constant 224 : index
    %swap3A_35 = tpu.vector_load %arg7[%swap3A_34] {strides = array<i32>} : memref<4096xf32, #tpu.memory_space<vmem>>, vector<16xf32>,
    tpu.vector_store %arg7[%swap3A_34], %broadcast_in_dim3A_6 {strides = array<i32>} : memref<4096xf32, #tpu.memory_space<vmem>>, vector<16xf32>,
    %swap3A_36 = arith.constant 240 : index
    %swap3A_37 = tpu.vector_load %arg7[%swap3A_36] {strides = array<i32>} : memref<4096xf32, #tpu.memory_space<vmem>>, vector<16xf32>,
    tpu.vector_store %arg7[%swap3A_36], %broadcast_in_dim3A_6 {strides = array<i32>} : memref<4096xf32, #tpu.memory_space<vmem>>, vector<16xf32>,
    %swap3A_38 = arith.constant 256 : index
    %swap3A_39 = tpu.vector_load %arg7[%swap3A_38] {strides = array<i32>} : memref<4096xf32, #tpu.memory_space<vmem>>, vector<16xf32>,
    tpu.vector_store %arg7[%swap3A_38], %broadcast_in_dim3A_6 {strides = array<i32>} : memref<4096xf32, #tpu.memory_space<vmem>>, vector<16xf32>,
    %swap3A_40 = arith.constant 272 : index
    %swap3A_41 = tpu.vector_load %arg7[%swap3A_40] {strides = array<i32>} : memref<4096xf32, #tpu.memory_space<vmem>>, vector<16xf32>,
    tpu.vector_store %arg7[%swap3A_40], %broadcast_in_dim3A_6 {strides = array<i32>} : memref<4096xf32, #tpu.memory_space<vmem>>, vector<16xf32>,
    %swap3A_42 = arith.constant 288 : index
    %swap3A_43 = tpu.vector_load %arg7[%swap3A_42] {strides = array<i32>} : memref<4096xf32, #tpu.memory_space<vmem>>, vector<16xf32>,
    tpu.vector_store %arg7[%swap3A_42], %broadcast_in_dim3A_6 {strides = array<i32>} : memref<4096xf32, #tpu.memory_space<vmem>>, vector<16xf32>,
    %swap3A_44 = arith.constant 304 : index
    %swap3A_45 = tpu.vector_load %arg7[%swap3A_44] {strides = array<i32>} : memref<4096xf32, #tpu.memory_space<vmem>>, vector<16xf32>,
    tpu.vector_store %arg7[%swap3A_44], %broadcast_in_dim3A_6 {strides = array<i32>} : memref<4096xf32, #tpu.memory_space<vmem>>, vector<16xf32>,
    %swap3A_46 = arith.constant 320 : index
    %swap3A_47 = tpu.vector_load %arg7[%swap3A_46] {strides = array<i32>} : memref<4096xf32, #tpu.memory_space<vmem>>, vector<16xf32>,
    tpu.vector_store %arg7[%swap3A_46], %broadcast_in_dim3A_6 {strides = array<i32>} : memref<4096xf32, #tpu.memory_space<vmem>>, vector<16xf32>,
    %swap3A_48 = arith.constant 336 : index
    %swap3A_49 = tpu.vector_load %arg7[%swap3A_48] {strides = array<i32>} : memref<4096xf32, #tpu.memory_space<vmem>>, vector<16xf32>,
    tpu.vector_store %arg7[%swap3A_48], %broadcast_in_dim3A_6 {strides = array<i32>} : memref<4096xf32, #tpu.memory_space<vmem>>, vector<16xf32>,
    %swap3A_50 = arith.constant 352 : index
    %swap3A_51 = tpu.vector_load %arg7[%swap3A_50] {strides = array<i32>} : memref<4096xf32, #tpu.memory_space<vmem>>, vector<16xf32>,
    tpu.vector_store %arg7[%swap3A_50], %broadcast_in_dim3A_6 {strides = array<i32>} : memref<4096xf32, #tpu.memory_space<vmem>>, vector<16xf32>,
    %swap3A_52 = arith.constant 368 : index
    %swap3A_53 = tpu.vector_load %arg7[%swap3A_52] {strides = array<i32>} : memref<4096xf32, #tpu.memory_space<vmem>>, vector<16xf32>,
    tpu.vector_store %arg7[%swap3A_52], %broadcast_in_dim3A_6 {strides = array<i32>} : memref<4096xf32, #tpu.memory_space<vmem>>, vector<16xf32>,
    %swap3A_54 = arith.constant 384 : index
    %swap3A_55 = tpu.vector_load %arg7[%swap3A_54] {strides = array<i32>} : memref<4096xf32, #tpu.memory_space<vmem>>, vector<16xf32>,
    tpu.vector_store %arg7[%swap3A_54], %broadcast_in_dim3A_6 {strides = array<i32>} : memref<4096xf32, #tpu.memory_space<vmem>>, vector<16xf32>,
    %swap3A_56 = arith.constant 400 : index
    %swap3A_57 = tpu.vector_load %arg7[%swap3A_56] {strides = array<i32>} : memref<4096xf32, #tpu.memory_space<vmem>>, vector<16xf32>,
    tpu.vector_store %arg7[%swap3A_56], %broadcast_in_dim3A_6 {strides = array<i32>} : memref<4096xf32, #tpu.memory_space<vmem>>, vector<16xf32>,
    %swap3A_58 = arith.constant 416 : index
    %swap3A_59 = tpu.vector_load %arg7[%swap3A_58] {strides = array<i32>} : memref<4096xf32, #tpu.memory_space<vmem>>, vector<16xf32>,
    tpu.vector_store %arg7[%swap3A_58], %broadcast_in_dim3A_6 {strides = array<i32>} : memref<4096xf32, #tpu.memory_space<vmem>>, vector<16xf32>,
    %swap3A_60 = arith.constant 432 : index
    %swap3A_61 = tpu.vector_load %arg7[%swap3A_60] {strides = array<i32>} : memref<4096xf32, #tpu.memory_space<vmem>>, vector<16xf32>,
    tpu.vector_store %arg7[%swap3A_60], %broadcast_in_dim3A_6 {strides = array<i32>} : memref<4096xf32, #tpu.memory_space<vmem>>, vector<16xf32>,
    %swap3A_62 = arith.constant 448 : index
    %swap3A_63 = tpu.vector_load %arg7[%swap3A_62] {strides = array<i32>} : memref<4096xf32, #tpu.memory_space<vmem>>, vector<16xf32>,
    tpu.vector_store %arg7[%swap3A_62], %broadcast_in_dim3A_6 {strides = array<i32>} : memref<4096xf32, #tpu.memory_space<vmem>>, vector<16xf32>,
    %swap3A_64 = arith.constant 464 : index
    %swap3A_65 = tpu.vector_load %arg7[%swap3A_64] {strides = array<i32>} : memref<4096xf32, #tpu.memory_space<vmem>>, vector<16xf32>,
    tpu.vector_store %arg7[%swap3A_64], %broadcast_in_dim3A_6 {strides = array<i32>} : memref<4096xf32, #tpu.memory_space<vmem>>, vector<16xf32>,
    %swap3A_66 = arith.constant 480 : index
    %swap3A_67 = tpu.vector_load %arg7[%swap3A_66] {strides = array<i32>} : memref<4096xf32, #tpu.memory_space<vmem>>, vector<16xf32>,
    tpu.vector_store %arg7[%swap3A_66], %broadcast_in_dim3A_6 {strides = array<i32>} : memref<4096xf32, #tpu.memory_space<vmem>>, vector<16xf32>,
    %swap3A_68 = arith.constant 496 : index
    %swap3A_69 = tpu.vector_load %arg7[%swap3A_68] {strides = array<i32>} : memref<4096xf32, #tpu.memory_space<vmem>>, vector<16xf32>,
    tpu.vector_store %arg7[%swap3A_68], %broadcast_in_dim3A_6 {strides = array<i32>} : memref<4096xf32, #tpu.memory_space<vmem>>, vector<16xf32>,
    %swap3A_70 = arith.constant 512 : index
    %swap3A_71 = tpu.vector_load %arg7[%swap3A_70] {strides = array<i32>} : memref<4096xf32, #tpu.memory_space<vmem>>, vector<16xf32>,
    tpu.vector_store %arg7[%swap3A_70], %broadcast_in_dim3A_6 {strides = array<i32>} : memref<4096xf32, #tpu.memory_space<vmem>>, vector<16xf32>,
    %swap3A_72 = arith.constant 528 : index
    %swap3A_73 = tpu.vector_load %arg7[%swap3A_72] {strides = array<i32>} : memref<4096xf32, #tpu.memory_space<vmem>>, vector<16xf32>,
    tpu.vector_store %arg7[%swap3A_72], %broadcast_in_dim3A_6 {strides = array<i32>} : memref<4096xf32, #tpu.memory_space<vmem>>, vector<16xf32>,
    %swap3A_74 = arith.constant 544 : index
    %swap3A_75 = tpu.vector_load %arg7[%swap3A_74] {strides = array<i32>} : memref<4096xf32, #tpu.memory_space<vmem>>, vector<16xf32>,
    tpu.vector_store %arg7[%swap3A_74], %broadcast_in_dim3A_6 {strides = array<i32>} : memref<4096xf32, #tpu.memory_space<vmem>>, vector<16xf32>,
    %swap3A_76 = arith.constant 560 : index
    %swap3A_77 = tpu.vector_load %arg7[%swap3A_76] {strides = array<i32>} : memref<4096xf32, #tpu.memory_space<vmem>>, vector<16xf32>,
    tpu.vector_store %arg7[%swap3A_76], %broadcast_in_dim3A_6 {strides = array<i32>} : memref<4096xf32, #tpu.memory_space<vmem>>, vector<16xf32>,
    %swap3A_78 = arith.constant 576 : index
    %swap3A_79 = tpu.vector_load %arg7[%swap3A_78] {strides = array<i32>} : memref<4096xf32, #tpu.memory_space<vmem>>, vector<16xf32>,
    tpu.vector_store %arg7[%swap3A_78], %broadcast_in_dim3A_6 {strides = array<i32>} : memref<4096xf32, #tpu.memory_space<vmem>>, vector<16xf32>,
    %swap3A_80 = arith.constant 592 : index
    %swap3A_81 = tpu.vector_load %arg7[%swap3A_80] {strides = array<i32>} : memref<4096xf32, #tpu.memory_space<vmem>>, vector<16xf32>,
    tpu.vector_store %arg7[%swap3A_80], %broadcast_in_dim3A_6 {strides = array<i32>} : memref<4096xf32, #tpu.memory_space<vmem>>, vector<16xf32>,
    %swap3A_82 = arith.constant 608 : index
    %swap3A_83 = tpu.vector_load %arg7[%swap3A_82] {strides = array<i32>} : memref<4096xf32, #tpu.memory_space<vmem>>, vector<16xf32>,
    tpu.vector_store %arg7[%swap3A_82], %broadcast_in_dim3A_6 {strides = array<i32>} : memref<4096xf32, #tpu.memory_space<vmem>>, vector<16xf32>,
    %swap3A_84 = arith.constant 624 : index
    %swap3A_85 = tpu.vector_load %arg7[%swap3A_84] {strides = array<i32>} : memref<4096xf32, #tpu.memory_space<vmem>>, vector<16xf32>,
    tpu.vector_store %arg7[%swap3A_84], %broadcast_in_dim3A_6 {strides = array<i32>} : memref<4096xf32, #tpu.memory_space<vmem>>, vector<16xf32>,
    %swap3A_86 = arith.constant 640 : index
    %swap3A_87 = tpu.vector_load %arg7[%swap3A_86] {strides = array<i32>} : memref<4096xf32, #tpu.memory_space<vmem>>, vector<16xf32>,
    tpu.vector_store %arg7[%swap3A_86], %broadcast_in_dim3A_6 {strides = array<i32>} : memref<4096xf32, #tpu.memory_space<vmem>>, vector<16xf32>,
    %swap3A_88 = arith.constant 656 : index
    %swap3A_89 = tpu.vector_load %arg7[%swap3A_88] {strides = array<i32>} : memref<4096xf32, #tpu.memory_space<vmem>>, vector<16xf32>,
    tpu.vector_store %arg7[%swap3A_88], %broadcast_in_dim3A_6 {strides = array<i32>} : memref<4096xf32, #tpu.memory_space<vmem>>, vector<16xf32>,
    %swap3A_90 = arith.constant 672 : index
    %swap3A_91 = tpu.vector_load %arg7[%swap3A_90] {strides = array<i32>} : memref<4096xf32, #tpu.memory_space<vmem>>, vector<16xf32>,
    tpu.vector_store %arg7[%swap3A_90], %broadcast_in_dim3A_6 {strides = array<i32>} : memref<4096xf32, #tpu.memory_space<vmem>>, vector<16xf32>,
    %swap3A_92 = arith.constant 688 : index
    %swap3A_93 = tpu.vector_load %arg7[%swap3A_92] {strides = array<i32>} : memref<4096xf32, #tpu.memory_space<vmem>>, vector<16xf32>,
    tpu.vector_store %arg7[%swap3A_92], %broadcast_in_dim3A_6 {strides = array<i32>} : memref<4096xf32, #tpu.memory_space<vmem>>, vector<16xf32>,
    %swap3A_94 = arith.constant 704 : index
    %swap3A_95 = tpu.vector_load %arg7[%swap3A_94] {strides = array<i32>} : memref<4096xf32, #tpu.memory_space<vmem>>, vector<16xf32>,
    tpu.vector_store %arg7[%swap3A_94], %broadcast_in_dim3A_6 {strides = array<i32>} : memref<4096xf32, #tpu.memory_space<vmem>>, vector<16xf32>,
    %swap3A_96 = arith.constant 720 : index
    %swap3A_97 = tpu.vector_load %arg7[%swap3A_96] {strides = array<i32>} : memref<4096xf32, #tpu.memory_space<vmem>>, vector<16xf32>,
    tpu.vector_store %arg7[%swap3A_96], %broadcast_in_dim3A_6 {strides = array<i32>} : memref<4096xf32, #tpu.memory_space<vmem>>, vector<16xf32>,
    %swap3A_98 = arith.constant 736 : index
    %swap3A_99 = tpu.vector_load %arg7[%swap3A_98] {strides = array<i32>} : memref<4096xf32, #tpu.memory_space<vmem>>, vector<16xf32>,
    tpu.vector_store %arg7[%swap3A_98], %broadcast_in_dim3A_6 {strides = array<i32>} : memref<4096xf32, #tpu.memory_space<vmem>>, vector<16xf32>,
    %swap3A_100 = arith.constant 752 : index
    %swap3A_101 = tpu.vector_load %arg7[%swap3A_100] {strides = array<i32>} : memref<4096xf32, #tpu.memory_space<vmem>>, vector<16xf32>,
    tpu.vector_store %arg7[%swap3A_100], %broadcast_in_dim3A_6 {strides = array<i32>} : memref<4096xf32, #tpu.memory_space<vmem>>, vector<16xf32>,
    %swap3A_102 = arith.constant 768 : index
    %swap3A_103 = tpu.vector_load %arg7[%swap3A_102] {strides = array<i32>} : memref<4096xf32, #tpu.memory_space<vmem>>, vector<16xf32>,
    tpu.vector_store %arg7[%swap3A_102], %broadcast_in_dim3A_6 {strides = array<i32>} : memref<4096xf32, #tpu.memory_space<vmem>>, vector<16xf32>,
    %swap3A_104 = arith.constant 784 : index
    %swap3A_105 = tpu.vector_load %arg7[%swap3A_104] {strides = array<i32>} : memref<4096xf32, #tpu.memory_space<vmem>>, vector<16xf32>,
    tpu.vector_store %arg7[%swap3A_104], %broadcast_in_dim3A_6 {strides = array<i32>} : memref<4096xf32, #tpu.memory_space<vmem>>, vector<16xf32>,
    %swap3A_106 = arith.constant 800 : index
    %swap3A_107 = tpu.vector_load %arg7[%swap3A_106] {strides = array<i32>} : memref<4096xf32, #tpu.memory_space<vmem>>, vector<16xf32>,
    tpu.vector_store %arg7[%swap3A_106], %broadcast_in_dim3A_6 {strides = array<i32>} : memref<4096xf32, #tpu.memory_space<vmem>>, vector<16xf32>,
    %swap3A_108 = arith.constant 816 : index
    %swap3A_109 = tpu.vector_load %arg7[%swap3A_108] {strides = array<i32>} : memref<4096xf32, #tpu.memory_space<vmem>>, vector<16xf32>,
    tpu.vector_store %arg7[%swap3A_108], %broadcast_in_dim3A_6 {strides = array<i32>} : memref<4096xf32, #tpu.memory_space<vmem>>, vector<16xf32>,
    %swap3A_110 = arith.constant 832 : index
    %swap3A_111 = tpu.vector_load %arg7[%swap3A_110] {strides = array<i32>} : memref<4096xf32, #tpu.memory_space<vmem>>, vector<16xf32>,
    tpu.vector_store %arg7[%swap3A_110], %broadcast_in_dim3A_6 {strides = array<i32>} : memref<4096xf32, #tpu.memory_space<vmem>>, vector<16xf32>,
    %swap3A_112 = arith.constant 848 : index
    %swap3A_113 = tpu.vector_load %arg7[%swap3A_112] {strides = array<i32>} : memref<4096xf32, #tpu.memory_space<vmem>>, vector<16xf32>,
    tpu.vector_store %arg7[%swap3A_112], %broadcast_in_dim3A_6 {strides = array<i32>} : memref<4096xf32, #tpu.memory_space<vmem>>, vector<16xf32>,
    %swap3A_114 = arith.constant 864 : index
    %swap3A_115 = tpu.vector_load %arg7[%swap3A_114] {strides = array<i32>} : memref<4096xf32, #tpu.memory_space<vmem>>, vector<16xf32>,
    tpu.vector_store %arg7[%swap3A_114], %broadcast_in_dim3A_6 {strides = array<i32>} : memref<4096xf32, #tpu.memory_space<vmem>>, vector<16xf32>,
    %swap3A_116 = arith.constant 880 : index
    %swap3A_117 = tpu.vector_load %arg7[%swap3A_116] {strides = array<i32>} : memref<4096xf32, #tpu.memory_space<vmem>>, vector<16xf32>,
    tpu.vector_store %arg7[%swap3A_116], %broadcast_in_dim3A_6 {strides = array<i32>} : memref<4096xf32, #tpu.memory_space<vmem>>, vector<16xf32>,
    %swap3A_118 = arith.constant 896 : index
    %swap3A_119 = tpu.vector_load %arg7[%swap3A_118] {strides = array<i32>} : memref<4096xf32, #tpu.memory_space<vmem>>, vector<16xf32>,
    tpu.vector_store %arg7[%swap3A_118], %broadcast_in_dim3A_6 {strides = array<i32>} : memref<4096xf32, #tpu.memory_space<vmem>>, vector<16xf32>,
    %swap3A_120 = arith.constant 912 : index
    %swap3A_121 = tpu.vector_load %arg7[%swap3A_120] {strides = array<i32>} : memref<4096xf32, #tpu.memory_space<vmem>>, vector<16xf32>,
    tpu.vector_store %arg7[%swap3A_120], %broadcast_in_dim3A_6 {strides = array<i32>} : memref<4096xf32, #tpu.memory_space<vmem>>, vector<16xf32>,
    %swap3A_122 = arith.constant 928 : index
    %swap3A_123 = tpu.vector_load %arg7[%swap3A_122] {strides = array<i32>} : memref<4096xf32, #tpu.memory_space<vmem>>, vector<16xf32>,
    tpu.vector_store %arg7[%swap3A_122], %broadcast_in_dim3A_6 {strides = array<i32>} : memref<4096xf32, #tpu.memory_space<vmem>>, vector<16xf32>,
    %swap3A_124 = arith.constant 944 : index
    %swap3A_125 = tpu.vector_load %arg7[%swap3A_124] {strides = array<i32>} : memref<4096xf32, #tpu.memory_space<vmem>>, vector<16xf32>,
    tpu.vector_store %arg7[%swap3A_124], %broadcast_in_dim3A_6 {strides = array<i32>} : memref<4096xf32, #tpu.memory_space<vmem>>, vector<16xf32>,
    %swap3A_126 = arith.constant 960 : index
    %swap3A_127 = tpu.vector_load %arg7[%swap3A_126] {strides = array<i32>} : memref<4096xf32, #tpu.memory_space<vmem>>, vector<16xf32>,
    tpu.vector_store %arg7[%swap3A_126], %broadcast_in_dim3A_6 {strides = array<i32>} : memref<4096xf32, #tpu.memory_space<vmem>>, vector<16xf32>,
    %swap3A_128 = arith.constant 976 : index
    %swap3A_129 = tpu.vector_load %arg7[%swap3A_128] {strides = array<i32>} : memref<4096xf32, #tpu.memory_space<vmem>>, vector<16xf32>,
    tpu.vector_store %arg7[%swap3A_128], %broadcast_in_dim3A_6 {strides = array<i32>} : memref<4096xf32, #tpu.memory_space<vmem>>, vector<16xf32>,
    %swap3A_130 = arith.constant 992 : index
    %swap3A_131 = tpu.vector_load %arg7[%swap3A_130] {strides = array<i32>} : memref<4096xf32, #tpu.memory_space<vmem>>, vector<16xf32>,
    tpu.vector_store %arg7[%swap3A_130], %broadcast_in_dim3A_6 {strides = array<i32>} : memref<4096xf32, #tpu.memory_space<vmem>>, vector<16xf32>,
    %swap3A_132 = arith.constant 1008 : index
    %swap3A_133 = tpu.vector_load %arg7[%swap3A_132] {strides = array<i32>} : memref<4096xf32, #tpu.memory_space<vmem>>, vector<16xf32>,
    tpu.vector_store %arg7[%swap3A_132], %broadcast_in_dim3A_6 {strides = array<i32>} : memref<4096xf32, #tpu.memory_space<vmem>>, vector<16xf32>,
    %swap3A_134 = arith.constant 1024 : index
    %swap3A_135 = tpu.vector_load %arg7[%swap3A_134] {strides = array<i32>} : memref<4096xf32, #tpu.memory_space<vmem>>, vector<16xf32>,
    tpu.vector_store %arg7[%swap3A_134], %broadcast_in_dim3A_6 {strides = array<i32>} : memref<4096xf32, #tpu.memory_space<vmem>>, vector<16xf32>,
    %swap3A_136 = arith.constant 1040 : index
    %swap3A_137 = tpu.vector_load %arg7[%swap3A_136] {strides = array<i32>} : memref<4096xf32, #tpu.memory_space<vmem>>, vector<16xf32>,
    tpu.vector_store %arg7[%swap3A_136], %broadcast_in_dim3A_6 {strides = array<i32>} : memref<4096xf32, #tpu.memory_space<vmem>>, vector<16xf32>,
    %swap3A_138 = arith.constant 1056 : index
    %swap3A_139 = tpu.vector_load %arg7[%swap3A_138] {strides = array<i32>} : memref<4096xf32, #tpu.memory_space<vmem>>, vector<16xf32>,
    tpu.vector_store %arg7[%swap3A_138], %broadcast_in_dim3A_6 {strides = array<i32>} : memref<4096xf32, #tpu.memory_space<vmem>>, vector<16xf32>,
    %swap3A_140 = arith.constant 1072 : index
    %swap3A_141 = tpu.vector_load %arg7[%swap3A_140] {strides = array<i32>} : memref<4096xf32, #tpu.memory_space<vmem>>, vector<16xf32>,
    tpu.vector_store %arg7[%swap3A_140], %broadcast_in_dim3A_6 {strides = array<i32>} : memref<4096xf32, #tpu.memory_space<vmem>>, vector<16xf32>,
    %swap3A_142 = arith.constant 1088 : index
    %swap3A_143 = tpu.vector_load %arg7[%swap3A_142] {strides = array<i32>} : memref<4096xf32, #tpu.memory_space<vmem>>, vector<16xf32>,
    tpu.vector_store %arg7[%swap3A_142], %broadcast_in_dim3A_6 {strides = array<i32>} : memref<4096xf32, #tpu.memory_space<vmem>>, vector<16xf32>,
    %swap3A_144 = arith.constant 1104 : index
    %swap3A_145 = tpu.vector_load %arg7[%swap3A_144] {strides = array<i32>} : memref<4096xf32, #tpu.memory_space<vmem>>, vector<16xf32>,
    tpu.vector_store %arg7[%swap3A_144], %broadcast_in_dim3A_6 {strides = array<i32>} : memref<4096xf32, #tpu.memory_space<vmem>>, vector<16xf32>,
    %swap3A_146 = arith.constant 1120 : index
    %swap3A_147 = tpu.vector_load %arg7[%swap3A_146] {strides = array<i32>} : memref<4096xf32, #tpu.memory_space<vmem>>, vector<16xf32>,
    tpu.vector_store %arg7[%swap3A_146], %broadcast_in_dim3A_6 {strides = array<i32>} : memref<4096xf32, #tpu.memory_space<vmem>>, vector<16xf32>,
    %swap3A_148 = arith.constant 1136 : index
    %swap3A_149 = tpu.vector_load %arg7[%swap3A_148] {strides = array<i32>} : memref<4096xf32, #tpu.memory_space<vmem>>, vector<16xf32>,
    tpu.vector_store %arg7[%swap3A_148], %broadcast_in_dim3A_6 {strides = array<i32>} : memref<4096xf32, #tpu.memory_space<vmem>>, vector<16xf32>,
    %swap3A_150 = arith.constant 1152 : index
    %swap3A_151 = tpu.vector_load %arg7[%swap3A_150] {strides = array<i32>} : memref<4096xf32, #tpu.memory_space<vmem>>, vector<16xf32>,
    tpu.vector_store %arg7[%swap3A_150], %broadcast_in_dim3A_6 {strides = array<i32>} : memref<4096xf32, #tpu.memory_space<vmem>>, vector<16xf32>,
    %swap3A_152 = arith.constant 1168 : index
    %swap3A_153 = tpu.vector_load %arg7[%swap3A_152] {strides = array<i32>} : memref<4096xf32, #tpu.memory_space<vmem>>, vector<16xf32>,
    tpu.vector_store %arg7[%swap3A_152], %broadcast_in_dim3A_6 {strides = array<i32>} : memref<4096xf32, #tpu.memory_space<vmem>>, vector<16xf32>,
    %swap3A_154 = arith.constant 1184 : index
    %swap3A_155 = tpu.vector_load %arg7[%swap3A_154] {strides = array<i32>} : memref<4096xf32, #tpu.memory_space<vmem>>, vector<16xf32>,
    tpu.vector_store %arg7[%swap3A_154], %broadcast_in_dim3A_6 {strides = array<i32>} : memref<4096xf32, #tpu.memory_space<vmem>>, vector<16xf32>,
    %swap3A_156 = arith.constant 1200 : index
    %swap3A_157 = tpu.vector_load %arg7[%swap3A_156] {strides = array<i32>} : memref<4096xf32, #tpu.memory_space<vmem>>, vector<16xf32>,
    tpu.vector_store %arg7[%swap3A_156], %broadcast_in_dim3A_6 {strides = array<i32>} : memref<4096xf32, #tpu.memory_space<vmem>>, vector<16xf32>,
    %swap3A_158 = arith.constant 1216 : index
    %swap3A_159 = tpu.vector_load %arg7[%swap3A_158] {strides = array<i32>} : memref<4096xf32, #tpu.memory_space<vmem>>, vector<16xf32>,
    tpu.vector_store %arg7[%swap3A_158], %broadcast_in_dim3A_6 {strides = array<i32>} : memref<4096xf32, #tpu.memory_space<vmem>>, vector<16xf32>,
    %swap3A_160 = arith.constant 1232 : index
    %swap3A_161 = tpu.vector_load %arg7[%swap3A_160] {strides = array<i32>} : memref<4096xf32, #tpu.memory_space<vmem>>, vector<16xf32>,
    tpu.vector_store %arg7[%swap3A_160], %broadcast_in_dim3A_6 {strides = array<i32>} : memref<4096xf32, #tpu.memory_space<vmem>>, vector<16xf32>,
    %swap3A_162 = arith.constant 1248 : index
    %swap3A_163 = tpu.vector_load %arg7[%swap3A_162] {strides = array<i32>} : memref<4096xf32, #tpu.memory_space<vmem>>, vector<16xf32>,
    tpu.vector_store %arg7[%swap3A_162], %broadcast_in_dim3A_6 {strides = array<i32>} : memref<4096xf32, #tpu.memory_space<vmem>>, vector<16xf32>,
    %swap3A_164 = arith.constant 1264 : index
    %swap3A_165 = tpu.vector_load %arg7[%swap3A_164] {strides = array<i32>} : memref<4096xf32, #tpu.memory_space<vmem>>, vector<16xf32>,
    tpu.vector_store %arg7[%swap3A_164], %broadcast_in_dim3A_6 {strides = array<i32>} : memref<4096xf32, #tpu.memory_space<vmem>>, vector<16xf32>,
    %swap3A_166 = arith.constant 1280 : index
    %swap3A_167 = tpu.vector_load %arg7[%swap3A_166] {strides = array<i32>} : memref<4096xf32, #tpu.memory_space<vmem>>, vector<16xf32>,
    tpu.vector_store %arg7[%swap3A_166], %broadcast_in_dim3A_6 {strides = array<i32>} : memref<4096xf32, #tpu.memory_space<vmem>>, vector<16xf32>,
    %swap3A_168 = arith.constant 1296 : index
    %swap3A_169 = tpu.vector_load %arg7[%swap3A_168] {strides = array<i32>} : memref<4096xf32, #tpu.memory_space<vmem>>, vector<16xf32>,
    tpu.vector_store %arg7[%swap3A_168], %broadcast_in_dim3A_6 {strides = array<i32>} : memref<4096xf32, #tpu.memory_space<vmem>>, vector<16xf32>,
    %swap3A_170 = arith.constant 1312 : index
    %swap3A_171 = tpu.vector_load %arg7[%swap3A_170] {strides = array<i32>} : memref<4096xf32, #tpu.memory_space<vmem>>, vector<16xf32>,
    tpu.vector_store %arg7[%swap3A_170], %broadcast_in_dim3A_6 {strides = array<i32>} : memref<4096xf32, #tpu.memory_space<vmem>>, vector<16xf32>,
    %swap3A_172 = arith.constant 1328 : index
    %swap3A_173 = tpu.vector_load %arg7[%swap3A_172] {strides = array<i32>} : memref<4096xf32, #tpu.memory_space<vmem>>, vector<16xf32>,
    tpu.vector_store %arg7[%swap3A_172], %broadcast_in_dim3A_6 {strides = array<i32>} : memref<4096xf32, #tpu.memory_space<vmem>>, vector<16xf32>,
    %swap3A_174 = arith.constant 1344 : index
    %swap3A_175 = tpu.vector_load %arg7[%swap3A_174] {strides = array<i32>} : memref<4096xf32, #tpu.memory_space<vmem>>, vector<16xf32>,
    tpu.vector_store %arg7[%swap3A_174], %broadcast_in_dim3A_6 {strides = array<i32>} : memref<4096xf32, #tpu.memory_space<vmem>>, vector<16xf32>,
    %swap3A_176 = arith.constant 1360 : index
    %swap3A_177 = tpu.vector_load %arg7[%swap3A_176] {strides = array<i32>} : memref<4096xf32, #tpu.memory_space<vmem>>, vector<16xf32>,
    tpu.vector_store %arg7[%swap3A_176], %broadcast_in_dim3A_6 {strides = array<i32>} : memref<4096xf32, #tpu.memory_space<vmem>>, vector<16xf32>,
    %swap3A_178 = arith.constant 1376 : index
    %swap3A_179 = tpu.vector_load %arg7[%swap3A_178] {strides = array<i32>} : memref<4096xf32, #tpu.memory_space<vmem>>, vector<16xf32>,
    tpu.vector_store %arg7[%swap3A_178], %broadcast_in_dim3A_6 {strides = array<i32>} : memref<4096xf32, #tpu.memory_space<vmem>>, vector<16xf32>,
    %swap3A_180 = arith.constant 1392 : index
    %swap3A_181 = tpu.vector_load %arg7[%swap3A_180] {strides = array<i32>} : memref<4096xf32, #tpu.memory_space<vmem>>, vector<16xf32>,
    tpu.vector_store %arg7[%swap3A_180], %broadcast_in_dim3A_6 {strides = array<i32>} : memref<4096xf32, #tpu.memory_space<vmem>>, vector<16xf32>,
    %swap3A_182 = arith.constant 1408 : index
    %swap3A_183 = tpu.vector_load %arg7[%swap3A_182] {strides = array<i32>} : memref<4096xf32, #tpu.memory_space<vmem>>, vector<16xf32>,
    tpu.vector_store %arg7[%swap3A_182], %broadcast_in_dim3A_6 {strides = array<i32>} : memref<4096xf32, #tpu.memory_space<vmem>>, vector<16xf32>,
    %swap3A_184 = arith.constant 1424 : index
    %swap3A_185 = tpu.vector_load %arg7[%swap3A_184] {strides = array<i32>} : memref<4096xf32, #tpu.memory_space<vmem>>, vector<16xf32>,
    tpu.vector_store %arg7[%swap3A_184], %broadcast_in_dim3A_6 {strides = array<i32>} : memref<4096xf32, #tpu.memory_space<vmem>>, vector<16xf32>,
    %swap3A_186 = arith.constant 1440 : index
    %swap3A_187 = tpu.vector_load %arg7[%swap3A_186] {strides = array<i32>} : memref<4096xf32, #tpu.memory_space<vmem>>, vector<16xf32>,
    tpu.vector_store %arg7[%swap3A_186], %broadcast_in_dim3A_6 {strides = array<i32>} : memref<4096xf32, #tpu.memory_space<vmem>>, vector<16xf32>,
    %swap3A_188 = arith.constant 1456 : index
    %swap3A_189 = tpu.vector_load %arg7[%swap3A_188] {strides = array<i32>} : memref<4096xf32, #tpu.memory_space<vmem>>, vector<16xf32>,
    tpu.vector_store %arg7[%swap3A_188], %broadcast_in_dim3A_6 {strides = array<i32>} : memref<4096xf32, #tpu.memory_space<vmem>>, vector<16xf32>,
    %swap3A_190 = arith.constant 1472 : index
    %swap3A_191 = tpu.vector_load %arg7[%swap3A_190] {strides = array<i32>} : memref<4096xf32, #tpu.memory_space<vmem>>, vector<16xf32>,
    tpu.vector_store %arg7[%swap3A_190], %broadcast_in_dim3A_6 {strides = array<i32>} : memref<4096xf32, #tpu.memory_space<vmem>>, vector<16xf32>,
    %swap3A_192 = arith.constant 1488 : index
    %swap3A_193 = tpu.vector_load %arg7[%swap3A_192] {strides = array<i32>} : memref<4096xf32, #tpu.memory_space<vmem>>, vector<16xf32>,
    tpu.vector_store %arg7[%swap3A_192], %broadcast_in_dim3A_6 {strides = array<i32>} : memref<4096xf32, #tpu.memory_space<vmem>>, vector<16xf32>,
    %swap3A_194 = arith.constant 1504 : index
    %swap3A_195 = tpu.vector_load %arg7[%swap3A_194] {strides = array<i32>} : memref<4096xf32, #tpu.memory_space<vmem>>, vector<16xf32>,
    tpu.vector_store %arg7[%swap3A_194], %broadcast_in_dim3A_6 {strides = array<i32>} : memref<4096xf32, #tpu.memory_space<vmem>>, vector<16xf32>,
    %swap3A_196 = arith.constant 1520 : index
    %swap3A_197 = tpu.vector_load %arg7[%swap3A_196] {strides = array<i32>} : memref<4096xf32, #tpu.memory_space<vmem>>, vector<16xf32>,
    tpu.vector_store %arg7[%swap3A_196], %broadcast_in_dim3A_6 {strides = array<i32>} : memref<4096xf32, #tpu.memory_space<vmem>>, vector<16xf32>,
    %swap3A_198 = arith.constant 1536 : index
    %swap3A_199 = tpu.vector_load %arg7[%swap3A_198] {strides = array<i32>} : memref<4096xf32, #tpu.memory_space<vmem>>, vector<16xf32>,
    tpu.vector_store %arg7[%swap3A_198], %broadcast_in_dim3A_6 {strides = array<i32>} : memref<4096xf32, #tpu.memory_space<vmem>>, vector<16xf32>,
    %swap3A_200 = arith.constant 1552 : index
    %swap3A_201 = tpu.vector_load %arg7[%swap3A_200] {strides = array<i32>} : memref<4096xf32, #tpu.memory_space<vmem>>, vector<16xf32>,
    tpu.vector_store %arg7[%swap3A_200], %broadcast_in_dim3A_6 {strides = array<i32>} : memref<4096xf32, #tpu.memory_space<vmem>>, vector<16xf32>,
    %swap3A_202 = arith.constant 1568 : index
    %swap3A_203 = tpu.vector_load %arg7[%swap3A_202] {strides = array<i32>} : memref<4096xf32, #tpu.memory_space<vmem>>, vector<16xf32>,
    tpu.vector_store %arg7[%swap3A_202], %broadcast_in_dim3A_6 {strides = array<i32>} : memref<4096xf32, #tpu.memory_space<vmem>>, vector<16xf32>,
    %swap3A_204 = arith.constant 1584 : index
    %swap3A_205 = tpu.vector_load %arg7[%swap3A_204] {strides = array<i32>} : memref<4096xf32, #tpu.memory_space<vmem>>, vector<16xf32>,
    tpu.vector_store %arg7[%swap3A_204], %broadcast_in_dim3A_6 {strides = array<i32>} : memref<4096xf32, #tpu.memory_space<vmem>>, vector<16xf32>,
    %swap3A_206 = arith.constant 1600 : index
    %swap3A_207 = tpu.vector_load %arg7[%swap3A_206] {strides = array<i32>} : memref<4096xf32, #tpu.memory_space<vmem>>, vector<16xf32>,
    tpu.vector_store %arg7[%swap3A_206], %broadcast_in_dim3A_6 {strides = array<i32>} : memref<4096xf32, #tpu.memory_space<vmem>>, vector<16xf32>,
    %swap3A_208 = arith.constant 1616 : index
    %swap3A_209 = tpu.vector_load %arg7[%swap3A_208] {strides = array<i32>} : memref<4096xf32, #tpu.memory_space<vmem>>, vector<16xf32>,
    tpu.vector_store %arg7[%swap3A_208], %broadcast_in_dim3A_6 {strides = array<i32>} : memref<4096xf32, #tpu.memory_space<vmem>>, vector<16xf32>,
    %swap3A_210 = arith.constant 1632 : index
    %swap3A_211 = tpu.vector_load %arg7[%swap3A_210] {strides = array<i32>} : memref<4096xf32, #tpu.memory_space<vmem>>, vector<16xf32>,
    tpu.vector_store %arg7[%swap3A_210], %broadcast_in_dim3A_6 {strides = array<i32>} : memref<4096xf32, #tpu.memory_space<vmem>>, vector<16xf32>,
    %swap3A_212 = arith.constant 1648 : index
    %swap3A_213 = tpu.vector_load %arg7[%swap3A_212] {strides = array<i32>} : memref<4096xf32, #tpu.memory_space<vmem>>, vector<16xf32>,
    tpu.vector_store %arg7[%swap3A_212], %broadcast_in_dim3A_6 {strides = array<i32>} : memref<4096xf32, #tpu.memory_space<vmem>>, vector<16xf32>,
    %swap3A_214 = arith.constant 1664 : index
    %swap3A_215 = tpu.vector_load %arg7[%swap3A_214] {strides = array<i32>} : memref<4096xf32, #tpu.memory_space<vmem>>, vector<16xf32>,
    tpu.vector_store %arg7[%swap3A_214], %broadcast_in_dim3A_6 {strides = array<i32>} : memref<4096xf32, #tpu.memory_space<vmem>>, vector<16xf32>,
    %swap3A_216 = arith.constant 1680 : index
    %swap3A_217 = tpu.vector_load %arg7[%swap3A_216] {strides = array<i32>} : memref<4096xf32, #tpu.memory_space<vmem>>, vector<16xf32>,
    tpu.vector_store %arg7[%swap3A_216], %broadcast_in_dim3A_6 {strides = array<i32>} : memref<4096xf32, #tpu.memory_space<vmem>>, vector<16xf32>,
    %swap3A_218 = arith.constant 1696 : index
    %swap3A_219 = tpu.vector_load %arg7[%swap3A_218] {strides = array<i32>} : memref<4096xf32, #tpu.memory_space<vmem>>, vector<16xf32>,
    tpu.vector_store %arg7[%swap3A_218], %broadcast_in_dim3A_6 {strides = array<i32>} : memref<4096xf32, #tpu.memory_space<vmem>>, vector<16xf32>,
    %swap3A_220 = arith.constant 1712 : index
    %swap3A_221 = tpu.vector_load %arg7[%swap3A_220] {strides = array<i32>} : memref<4096xf32, #tpu.memory_space<vmem>>, vector<16xf32>,
    tpu.vector_store %arg7[%swap3A_220], %broadcast_in_dim3A_6 {strides = array<i32>} : memref<4096xf32, #tpu.memory_space<vmem>>, vector<16xf32>,
    %swap3A_222 = arith.constant 1728 : index
    %swap3A_223 = tpu.vector_load %arg7[%swap3A_222] {strides = array<i32>} : memref<4096xf32, #tpu.memory_space<vmem>>, vector<16xf32>,
    tpu.vector_store %arg7[%swap3A_222], %broadcast_in_dim3A_6 {strides = array<i32>} : memref<4096xf32, #tpu.memory_space<vmem>>, vector<16xf32>,
    %swap3A_224 = arith.constant 1744 : index
    %swap3A_225 = tpu.vector_load %arg7[%swap3A_224] {strides = array<i32>} : memref<4096xf32, #tpu.memory_space<vmem>>, vector<16xf32>,
    tpu.vector_store %arg7[%swap3A_224], %broadcast_in_dim3A_6 {strides = array<i32>} : memref<4096xf32, #tpu.memory_space<vmem>>, vector<16xf32>,
    %swap3A_226 = arith.constant 1760 : index
    %swap3A_227 = tpu.vector_load %arg7[%swap3A_226] {strides = array<i32>} : memref<4096xf32, #tpu.memory_space<vmem>>, vector<16xf32>,
    tpu.vector_store %arg7[%swap3A_226], %broadcast_in_dim3A_6 {strides = array<i32>} : memref<4096xf32, #tpu.memory_space<vmem>>, vector<16xf32>,
    %swap3A_228 = arith.constant 1776 : index
    %swap3A_229 = tpu.vector_load %arg7[%swap3A_228] {strides = array<i32>} : memref<4096xf32, #tpu.memory_space<vmem>>, vector<16xf32>,
    tpu.vector_store %arg7[%swap3A_228], %broadcast_in_dim3A_6 {strides = array<i32>} : memref<4096xf32, #tpu.memory_space<vmem>>, vector<16xf32>,
    %swap3A_230 = arith.constant 1792 : index
    %swap3A_231 = tpu.vector_load %arg7[%swap3A_230] {strides = array<i32>} : memref<4096xf32, #tpu.memory_space<vmem>>, vector<16xf32>,
    tpu.vector_store %arg7[%swap3A_230], %broadcast_in_dim3A_6 {strides = array<i32>} : memref<4096xf32, #tpu.memory_space<vmem>>, vector<16xf32>,
    %swap3A_232 = arith.constant 1808 : index
    %swap3A_233 = tpu.vector_load %arg7[%swap3A_232] {strides = array<i32>} : memref<4096xf32, #tpu.memory_space<vmem>>, vector<16xf32>,
    tpu.vector_store %arg7[%swap3A_232], %broadcast_in_dim3A_6 {strides = array<i32>} : memref<4096xf32, #tpu.memory_space<vmem>>, vector<16xf32>,
    %swap3A_234 = arith.constant 1824 : index
    %swap3A_235 = tpu.vector_load %arg7[%swap3A_234] {strides = array<i32>} : memref<4096xf32, #tpu.memory_space<vmem>>, vector<16xf32>,
    tpu.vector_store %arg7[%swap3A_234], %broadcast_in_dim3A_6 {strides = array<i32>} : memref<4096xf32, #tpu.memory_space<vmem>>, vector<16xf32>,
    %swap3A_236 = arith.constant 1840 : index
    %swap3A_237 = tpu.vector_load %arg7[%swap3A_236] {strides = array<i32>} : memref<4096xf32, #tpu.memory_space<vmem>>, vector<16xf32>,
    tpu.vector_store %arg7[%swap3A_236], %broadcast_in_dim3A_6 {strides = array<i32>} : memref<4096xf32, #tpu.memory_space<vmem>>, vector<16xf32>,
    %swap3A_238 = arith.constant 1856 : index
    %swap3A_239 = tpu.vector_load %arg7[%swap3A_238] {strides = array<i32>} : memref<4096xf32, #tpu.memory_space<vmem>>, vector<16xf32>,
    tpu.vector_store %arg7[%swap3A_238], %broadcast_in_dim3A_6 {strides = array<i32>} : memref<4096xf32, #tpu.memory_space<vmem>>, vector<16xf32>,
    %swap3A_240 = arith.constant 1872 : index
    %swap3A_241 = tpu.vector_load %arg7[%swap3A_240] {strides = array<i32>} : memref<4096xf32, #tpu.memory_space<vmem>>, vector<16xf32>,
    tpu.vector_store %arg7[%swap3A_240], %broadcast_in_dim3A_6 {strides = array<i32>} : memref<4096xf32, #tpu.memory_space<vmem>>, vector<16xf32>,
    %swap3A_242 = arith.constant 1888 : index
    %swap3A_243 = tpu.vector_load %arg7[%swap3A_242] {strides = array<i32>} : memref<4096xf32, #tpu.memory_space<vmem>>, vector<16xf32>,
    tpu.vector_store %arg7[%swap3A_242], %broadcast_in_dim3A_6 {strides = array<i32>} : memref<4096xf32, #tpu.memory_space<vmem>>, vector<16xf32>,
    %swap3A_244 = arith.constant 1904 : index
    %swap3A_245 = tpu.vector_load %arg7[%swap3A_244] {strides = array<i32>} : memref<4096xf32, #tpu.memory_space<vmem>>, vector<16xf32>,
    tpu.vector_store %arg7[%swap3A_244], %broadcast_in_dim3A_6 {strides = array<i32>} : memref<4096xf32, #tpu.memory_space<vmem>>, vector<16xf32>,
    %swap3A_246 = arith.constant 1920 : index
    %swap3A_247 = tpu.vector_load %arg7[%swap3A_246] {strides = array<i32>} : memref<4096xf32, #tpu.memory_space<vmem>>, vector<16xf32>,
    tpu.vector_store %arg7[%swap3A_246], %broadcast_in_dim3A_6 {strides = array<i32>} : memref<4096xf32, #tpu.memory_space<vmem>>, vector<16xf32>,
    %swap3A_248 = arith.constant 1936 : index
    %swap3A_249 = tpu.vector_load %arg7[%swap3A_248] {strides = array<i32>} : memref<4096xf32, #tpu.memory_space<vmem>>, vector<16xf32>,
    tpu.vector_store %arg7[%swap3A_248], %broadcast_in_dim3A_6 {strides = array<i32>} : memref<4096xf32, #tpu.memory_space<vmem>>, vector<16xf32>,
    %swap3A_250 = arith.constant 1952 : index
    %swap3A_251 = tpu.vector_load %arg7[%swap3A_250] {strides = array<i32>} : memref<4096xf32, #tpu.memory_space<vmem>>, vector<16xf32>,
    tpu.vector_store %arg7[%swap3A_250], %broadcast_in_dim3A_6 {strides = array<i32>} : memref<4096xf32, #tpu.memory_space<vmem>>, vector<16xf32>,
    %swap3A_252 = arith.constant 1968 : index
    %swap3A_253 = tpu.vector_load %arg7[%swap3A_252] {strides = array<i32>} : memref<4096xf32, #tpu.memory_space<vmem>>, vector<16xf32>,
    tpu.vector_store %arg7[%swap3A_252], %broadcast_in_dim3A_6 {strides = array<i32>} : memref<4096xf32, #tpu.memory_space<vmem>>, vector<16xf32>,
    %swap3A_254 = arith.constant 1984 : index
    %swap3A_255 = tpu.vector_load %arg7[%swap3A_254] {strides = array<i32>} : memref<4096xf32, #tpu.memory_space<vmem>>, vector<16xf32>,
    tpu.vector_store %arg7[%swap3A_254], %broadcast_in_dim3A_6 {strides = array<i32>} : memref<4096xf32, #tpu.memory_space<vmem>>, vector<16xf32>,
    %swap3A_256 = arith.constant 2000 : index
    %swap3A_257 = tpu.vector_load %arg7[%swap3A_256] {strides = array<i32>} : memref<4096xf32, #tpu.memory_space<vmem>>, vector<16xf32>,
    tpu.vector_store %arg7[%swap3A_256], %broadcast_in_dim3A_6 {strides = array<i32>} : memref<4096xf32, #tpu.memory_space<vmem>>, vector<16xf32>,
    %swap3A_258 = arith.constant 2016 : index
    %swap3A_259 = tpu.vector_load %arg7[%swap3A_258] {strides = array<i32>} : memref<4096xf32, #tpu.memory_space<vmem>>, vector<16xf32>,
    tpu.vector_store %arg7[%swap3A_258], %broadcast_in_dim3A_6 {strides = array<i32>} : memref<4096xf32, #tpu.memory_space<vmem>>, vector<16xf32>,
    %swap3A_260 = arith.constant 2032 : index
    %swap3A_261 = tpu.vector_load %arg7[%swap3A_260] {strides = array<i32>} : memref<4096xf32, #tpu.memory_space<vmem>>, vector<16xf32>,
    tpu.vector_store %arg7[%swap3A_260], %broadcast_in_dim3A_6 {strides = array<i32>} : memref<4096xf32, #tpu.memory_space<vmem>>, vector<16xf32>,
    %swap3A_262 = arith.constant 2048 : index
    %swap3A_263 = tpu.vector_load %arg7[%swap3A_262] {strides = array<i32>} : memref<4096xf32, #tpu.memory_space<vmem>>, vector<16xf32>,
    tpu.vector_store %arg7[%swap3A_262], %broadcast_in_dim3A_6 {strides = array<i32>} : memref<4096xf32, #tpu.memory_space<vmem>>, vector<16xf32>,
    %swap3A_264 = arith.constant 2064 : index
    %swap3A_265 = tpu.vector_load %arg7[%swap3A_264] {strides = array<i32>} : memref<4096xf32, #tpu.memory_space<vmem>>, vector<16xf32>,
    tpu.vector_store %arg7[%swap3A_264], %broadcast_in_dim3A_6 {strides = array<i32>} : memref<4096xf32, #tpu.memory_space<vmem>>, vector<16xf32>,
    %swap3A_266 = arith.constant 2080 : index
    %swap3A_267 = tpu.vector_load %arg7[%swap3A_266] {strides = array<i32>} : memref<4096xf32, #tpu.memory_space<vmem>>, vector<16xf32>,
    tpu.vector_store %arg7[%swap3A_266], %broadcast_in_dim3A_6 {strides = array<i32>} : memref<4096xf32, #tpu.memory_space<vmem>>, vector<16xf32>,
    %swap3A_268 = arith.constant 2096 : index
    %swap3A_269 = tpu.vector_load %arg7[%swap3A_268] {strides = array<i32>} : memref<4096xf32, #tpu.memory_space<vmem>>, vector<16xf32>,
    tpu.vector_store %arg7[%swap3A_268], %broadcast_in_dim3A_6 {strides = array<i32>} : memref<4096xf32, #tpu.memory_space<vmem>>, vector<16xf32>,
    %swap3A_270 = arith.constant 2112 : index
    %swap3A_271 = tpu.vector_load %arg7[%swap3A_270] {strides = array<i32>} : memref<4096xf32, #tpu.memory_space<vmem>>, vector<16xf32>,
    tpu.vector_store %arg7[%swap3A_270], %broadcast_in_dim3A_6 {strides = array<i32>} : memref<4096xf32, #tpu.memory_space<vmem>>, vector<16xf32>,
    %swap3A_272 = arith.constant 2128 : index
    %swap3A_273 = tpu.vector_load %arg7[%swap3A_272] {strides = array<i32>} : memref<4096xf32, #tpu.memory_space<vmem>>, vector<16xf32>,
    tpu.vector_store %arg7[%swap3A_272], %broadcast_in_dim3A_6 {strides = array<i32>} : memref<4096xf32, #tpu.memory_space<vmem>>, vector<16xf32>,
    %swap3A_274 = arith.constant 2144 : index
    %swap3A_275 = tpu.vector_load %arg7[%swap3A_274] {strides = array<i32>} : memref<4096xf32, #tpu.memory_space<vmem>>, vector<16xf32>,
    tpu.vector_store %arg7[%swap3A_274], %broadcast_in_dim3A_6 {strides = array<i32>} : memref<4096xf32, #tpu.memory_space<vmem>>, vector<16xf32>,
    %swap3A_276 = arith.constant 2160 : index
    %swap3A_277 = tpu.vector_load %arg7[%swap3A_276] {strides = array<i32>} : memref<4096xf32, #tpu.memory_space<vmem>>, vector<16xf32>,
    tpu.vector_store %arg7[%swap3A_276], %broadcast_in_dim3A_6 {strides = array<i32>} : memref<4096xf32, #tpu.memory_space<vmem>>, vector<16xf32>,
    %swap3A_278 = arith.constant 2176 : index
    %swap3A_279 = tpu.vector_load %arg7[%swap3A_278] {strides = array<i32>} : memref<4096xf32, #tpu.memory_space<vmem>>, vector<16xf32>,
    tpu.vector_store %arg7[%swap3A_278], %broadcast_in_dim3A_6 {strides = array<i32>} : memref<4096xf32, #tpu.memory_space<vmem>>, vector<16xf32>,
    %swap3A_280 = arith.constant 2192 : index
    %swap3A_281 = tpu.vector_load %arg7[%swap3A_280] {strides = array<i32>} : memref<4096xf32, #tpu.memory_space<vmem>>, vector<16xf32>,
    tpu.vector_store %arg7[%swap3A_280], %broadcast_in_dim3A_6 {strides = array<i32>} : memref<4096xf32, #tpu.memory_space<vmem>>, vector<16xf32>,
    %swap3A_282 = arith.constant 2208 : index
    %swap3A_283 = tpu.vector_load %arg7[%swap3A_282] {strides = array<i32>} : memref<4096xf32, #tpu.memory_space<vmem>>, vector<16xf32>,
    tpu.vector_store %arg7[%swap3A_282], %broadcast_in_dim3A_6 {strides = array<i32>} : memref<4096xf32, #tpu.memory_space<vmem>>, vector<16xf32>,
    %swap3A_284 = arith.constant 2224 : index
    %swap3A_285 = tpu.vector_load %arg7[%swap3A_284] {strides = array<i32>} : memref<4096xf32, #tpu.memory_space<vmem>>, vector<16xf32>,
    tpu.vector_store %arg7[%swap3A_284], %broadcast_in_dim3A_6 {strides = array<i32>} : memref<4096xf32, #tpu.memory_space<vmem>>, vector<16xf32>,
    %swap3A_286 = arith.constant 2240 : index
    %swap3A_287 = tpu.vector_load %arg7[%swap3A_286] {strides = array<i32>} : memref<4096xf32, #tpu.memory_space<vmem>>, vector<16xf32>,
    tpu.vector_store %arg7[%swap3A_286], %broadcast_in_dim3A_6 {strides = array<i32>} : memref<4096xf32, #tpu.memory_space<vmem>>, vector<16xf32>,
    %swap3A_288 = arith.constant 2256 : index
    %swap3A_289 = tpu.vector_load %arg7[%swap3A_288] {strides = array<i32>} : memref<4096xf32, #tpu.memory_space<vmem>>, vector<16xf32>,
    tpu.vector_store %arg7[%swap3A_288], %broadcast_in_dim3A_6 {strides = array<i32>} : memref<4096xf32, #tpu.memory_space<vmem>>, vector<16xf32>,
    %swap3A_290 = arith.constant 2272 : index
    %swap3A_291 = tpu.vector_load %arg7[%swap3A_290] {strides = array<i32>} : memref<4096xf32, #tpu.memory_space<vmem>>, vector<16xf32>,
    tpu.vector_store %arg7[%swap3A_290], %broadcast_in_dim3A_6 {strides = array<i32>} : memref<4096xf32, #tpu.memory_space<vmem>>, vector<16xf32>,
    %swap3A_292 = arith.constant 2288 : index
    %swap3A_293 = tpu.vector_load %arg7[%swap3A_292] {strides = array<i32>} : memref<4096xf32, #tpu.memory_space<vmem>>, vector<16xf32>,
    tpu.vector_store %arg7[%swap3A_292], %broadcast_in_dim3A_6 {strides = array<i32>} : memref<4096xf32, #tpu.memory_space<vmem>>, vector<16xf32>,
    %swap3A_294 = arith.constant 2304 : index
    %swap3A_295 = tpu.vector_load %arg7[%swap3A_294] {strides = array<i32>} : memref<4096xf32, #tpu.memory_space<vmem>>, vector<16xf32>,
    tpu.vector_store %arg7[%swap3A_294], %broadcast_in_dim3A_6 {strides = array<i32>} : memref<4096xf32, #tpu.memory_space<vmem>>, vector<16xf32>,
    %swap3A_296 = arith.constant 2320 : index
    %swap3A_297 = tpu.vector_load %arg7[%swap3A_296] {strides = array<i32>} : memref<4096xf32, #tpu.memory_space<vmem>>, vector<16xf32>,
    tpu.vector_store %arg7[%swap3A_296], %broadcast_in_dim3A_6 {strides = array<i32>} : memref<4096xf32, #tpu.memory_space<vmem>>, vector<16xf32>,
    %swap3A_298 = arith.constant 2336 : index
    %swap3A_299 = tpu.vector_load %arg7[%swap3A_298] {strides = array<i32>} : memref<4096xf32, #tpu.memory_space<vmem>>, vector<16xf32>,
    tpu.vector_store %arg7[%swap3A_298], %broadcast_in_dim3A_6 {strides = array<i32>} : memref<4096xf32, #tpu.memory_space<vmem>>, vector<16xf32>,
    %swap3A_300 = arith.constant 2352 : index
    %swap3A_301 = tpu.vector_load %arg7[%swap3A_300] {strides = array<i32>} : memref<4096xf32, #tpu.memory_space<vmem>>, vector<16xf32>,
    tpu.vector_store %arg7[%swap3A_300], %broadcast_in_dim3A_6 {strides = array<i32>} : memref<4096xf32, #tpu.memory_space<vmem>>, vector<16xf32>,
    %swap3A_302 = arith.constant 2368 : index
    %swap3A_303 = tpu.vector_load %arg7[%swap3A_302] {strides = array<i32>} : memref<4096xf32, #tpu.memory_space<vmem>>, vector<16xf32>,
    tpu.vector_store %arg7[%swap3A_302], %broadcast_in_dim3A_6 {strides = array<i32>} : memref<4096xf32, #tpu.memory_space<vmem>>, vector<16xf32>,
    %swap3A_304 = arith.constant 2384 : index
    %swap3A_305 = tpu.vector_load %arg7[%swap3A_304] {strides = array<i32>} : memref<4096xf32, #tpu.memory_space<vmem>>, vector<16xf32>,
    tpu.vector_store %arg7[%swap3A_304], %broadcast_in_dim3A_6 {strides = array<i32>} : memref<4096xf32, #tpu.memory_space<vmem>>, vector<16xf32>,
    %swap3A_306 = arith.constant 2400 : index
    %swap3A_307 = tpu.vector_load %arg7[%swap3A_306] {strides = array<i32>} : memref<4096xf32, #tpu.memory_space<vmem>>, vector<16xf32>,
    tpu.vector_store %arg7[%swap3A_306], %broadcast_in_dim3A_6 {strides = array<i32>} : memref<4096xf32, #tpu.memory_space<vmem>>, vector<16xf32>,
    %swap3A_308 = arith.constant 2416 : index
    %swap3A_309 = tpu.vector_load %arg7[%swap3A_308] {strides = array<i32>} : memref<4096xf32, #tpu.memory_space<vmem>>, vector<16xf32>,
    tpu.vector_store %arg7[%swap3A_308], %broadcast_in_dim3A_6 {strides = array<i32>} : memref<4096xf32, #tpu.memory_space<vmem>>, vector<16xf32>,
    %swap3A_310 = arith.constant 2432 : index
    %swap3A_311 = tpu.vector_load %arg7[%swap3A_310] {strides = array<i32>} : memref<4096xf32, #tpu.memory_space<vmem>>, vector<16xf32>,
    tpu.vector_store %arg7[%swap3A_310], %broadcast_in_dim3A_6 {strides = array<i32>} : memref<4096xf32, #tpu.memory_space<vmem>>, vector<16xf32>,
    %swap3A_312 = arith.constant 2448 : index
    %swap3A_313 = tpu.vector_load %arg7[%swap3A_312] {strides = array<i32>} : memref<4096xf32, #tpu.memory_space<vmem>>, vector<16xf32>,
    tpu.vector_store %arg7[%swap3A_312], %broadcast_in_dim3A_6 {strides = array<i32>} : memref<4096xf32, #tpu.memory_space<vmem>>, vector<16xf32>,
    %swap3A_314 = arith.constant 2464 : index
    %swap3A_315 = tpu.vector_load %arg7[%swap3A_314] {strides = array<i32>} : memref<4096xf32, #tpu.memory_space<vmem>>, vector<16xf32>,
    tpu.vector_store %arg7[%swap3A_314], %broadcast_in_dim3A_6 {strides = array<i32>} : memref<4096xf32, #tpu.memory_space<vmem>>, vector<16xf32>,
    %swap3A_316 = arith.constant 2480 : index
    %swap3A_317 = tpu.vector_load %arg7[%swap3A_316] {strides = array<i32>} : memref<4096xf32, #tpu.memory_space<vmem>>, vector<16xf32>,
    tpu.vector_store %arg7[%swap3A_316], %broadcast_in_dim3A_6 {strides = array<i32>} : memref<4096xf32, #tpu.memory_space<vmem>>, vector<16xf32>,
    %swap3A_318 = arith.constant 2496 : index
    %swap3A_319 = tpu.vector_load %arg7[%swap3A_318] {strides = array<i32>} : memref<4096xf32, #tpu.memory_space<vmem>>, vector<16xf32>,
    tpu.vector_store %arg7[%swap3A_318], %broadcast_in_dim3A_6 {strides = array<i32>} : memref<4096xf32, #tpu.memory_space<vmem>>, vector<16xf32>,
    %swap3A_320 = arith.constant 2512 : index
    %swap3A_321 = tpu.vector_load %arg7[%swap3A_320] {strides = array<i32>} : memref<4096xf32, #tpu.memory_space<vmem>>, vector<16xf32>,
    tpu.vector_store %arg7[%swap3A_320], %broadcast_in_dim3A_6 {strides = array<i32>} : memref<4096xf32, #tpu.memory_space<vmem>>, vector<16xf32>,
    %swap3A_322 = arith.constant 2528 : index
    %swap3A_323 = tpu.vector_load %arg7[%swap3A_322] {strides = array<i32>} : memref<4096xf32, #tpu.memory_space<vmem>>, vector<16xf32>,
    tpu.vector_store %arg7[%swap3A_322], %broadcast_in_dim3A_6 {strides = array<i32>} : memref<4096xf32, #tpu.memory_space<vmem>>, vector<16xf32>,
    %swap3A_324 = arith.constant 2544 : index
    %swap3A_325 = tpu.vector_load %arg7[%swap3A_324] {strides = array<i32>} : memref<4096xf32, #tpu.memory_space<vmem>>, vector<16xf32>,
    tpu.vector_store %arg7[%swap3A_324], %broadcast_in_dim3A_6 {strides = array<i32>} : memref<4096xf32, #tpu.memory_space<vmem>>, vector<16xf32>,
    %swap3A_326 = arith.constant 2560 : index
    %swap3A_327 = tpu.vector_load %arg7[%swap3A_326] {strides = array<i32>} : memref<4096xf32, #tpu.memory_space<vmem>>, vector<16xf32>,
    tpu.vector_store %arg7[%swap3A_326], %broadcast_in_dim3A_6 {strides = array<i32>} : memref<4096xf32, #tpu.memory_space<vmem>>, vector<16xf32>,
    %swap3A_328 = arith.constant 2576 : index
    %swap3A_329 = tpu.vector_load %arg7[%swap3A_328] {strides = array<i32>} : memref<4096xf32, #tpu.memory_space<vmem>>, vector<16xf32>,
    tpu.vector_store %arg7[%swap3A_328], %broadcast_in_dim3A_6 {strides = array<i32>} : memref<4096xf32, #tpu.memory_space<vmem>>, vector<16xf32>,
    %swap3A_330 = arith.constant 2592 : index
    %swap3A_331 = tpu.vector_load %arg7[%swap3A_330] {strides = array<i32>} : memref<4096xf32, #tpu.memory_space<vmem>>, vector<16xf32>,
    tpu.vector_store %arg7[%swap3A_330], %broadcast_in_dim3A_6 {strides = array<i32>} : memref<4096xf32, #tpu.memory_space<vmem>>, vector<16xf32>,
    %swap3A_332 = arith.constant 2608 : index
    %swap3A_333 = tpu.vector_load %arg7[%swap3A_332] {strides = array<i32>} : memref<4096xf32, #tpu.memory_space<vmem>>, vector<16xf32>,
    tpu.vector_store %arg7[%swap3A_332], %broadcast_in_dim3A_6 {strides = array<i32>} : memref<4096xf32, #tpu.memory_space<vmem>>, vector<16xf32>,
    %swap3A_334 = arith.constant 2624 : index
    %swap3A_335 = tpu.vector_load %arg7[%swap3A_334] {strides = array<i32>} : memref<4096xf32, #tpu.memory_space<vmem>>, vector<16xf32>,
    tpu.vector_store %arg7[%swap3A_334], %broadcast_in_dim3A_6 {strides = array<i32>} : memref<4096xf32, #tpu.memory_space<vmem>>, vector<16xf32>,
    %swap3A_336 = arith.constant 2640 : index
    %swap3A_337 = tpu.vector_load %arg7[%swap3A_336] {strides = array<i32>} : memref<4096xf32, #tpu.memory_space<vmem>>, vector<16xf32>,
    tpu.vector_store %arg7[%swap3A_336], %broadcast_in_dim3A_6 {strides = array<i32>} : memref<4096xf32, #tpu.memory_space<vmem>>, vector<16xf32>,
    %swap3A_338 = arith.constant 2656 : index
    %swap3A_339 = tpu.vector_load %arg7[%swap3A_338] {strides = array<i32>} : memref<4096xf32, #tpu.memory_space<vmem>>, vector<16xf32>,
    tpu.vector_store %arg7[%swap3A_338], %broadcast_in_dim3A_6 {strides = array<i32>} : memref<4096xf32, #tpu.memory_space<vmem>>, vector<16xf32>,
    %swap3A_340 = arith.constant 2672 : index
    %swap3A_341 = tpu.vector_load %arg7[%swap3A_340] {strides = array<i32>} : memref<4096xf32, #tpu.memory_space<vmem>>, vector<16xf32>,
    tpu.vector_store %arg7[%swap3A_340], %broadcast_in_dim3A_6 {strides = array<i32>} : memref<4096xf32, #tpu.memory_space<vmem>>, vector<16xf32>,
    %swap3A_342 = arith.constant 2688 : index
    %swap3A_343 = tpu.vector_load %arg7[%swap3A_342] {strides = array<i32>} : memref<4096xf32, #tpu.memory_space<vmem>>, vector<16xf32>,
    tpu.vector_store %arg7[%swap3A_342], %broadcast_in_dim3A_6 {strides = array<i32>} : memref<4096xf32, #tpu.memory_space<vmem>>, vector<16xf32>,
    %swap3A_344 = arith.constant 2704 : index
    %swap3A_345 = tpu.vector_load %arg7[%swap3A_344] {strides = array<i32>} : memref<4096xf32, #tpu.memory_space<vmem>>, vector<16xf32>,
    tpu.vector_store %arg7[%swap3A_344], %broadcast_in_dim3A_6 {strides = array<i32>} : memref<4096xf32, #tpu.memory_space<vmem>>, vector<16xf32>,
    %swap3A_346 = arith.constant 2720 : index
    %swap3A_347 = tpu.vector_load %arg7[%swap3A_346] {strides = array<i32>} : memref<4096xf32, #tpu.memory_space<vmem>>, vector<16xf32>,
    tpu.vector_store %arg7[%swap3A_346], %broadcast_in_dim3A_6 {strides = array<i32>} : memref<4096xf32, #tpu.memory_space<vmem>>, vector<16xf32>,
    %swap3A_348 = arith.constant 2736 : index
    %swap3A_349 = tpu.vector_load %arg7[%swap3A_348] {strides = array<i32>} : memref<4096xf32, #tpu.memory_space<vmem>>, vector<16xf32>,
    tpu.vector_store %arg7[%swap3A_348], %broadcast_in_dim3A_6 {strides = array<i32>} : memref<4096xf32, #tpu.memory_space<vmem>>, vector<16xf32>,
    %swap3A_350 = arith.constant 2752 : index
    %swap3A_351 = tpu.vector_load %arg7[%swap3A_350] {strides = array<i32>} : memref<4096xf32, #tpu.memory_space<vmem>>, vector<16xf32>,
    tpu.vector_store %arg7[%swap3A_350], %broadcast_in_dim3A_6 {strides = array<i32>} : memref<4096xf32, #tpu.memory_space<vmem>>, vector<16xf32>,
    %swap3A_352 = arith.constant 2768 : index
    %swap3A_353 = tpu.vector_load %arg7[%swap3A_352] {strides = array<i32>} : memref<4096xf32, #tpu.memory_space<vmem>>, vector<16xf32>,
    tpu.vector_store %arg7[%swap3A_352], %broadcast_in_dim3A_6 {strides = array<i32>} : memref<4096xf32, #tpu.memory_space<vmem>>, vector<16xf32>,
    %swap3A_354 = arith.constant 2784 : index
    %swap3A_355 = tpu.vector_load %arg7[%swap3A_354] {strides = array<i32>} : memref<4096xf32, #tpu.memory_space<vmem>>, vector<16xf32>,
    tpu.vector_store %arg7[%swap3A_354], %broadcast_in_dim3A_6 {strides = array<i32>} : memref<4096xf32, #tpu.memory_space<vmem>>, vector<16xf32>,
    %swap3A_356 = arith.constant 2800 : index
    %swap3A_357 = tpu.vector_load %arg7[%swap3A_356] {strides = array<i32>} : memref<4096xf32, #tpu.memory_space<vmem>>, vector<16xf32>,
    tpu.vector_store %arg7[%swap3A_356], %broadcast_in_dim3A_6 {strides = array<i32>} : memref<4096xf32, #tpu.memory_space<vmem>>, vector<16xf32>,
    %swap3A_358 = arith.constant 2816 : index
    %swap3A_359 = tpu.vector_load %arg7[%swap3A_358] {strides = array<i32>} : memref<4096xf32, #tpu.memory_space<vmem>>, vector<16xf32>,
    tpu.vector_store %arg7[%swap3A_358], %broadcast_in_dim3A_6 {strides = array<i32>} : memref<4096xf32, #tpu.memory_space<vmem>>, vector<16xf32>,
    %swap3A_360 = arith.constant 2832 : index
    %swap3A_361 = tpu.vector_load %arg7[%swap3A_360] {strides = array<i32>} : memref<4096xf32, #tpu.memory_space<vmem>>, vector<16xf32>,
    tpu.vector_store %arg7[%swap3A_360], %broadcast_in_dim3A_6 {strides = array<i32>} : memref<4096xf32, #tpu.memory_space<vmem>>, vector<16xf32>,
    %swap3A_362 = arith.constant 2848 : index
    %swap3A_363 = tpu.vector_load %arg7[%swap3A_362] {strides = array<i32>} : memref<4096xf32, #tpu.memory_space<vmem>>, vector<16xf32>,
    tpu.vector_store %arg7[%swap3A_362], %broadcast_in_dim3A_6 {strides = array<i32>} : memref<4096xf32, #tpu.memory_space<vmem>>, vector<16xf32>,
    %swap3A_364 = arith.constant 2864 : index
    %swap3A_365 = tpu.vector_load %arg7[%swap3A_364] {strides = array<i32>} : memref<4096xf32, #tpu.memory_space<vmem>>, vector<16xf32>,
    tpu.vector_store %arg7[%swap3A_364], %broadcast_in_dim3A_6 {strides = array<i32>} : memref<4096xf32, #tpu.memory_space<vmem>>, vector<16xf32>,
    %swap3A_366 = arith.constant 2880 : index
    %swap3A_367 = tpu.vector_load %arg7[%swap3A_366] {strides = array<i32>} : memref<4096xf32, #tpu.memory_space<vmem>>, vector<16xf32>,
    tpu.vector_store %arg7[%swap3A_366], %broadcast_in_dim3A_6 {strides = array<i32>} : memref<4096xf32, #tpu.memory_space<vmem>>, vector<16xf32>,
    %swap3A_368 = arith.constant 2896 : index
    %swap3A_369 = tpu.vector_load %arg7[%swap3A_368] {strides = array<i32>} : memref<4096xf32, #tpu.memory_space<vmem>>, vector<16xf32>,
    tpu.vector_store %arg7[%swap3A_368], %broadcast_in_dim3A_6 {strides = array<i32>} : memref<4096xf32, #tpu.memory_space<vmem>>, vector<16xf32>,
    %swap3A_370 = arith.constant 2912 : index
    %swap3A_371 = tpu.vector_load %arg7[%swap3A_370] {strides = array<i32>} : memref<4096xf32, #tpu.memory_space<vmem>>, vector<16xf32>,
    tpu.vector_store %arg7[%swap3A_370], %broadcast_in_dim3A_6 {strides = array<i32>} : memref<4096xf32, #tpu.memory_space<vmem>>, vector<16xf32>,
    %swap3A_372 = arith.constant 2928 : index
    %swap3A_373 = tpu.vector_load %arg7[%swap3A_372] {strides = array<i32>} : memref<4096xf32, #tpu.memory_space<vmem>>, vector<16xf32>,
    tpu.vector_store %arg7[%swap3A_372], %broadcast_in_dim3A_6 {strides = array<i32>} : memref<4096xf32, #tpu.memory_space<vmem>>, vector<16xf32>,
    %swap3A_374 = arith.constant 2944 : index
    %swap3A_375 = tpu.vector_load %arg7[%swap3A_374] {strides = array<i32>} : memref<4096xf32, #tpu.memory_space<vmem>>, vector<16xf32>,
    tpu.vector_store %arg7[%swap3A_374], %broadcast_in_dim3A_6 {strides = array<i32>} : memref<4096xf32, #tpu.memory_space<vmem>>, vector<16xf32>,
    %swap3A_376 = arith.constant 2960 : index
    %swap3A_377 = tpu.vector_load %arg7[%swap3A_376] {strides = array<i32>} : memref<4096xf32, #tpu.memory_space<vmem>>, vector<16xf32>,
    tpu.vector_store %arg7[%swap3A_376], %broadcast_in_dim3A_6 {strides = array<i32>} : memref<4096xf32, #tpu.memory_space<vmem>>, vector<16xf32>,
    %swap3A_378 = arith.constant 2976 : index
    %swap3A_379 = tpu.vector_load %arg7[%swap3A_378] {strides = array<i32>} : memref<4096xf32, #tpu.memory_space<vmem>>, vector<16xf32>,
    tpu.vector_store %arg7[%swap3A_378], %broadcast_in_dim3A_6 {strides = array<i32>} : memref<4096xf32, #tpu.memory_space<vmem>>, vector<16xf32>,
    %swap3A_380 = arith.constant 2992 : index
    %swap3A_381 = tpu.vector_load %arg7[%swap3A_380] {strides = array<i32>} : memref<4096xf32, #tpu.memory_space<vmem>>, vector<16xf32>,
    tpu.vector_store %arg7[%swap3A_380], %broadcast_in_dim3A_6 {strides = array<i32>} : memref<4096xf32, #tpu.memory_space<vmem>>, vector<16xf32>,
    %swap3A_382 = arith.constant 3008 : index
    %swap3A_383 = tpu.vector_load %arg7[%swap3A_382] {strides = array<i32>} : memref<4096xf32, #tpu.memory_space<vmem>>, vector<16xf32>,
    tpu.vector_store %arg7[%swap3A_382], %broadcast_in_dim3A_6 {strides = array<i32>} : memref<4096xf32, #tpu.memory_space<vmem>>, vector<16xf32>,
    %swap3A_384 = arith.constant 3024 : index
    %swap3A_385 = tpu.vector_load %arg7[%swap3A_384] {strides = array<i32>} : memref<4096xf32, #tpu.memory_space<vmem>>, vector<16xf32>,
    tpu.vector_store %arg7[%swap3A_384], %broadcast_in_dim3A_6 {strides = array<i32>} : memref<4096xf32, #tpu.memory_space<vmem>>, vector<16xf32>,
    %swap3A_386 = arith.constant 3040 : index
    %swap3A_387 = tpu.vector_load %arg7[%swap3A_386] {strides = array<i32>} : memref<4096xf32, #tpu.memory_space<vmem>>, vector<16xf32>,
    tpu.vector_store %arg7[%swap3A_386], %broadcast_in_dim3A_6 {strides = array<i32>} : memref<4096xf32, #tpu.memory_space<vmem>>, vector<16xf32>,
    %swap3A_388 = arith.constant 3056 : index
    %swap3A_389 = tpu.vector_load %arg7[%swap3A_388] {strides = array<i32>} : memref<4096xf32, #tpu.memory_space<vmem>>, vector<16xf32>,
    tpu.vector_store %arg7[%swap3A_388], %broadcast_in_dim3A_6 {strides = array<i32>} : memref<4096xf32, #tpu.memory_space<vmem>>, vector<16xf32>,
    %swap3A_390 = arith.constant 3072 : index
    %swap3A_391 = tpu.vector_load %arg7[%swap3A_390] {strides = array<i32>} : memref<4096xf32, #tpu.memory_space<vmem>>, vector<16xf32>,
    tpu.vector_store %arg7[%swap3A_390], %broadcast_in_dim3A_6 {strides = array<i32>} : memref<4096xf32, #tpu.memory_space<vmem>>, vector<16xf32>,
    %swap3A_392 = arith.constant 3088 : index
    %swap3A_393 = tpu.vector_load %arg7[%swap3A_392] {strides = array<i32>} : memref<4096xf32, #tpu.memory_space<vmem>>, vector<16xf32>,
    tpu.vector_store %arg7[%swap3A_392], %broadcast_in_dim3A_6 {strides = array<i32>} : memref<4096xf32, #tpu.memory_space<vmem>>, vector<16xf32>,
    %swap3A_394 = arith.constant 3104 : index
    %swap3A_395 = tpu.vector_load %arg7[%swap3A_394] {strides = array<i32>} : memref<4096xf32, #tpu.memory_space<vmem>>, vector<16xf32>,
    tpu.vector_store %arg7[%swap3A_394], %broadcast_in_dim3A_6 {strides = array<i32>} : memref<4096xf32, #tpu.memory_space<vmem>>, vector<16xf32>,
    %swap3A_396 = arith.constant 3120 : index
    %swap3A_397 = tpu.vector_load %arg7[%swap3A_396] {strides = array<i32>} : memref<4096xf32, #tpu.memory_space<vmem>>, vector<16xf32>,
    tpu.vector_store %arg7[%swap3A_396], %broadcast_in_dim3A_6 {strides = array<i32>} : memref<4096xf32, #tpu.memory_space<vmem>>, vector<16xf32>,
    %swap3A_398 = arith.constant 3136 : index
    %swap3A_399 = tpu.vector_load %arg7[%swap3A_398] {strides = array<i32>} : memref<4096xf32, #tpu.memory_space<vmem>>, vector<16xf32>,
    tpu.vector_store %arg7[%swap3A_398], %broadcast_in_dim3A_6 {strides = array<i32>} : memref<4096xf32, #tpu.memory_space<vmem>>, vector<16xf32>,
    %swap3A_400 = arith.constant 3152 : index
    %swap3A_401 = tpu.vector_load %arg7[%swap3A_400] {strides = array<i32>} : memref<4096xf32, #tpu.memory_space<vmem>>, vector<16xf32>,
    tpu.vector_store %arg7[%swap3A_400], %broadcast_in_dim3A_6 {strides = array<i32>} : memref<4096xf32, #tpu.memory_space<vmem>>, vector<16xf32>,
    %swap3A_402 = arith.constant 3168 : index
    %swap3A_403 = tpu.vector_load %arg7[%swap3A_402] {strides = array<i32>} : memref<4096xf32, #tpu.memory_space<vmem>>, vector<16xf32>,
    tpu.vector_store %arg7[%swap3A_402], %broadcast_in_dim3A_6 {strides = array<i32>} : memref<4096xf32, #tpu.memory_space<vmem>>, vector<16xf32>,
    %swap3A_404 = arith.constant 3184 : index
    %swap3A_405 = tpu.vector_load %arg7[%swap3A_404] {strides = array<i32>} : memref<4096xf32, #tpu.memory_space<vmem>>, vector<16xf32>,
    tpu.vector_store %arg7[%swap3A_404], %broadcast_in_dim3A_6 {strides = array<i32>} : memref<4096xf32, #tpu.memory_space<vmem>>, vector<16xf32>,
    %swap3A_406 = arith.constant 3200 : index
    %swap3A_407 = tpu.vector_load %arg7[%swap3A_406] {strides = array<i32>} : memref<4096xf32, #tpu.memory_space<vmem>>, vector<16xf32>,
    tpu.vector_store %arg7[%swap3A_406], %broadcast_in_dim3A_6 {strides = array<i32>} : memref<4096xf32, #tpu.memory_space<vmem>>, vector<16xf32>,
    %swap3A_408 = arith.constant 3216 : index
    %swap3A_409 = tpu.vector_load %arg7[%swap3A_408] {strides = array<i32>} : memref<4096xf32, #tpu.memory_space<vmem>>, vector<16xf32>,
    tpu.vector_store %arg7[%swap3A_408], %broadcast_in_dim3A_6 {strides = array<i32>} : memref<4096xf32, #tpu.memory_space<vmem>>, vector<16xf32>,
    %swap3A_410 = arith.constant 3232 : index
    %swap3A_411 = tpu.vector_load %arg7[%swap3A_410] {strides = array<i32>} : memref<4096xf32, #tpu.memory_space<vmem>>, vector<16xf32>,
    tpu.vector_store %arg7[%swap3A_410], %broadcast_in_dim3A_6 {strides = array<i32>} : memref<4096xf32, #tpu.memory_space<vmem>>, vector<16xf32>,
    %swap3A_412 = arith.constant 3248 : index
    %swap3A_413 = tpu.vector_load %arg7[%swap3A_412] {strides = array<i32>} : memref<4096xf32, #tpu.memory_space<vmem>>, vector<16xf32>,
    tpu.vector_store %arg7[%swap3A_412], %broadcast_in_dim3A_6 {strides = array<i32>} : memref<4096xf32, #tpu.memory_space<vmem>>, vector<16xf32>,
    %swap3A_414 = arith.constant 3264 : index
    %swap3A_415 = tpu.vector_load %arg7[%swap3A_414] {strides = array<i32>} : memref<4096xf32, #tpu.memory_space<vmem>>, vector<16xf32>,
    tpu.vector_store %arg7[%swap3A_414], %broadcast_in_dim3A_6 {strides = array<i32>} : memref<4096xf32, #tpu.memory_space<vmem>>, vector<16xf32>,
    %swap3A_416 = arith.constant 3280 : index
    %swap3A_417 = tpu.vector_load %arg7[%swap3A_416] {strides = array<i32>} : memref<4096xf32, #tpu.memory_space<vmem>>, vector<16xf32>,
    tpu.vector_store %arg7[%swap3A_416], %broadcast_in_dim3A_6 {strides = array<i32>} : memref<4096xf32, #tpu.memory_space<vmem>>, vector<16xf32>,
    %swap3A_418 = arith.constant 3296 : index
    %swap3A_419 = tpu.vector_load %arg7[%swap3A_418] {strides = array<i32>} : memref<4096xf32, #tpu.memory_space<vmem>>, vector<16xf32>,
    tpu.vector_store %arg7[%swap3A_418], %broadcast_in_dim3A_6 {strides = array<i32>} : memref<4096xf32, #tpu.memory_space<vmem>>, vector<16xf32>,
    %swap3A_420 = arith.constant 3312 : index
    %swap3A_421 = tpu.vector_load %arg7[%swap3A_420] {strides = array<i32>} : memref<4096xf32, #tpu.memory_space<vmem>>, vector<16xf32>,
    tpu.vector_store %arg7[%swap3A_420], %broadcast_in_dim3A_6 {strides = array<i32>} : memref<4096xf32, #tpu.memory_space<vmem>>, vector<16xf32>,
    %swap3A_422 = arith.constant 3328 : index
    %swap3A_423 = tpu.vector_load %arg7[%swap3A_422] {strides = array<i32>} : memref<4096xf32, #tpu.memory_space<vmem>>, vector<16xf32>,
    tpu.vector_store %arg7[%swap3A_422], %broadcast_in_dim3A_6 {strides = array<i32>} : memref<4096xf32, #tpu.memory_space<vmem>>, vector<16xf32>,
    %swap3A_424 = arith.constant 3344 : index
    %swap3A_425 = tpu.vector_load %arg7[%swap3A_424] {strides = array<i32>} : memref<4096xf32, #tpu.memory_space<vmem>>, vector<16xf32>,
    tpu.vector_store %arg7[%swap3A_424], %broadcast_in_dim3A_6 {strides = array<i32>} : memref<4096xf32, #tpu.memory_space<vmem>>, vector<16xf32>,
    %swap3A_426 = arith.constant 3360 : index
    %swap3A_427 = tpu.vector_load %arg7[%swap3A_426] {strides = array<i32>} : memref<4096xf32, #tpu.memory_space<vmem>>, vector<16xf32>,
    tpu.vector_store %arg7[%swap3A_426], %broadcast_in_dim3A_6 {strides = array<i32>} : memref<4096xf32, #tpu.memory_space<vmem>>, vector<16xf32>,
    %swap3A_428 = arith.constant 3376 : index
    %swap3A_429 = tpu.vector_load %arg7[%swap3A_428] {strides = array<i32>} : memref<4096xf32, #tpu.memory_space<vmem>>, vector<16xf32>,
    tpu.vector_store %arg7[%swap3A_428], %broadcast_in_dim3A_6 {strides = array<i32>} : memref<4096xf32, #tpu.memory_space<vmem>>, vector<16xf32>,
    %swap3A_430 = arith.constant 3392 : index
    %swap3A_431 = tpu.vector_load %arg7[%swap3A_430] {strides = array<i32>} : memref<4096xf32, #tpu.memory_space<vmem>>, vector<16xf32>,
    tpu.vector_store %arg7[%swap3A_430], %broadcast_in_dim3A_6 {strides = array<i32>} : memref<4096xf32, #tpu.memory_space<vmem>>, vector<16xf32>,
    %swap3A_432 = arith.constant 3408 : index
    %swap3A_433 = tpu.vector_load %arg7[%swap3A_432] {strides = array<i32>} : memref<4096xf32, #tpu.memory_space<vmem>>, vector<16xf32>,
    tpu.vector_store %arg7[%swap3A_432], %broadcast_in_dim3A_6 {strides = array<i32>} : memref<4096xf32, #tpu.memory_space<vmem>>, vector<16xf32>,
    %swap3A_434 = arith.constant 3424 : index
    %swap3A_435 = tpu.vector_load %arg7[%swap3A_434] {strides = array<i32>} : memref<4096xf32, #tpu.memory_space<vmem>>, vector<16xf32>,
    tpu.vector_store %arg7[%swap3A_434], %broadcast_in_dim3A_6 {strides = array<i32>} : memref<4096xf32, #tpu.memory_space<vmem>>, vector<16xf32>,
    %swap3A_436 = arith.constant 3440 : index
    %swap3A_437 = tpu.vector_load %arg7[%swap3A_436] {strides = array<i32>} : memref<4096xf32, #tpu.memory_space<vmem>>, vector<16xf32>,
    tpu.vector_store %arg7[%swap3A_436], %broadcast_in_dim3A_6 {strides = array<i32>} : memref<4096xf32, #tpu.memory_space<vmem>>, vector<16xf32>,
    %swap3A_438 = arith.constant 3456 : index
    %swap3A_439 = tpu.vector_load %arg7[%swap3A_438] {strides = array<i32>} : memref<4096xf32, #tpu.memory_space<vmem>>, vector<16xf32>,
    tpu.vector_store %arg7[%swap3A_438], %broadcast_in_dim3A_6 {strides = array<i32>} : memref<4096xf32, #tpu.memory_space<vmem>>, vector<16xf32>,
    %swap3A_440 = arith.constant 3472 : index
    %swap3A_441 = tpu.vector_load %arg7[%swap3A_440] {strides = array<i32>} : memref<4096xf32, #tpu.memory_space<vmem>>, vector<16xf32>,
    tpu.vector_store %arg7[%swap3A_440], %broadcast_in_dim3A_6 {strides = array<i32>} : memref<4096xf32, #tpu.memory_space<vmem>>, vector<16xf32>,
    %swap3A_442 = arith.constant 3488 : index
    %swap3A_443 = tpu.vector_load %arg7[%swap3A_442] {strides = array<i32>} : memref<4096xf32, #tpu.memory_space<vmem>>, vector<16xf32>,
    tpu.vector_store %arg7[%swap3A_442], %broadcast_in_dim3A_6 {strides = array<i32>} : memref<4096xf32, #tpu.memory_space<vmem>>, vector<16xf32>,
    %swap3A_444 = arith.constant 3504 : index
    %swap3A_445 = tpu.vector_load %arg7[%swap3A_444] {strides = array<i32>} : memref<4096xf32, #tpu.memory_space<vmem>>, vector<16xf32>,
    tpu.vector_store %arg7[%swap3A_444], %broadcast_in_dim3A_6 {strides = array<i32>} : memref<4096xf32, #tpu.memory_space<vmem>>, vector<16xf32>,
    %swap3A_446 = arith.constant 3520 : index
    %swap3A_447 = tpu.vector_load %arg7[%swap3A_446] {strides = array<i32>} : memref<4096xf32, #tpu.memory_space<vmem>>, vector<16xf32>,
    tpu.vector_store %arg7[%swap3A_446], %broadcast_in_dim3A_6 {strides = array<i32>} : memref<4096xf32, #tpu.memory_space<vmem>>, vector<16xf32>,
    %swap3A_448 = arith.constant 3536 : index
    %swap3A_449 = tpu.vector_load %arg7[%swap3A_448] {strides = array<i32>} : memref<4096xf32, #tpu.memory_space<vmem>>, vector<16xf32>,
    tpu.vector_store %arg7[%swap3A_448], %broadcast_in_dim3A_6 {strides = array<i32>} : memref<4096xf32, #tpu.memory_space<vmem>>, vector<16xf32>,
    %swap3A_450 = arith.constant 3552 : index
    %swap3A_451 = tpu.vector_load %arg7[%swap3A_450] {strides = array<i32>} : memref<4096xf32, #tpu.memory_space<vmem>>, vector<16xf32>,
    tpu.vector_store %arg7[%swap3A_450], %broadcast_in_dim3A_6 {strides = array<i32>} : memref<4096xf32, #tpu.memory_space<vmem>>, vector<16xf32>,
    %swap3A_452 = arith.constant 3568 : index
    %swap3A_453 = tpu.vector_load %arg7[%swap3A_452] {strides = array<i32>} : memref<4096xf32, #tpu.memory_space<vmem>>, vector<16xf32>,
    tpu.vector_store %arg7[%swap3A_452], %broadcast_in_dim3A_6 {strides = array<i32>} : memref<4096xf32, #tpu.memory_space<vmem>>, vector<16xf32>,
    %swap3A_454 = arith.constant 3584 : index
    %swap3A_455 = tpu.vector_load %arg7[%swap3A_454] {strides = array<i32>} : memref<4096xf32, #tpu.memory_space<vmem>>, vector<16xf32>,
    tpu.vector_store %arg7[%swap3A_454], %broadcast_in_dim3A_6 {strides = array<i32>} : memref<4096xf32, #tpu.memory_space<vmem>>, vector<16xf32>,
    %swap3A_456 = arith.constant 3600 : index
    %swap3A_457 = tpu.vector_load %arg7[%swap3A_456] {strides = array<i32>} : memref<4096xf32, #tpu.memory_space<vmem>>, vector<16xf32>,
    tpu.vector_store %arg7[%swap3A_456], %broadcast_in_dim3A_6 {strides = array<i32>} : memref<4096xf32, #tpu.memory_space<vmem>>, vector<16xf32>,
    %swap3A_458 = arith.constant 3616 : index
    %swap3A_459 = tpu.vector_load %arg7[%swap3A_458] {strides = array<i32>} : memref<4096xf32, #tpu.memory_space<vmem>>, vector<16xf32>,
    tpu.vector_store %arg7[%swap3A_458], %broadcast_in_dim3A_6 {strides = array<i32>} : memref<4096xf32, #tpu.memory_space<vmem>>, vector<16xf32>,
    %swap3A_460 = arith.constant 3632 : index
    %swap3A_461 = tpu.vector_load %arg7[%swap3A_460] {strides = array<i32>} : memref<4096xf32, #tpu.memory_space<vmem>>, vector<16xf32>,
    tpu.vector_store %arg7[%swap3A_460], %broadcast_in_dim3A_6 {strides = array<i32>} : memref<4096xf32, #tpu.memory_space<vmem>>, vector<16xf32>,
    %swap3A_462 = arith.constant 3648 : index
    %swap3A_463 = tpu.vector_load %arg7[%swap3A_462] {strides = array<i32>} : memref<4096xf32, #tpu.memory_space<vmem>>, vector<16xf32>,
    tpu.vector_store %arg7[%swap3A_462], %broadcast_in_dim3A_6 {strides = array<i32>} : memref<4096xf32, #tpu.memory_space<vmem>>, vector<16xf32>,
    %swap3A_464 = arith.constant 3664 : index
    %swap3A_465 = tpu.vector_load %arg7[%swap3A_464] {strides = array<i32>} : memref<4096xf32, #tpu.memory_space<vmem>>, vector<16xf32>,
    tpu.vector_store %arg7[%swap3A_464], %broadcast_in_dim3A_6 {strides = array<i32>} : memref<4096xf32, #tpu.memory_space<vmem>>, vector<16xf32>,
    %swap3A_466 = arith.constant 3680 : index
    %swap3A_467 = tpu.vector_load %arg7[%swap3A_466] {strides = array<i32>} : memref<4096xf32, #tpu.memory_space<vmem>>, vector<16xf32>,
    tpu.vector_store %arg7[%swap3A_466], %broadcast_in_dim3A_6 {strides = array<i32>} : memref<4096xf32, #tpu.memory_space<vmem>>, vector<16xf32>,
    %swap3A_468 = arith.constant 3696 : index
    %swap3A_469 = tpu.vector_load %arg7[%swap3A_468] {strides = array<i32>} : memref<4096xf32, #tpu.memory_space<vmem>>, vector<16xf32>,
    tpu.vector_store %arg7[%swap3A_468], %broadcast_in_dim3A_6 {strides = array<i32>} : memref<4096xf32, #tpu.memory_space<vmem>>, vector<16xf32>,
    %swap3A_470 = arith.constant 3712 : index
    %swap3A_471 = tpu.vector_load %arg7[%swap3A_470] {strides = array<i32>} : memref<4096xf32, #tpu.memory_space<vmem>>, vector<16xf32>,
    tpu.vector_store %arg7[%swap3A_470], %broadcast_in_dim3A_6 {strides = array<i32>} : memref<4096xf32, #tpu.memory_space<vmem>>, vector<16xf32>,
    %swap3A_472 = arith.constant 3728 : index
    %swap3A_473 = tpu.vector_load %arg7[%swap3A_472] {strides = array<i32>} : memref<4096xf32, #tpu.memory_space<vmem>>, vector<16xf32>,
    tpu.vector_store %arg7[%swap3A_472], %broadcast_in_dim3A_6 {strides = array<i32>} : memref<4096xf32, #tpu.memory_space<vmem>>, vector<16xf32>,
    %swap3A_474 = arith.constant 3744 : index
    %swap3A_475 = tpu.vector_load %arg7[%swap3A_474] {strides = array<i32>} : memref<4096xf32, #tpu.memory_space<vmem>>, vector<16xf32>,
    tpu.vector_store %arg7[%swap3A_474], %broadcast_in_dim3A_6 {strides = array<i32>} : memref<4096xf32, #tpu.memory_space<vmem>>, vector<16xf32>,
    %swap3A_476 = arith.constant 3760 : index
    %swap3A_477 = tpu.vector_load %arg7[%swap3A_476] {strides = array<i32>} : memref<4096xf32, #tpu.memory_space<vmem>>, vector<16xf32>,
    tpu.vector_store %arg7[%swap3A_476], %broadcast_in_dim3A_6 {strides = array<i32>} : memref<4096xf32, #tpu.memory_space<vmem>>, vector<16xf32>,
    %swap3A_478 = arith.constant 3776 : index
    %swap3A_479 = tpu.vector_load %arg7[%swap3A_478] {strides = array<i32>} : memref<4096xf32, #tpu.memory_space<vmem>>, vector<16xf32>,
    tpu.vector_store %arg7[%swap3A_478], %broadcast_in_dim3A_6 {strides = array<i32>} : memref<4096xf32, #tpu.memory_space<vmem>>, vector<16xf32>,
    %swap3A_480 = arith.constant 3792 : index
    %swap3A_481 = tpu.vector_load %arg7[%swap3A_480] {strides = array<i32>} : memref<4096xf32, #tpu.memory_space<vmem>>, vector<16xf32>,
    tpu.vector_store %arg7[%swap3A_480], %broadcast_in_dim3A_6 {strides = array<i32>} : memref<4096xf32, #tpu.memory_space<vmem>>, vector<16xf32>,
    %swap3A_482 = arith.constant 3808 : index
    %swap3A_483 = tpu.vector_load %arg7[%swap3A_482] {strides = array<i32>} : memref<4096xf32, #tpu.memory_space<vmem>>, vector<16xf32>,
    tpu.vector_store %arg7[%swap3A_482], %broadcast_in_dim3A_6 {strides = array<i32>} : memref<4096xf32, #tpu.memory_space<vmem>>, vector<16xf32>,
    %swap3A_484 = arith.constant 3824 : index
    %swap3A_485 = tpu.vector_load %arg7[%swap3A_484] {strides = array<i32>} : memref<4096xf32, #tpu.memory_space<vmem>>, vector<16xf32>,
    tpu.vector_store %arg7[%swap3A_484], %broadcast_in_dim3A_6 {strides = array<i32>} : memref<4096xf32, #tpu.memory_space<vmem>>, vector<16xf32>,
    %swap3A_486 = arith.constant 3840 : index
    %swap3A_487 = tpu.vector_load %arg7[%swap3A_486] {strides = array<i32>} : memref<4096xf32, #tpu.memory_space<vmem>>, vector<16xf32>,
    tpu.vector_store %arg7[%swap3A_486], %broadcast_in_dim3A_6 {strides = array<i32>} : memref<4096xf32, #tpu.memory_space<vmem>>, vector<16xf32>,
    %swap3A_488 = arith.constant 3856 : index
    %swap3A_489 = tpu.vector_load %arg7[%swap3A_488] {strides = array<i32>} : memref<4096xf32, #tpu.memory_space<vmem>>, vector<16xf32>,
    tpu.vector_store %arg7[%swap3A_488], %broadcast_in_dim3A_6 {strides = array<i32>} : memref<4096xf32, #tpu.memory_space<vmem>>, vector<16xf32>,
    %swap3A_490 = arith.constant 3872 : index
    %swap3A_491 = tpu.vector_load %arg7[%swap3A_490] {strides = array<i32>} : memref<4096xf32, #tpu.memory_space<vmem>>, vector<16xf32>,
    tpu.vector_store %arg7[%swap3A_490], %broadcast_in_dim3A_6 {strides = array<i32>} : memref<4096xf32, #tpu.memory_space<vmem>>, vector<16xf32>,
    %swap3A_492 = arith.constant 3888 : index
    %swap3A_493 = tpu.vector_load %arg7[%swap3A_492] {strides = array<i32>} : memref<4096xf32, #tpu.memory_space<vmem>>, vector<16xf32>,
    tpu.vector_store %arg7[%swap3A_492], %broadcast_in_dim3A_6 {strides = array<i32>} : memref<4096xf32, #tpu.memory_space<vmem>>, vector<16xf32>,
    %swap3A_494 = arith.constant 3904 : index
    %swap3A_495 = tpu.vector_load %arg7[%swap3A_494] {strides = array<i32>} : memref<4096xf32, #tpu.memory_space<vmem>>, vector<16xf32>,
    tpu.vector_store %arg7[%swap3A_494], %broadcast_in_dim3A_6 {strides = array<i32>} : memref<4096xf32, #tpu.memory_space<vmem>>, vector<16xf32>,
    %swap3A_496 = arith.constant 3920 : index
    %swap3A_497 = tpu.vector_load %arg7[%swap3A_496] {strides = array<i32>} : memref<4096xf32, #tpu.memory_space<vmem>>, vector<16xf32>,
    tpu.vector_store %arg7[%swap3A_496], %broadcast_in_dim3A_6 {strides = array<i32>} : memref<4096xf32, #tpu.memory_space<vmem>>, vector<16xf32>,
    %swap3A_498 = arith.constant 3936 : index
    %swap3A_499 = tpu.vector_load %arg7[%swap3A_498] {strides = array<i32>} : memref<4096xf32, #tpu.memory_space<vmem>>, vector<16xf32>,
    tpu.vector_store %arg7[%swap3A_498], %broadcast_in_dim3A_6 {strides = array<i32>} : memref<4096xf32, #tpu.memory_space<vmem>>, vector<16xf32>,
    %swap3A_500 = arith.constant 3952 : index
    %swap3A_501 = tpu.vector_load %arg7[%swap3A_500] {strides = array<i32>} : memref<4096xf32, #tpu.memory_space<vmem>>, vector<16xf32>,
    tpu.vector_store %arg7[%swap3A_500], %broadcast_in_dim3A_6 {strides = array<i32>} : memref<4096xf32, #tpu.memory_space<vmem>>, vector<16xf32>,
    %swap3A_502 = arith.constant 3968 : index
    %swap3A_503 = tpu.vector_load %arg7[%swap3A_502] {strides = array<i32>} : memref<4096xf32, #tpu.memory_space<vmem>>, vector<16xf32>,
    tpu.vector_store %arg7[%swap3A_502], %broadcast_in_dim3A_6 {strides = array<i32>} : memref<4096xf32, #tpu.memory_space<vmem>>, vector<16xf32>,
    %swap3A_504 = arith.constant 3984 : index
    %swap3A_505 = tpu.vector_load %arg7[%swap3A_504] {strides = array<i32>} : memref<4096xf32, #tpu.memory_space<vmem>>, vector<16xf32>,
    tpu.vector_store %arg7[%swap3A_504], %broadcast_in_dim3A_6 {strides = array<i32>} : memref<4096xf32, #tpu.memory_space<vmem>>, vector<16xf32>,
    %swap3A_506 = arith.constant 4000 : index
    %swap3A_507 = tpu.vector_load %arg7[%swap3A_506] {strides = array<i32>} : memref<4096xf32, #tpu.memory_space<vmem>>, vector<16xf32>,
    tpu.vector_store %arg7[%swap3A_506], %broadcast_in_dim3A_6 {strides = array<i32>} : memref<4096xf32, #tpu.memory_space<vmem>>, vector<16xf32>,
    %swap3A_508 = arith.constant 4016 : index
    %swap3A_509 = tpu.vector_load %arg7[%swap3A_508] {strides = array<i32>} : memref<4096xf32, #tpu.memory_space<vmem>>, vector<16xf32>,
    tpu.vector_store %arg7[%swap3A_508], %broadcast_in_dim3A_6 {strides = array<i32>} : memref<4096xf32, #tpu.memory_space<vmem>>, vector<16xf32>,
    %swap3A_510 = arith.constant 4032 : index
    %swap3A_511 = tpu.vector_load %arg7[%swap3A_510] {strides = array<i32>} : memref<4096xf32, #tpu.memory_space<vmem>>, vector<16xf32>,
    tpu.vector_store %arg7[%swap3A_510], %broadcast_in_dim3A_6 {strides = array<i32>} : memref<4096xf32, #tpu.memory_space<vmem>>, vector<16xf32>,
    %swap3A_512 = arith.constant 4048 : index
    %swap3A_513 = tpu.vector_load %arg7[%swap3A_512] {strides = array<i32>} : memref<4096xf32, #tpu.memory_space<vmem>>, vector<16xf32>,
    tpu.vector_store %arg7[%swap3A_512], %broadcast_in_dim3A_6 {strides = array<i32>} : memref<4096xf32, #tpu.memory_space<vmem>>, vector<16xf32>,
    %swap3A_514 = arith.constant 4064 : index
    %swap3A_515 = tpu.vector_load %arg7[%swap3A_514] {strides = array<i32>} : memref<4096xf32, #tpu.memory_space<vmem>>, vector<16xf32>,
    tpu.vector_store %arg7[%swap3A_514], %broadcast_in_dim3A_6 {strides = array<i32>} : memref<4096xf32, #tpu.memory_space<vmem>>, vector<16xf32>,
    %swap3A_516 = arith.constant 4080 : index
    %swap3A_517 = tpu.vector_load %arg7[%swap3A_516] {strides = array<i32>} : memref<4096xf32, #tpu.memory_space<vmem>>, vector<16xf32>,
    tpu.vector_store %arg7[%swap3A_516], %broadcast_in_dim3A_6 {strides = array<i32>} : memref<4096xf32, #tpu.memory_space<vmem>>, vector<16xf32>,
    %iota3A = tpu.iota {dimensions = array<i32: 0>} : vector<16xi32>
    %mul3A_518 = arith.constant 256 : i32
    %mul3A_519 = vector.broadcast %mul3A_518 : i32 to vector<16xi32>
    %mul3A_520 = arith.muli %iota3A, %mul3A_519 : vector<16xi32>
    %broadcast_in_dim3A_521 = arith.constant 1.000000e+00 : f32
    %broadcast_in_dim3A_522 = vector.broadcast %broadcast_in_dim3A_521 : f32 to vector<16xf32>
    %dma_wait3A = tpu.memref_slice %arg2[%mul3A_2] : memref<1048576xf32, #tpu.memory_space<hbm>> -> memref<32768xf32, #tpu.memory_space<hbm>>
    %dma_wait3A_523 = tpu.memref_slice %arg2[%mul3A_2] : memref<1048576xf32, #tpu.memory_space<hbm>> -> memref<32768xf32, #tpu.memory_space<hbm>>
    tpu.wait_dma2 semaphore(%arg9 : memref<!tpu.dma_semaphore, #tpu.memory_space<semaphore_mem>>) src(%dma_wait3A_523 : memref<32768xf32, #tpu.memory_space<hbm>>) dst(%arg5 : memref<32768xf32, #tpu.memory_space<vmem>>)
    %dma_wait3A_524 = tpu.memref_slice %arg3[%mul3A_2] : memref<1048576xi32, #tpu.memory_space<hbm>> -> memref<32768xi32, #tpu.memory_space<hbm>>
    %dma_wait3A_525 = tpu.memref_slice %arg3[%mul3A_2] : memref<1048576xi32, #tpu.memory_space<hbm>> -> memref<32768xi32, #tpu.memory_space<hbm>>
    tpu.wait_dma2 semaphore(%arg10 : memref<!tpu.dma_semaphore, #tpu.memory_space<semaphore_mem>>) src(%dma_wait3A_525 : memref<32768xi32, #tpu.memory_space<hbm>>) dst(%arg6 : memref<32768xi32, #tpu.memory_space<vmem>>)
    %scan3A = arith.constant 0 : i32
    %scan3A_526 = arith.constant 0 : i32
    %scan3A_527 = arith.constant 32 : i32
    %scan3A_528 = arith.addi %scan3A_526, %scan3A_527 : i32
    %scan3A_529 = arith.constant 1 : i32
    scf.for %scan3A_1314 = %scan3A_526 to %scan3A_528 step %scan3A_529  : i32 {
      %mul3A_1315 = arith.constant 16 : i32
      %mul3A_1316 = arith.muli %scan3A_1314, %mul3A_1315 : i32
      %get3A_1317 = arith.index_cast %mul3A_1316 : i32 to index
      %get3A_1318 = tpu.vector_load %arg5[%get3A_1317] {strides = array<i32>} : memref<32768xf32, #tpu.memory_space<vmem>>, vector<16xf32>,
      %get3A_1319 = arith.index_cast %mul3A_1316 : i32 to index
      %get3A_1320 = tpu.vector_load %arg6[%get3A_1319] {strides = array<i32>} : memref<32768xi32, #tpu.memory_space<vmem>>, vector<16xi32>,
      %neg3A = arith.constant 0.000000e+00 : f32
      %neg3A_1321 = vector.broadcast %neg3A : f32 to vector<16xf32>
      %neg3A_1322 = arith.subf %neg3A_1321, %get3A_1318 : vector<16xf32>
      %exp3A = math.exp %neg3A_1322 : vector<16xf32>
      %add3A_1323 = arith.addf %broadcast_in_dim3A_522, %exp3A : vector<16xf32>
      %div3A = arith.divf %broadcast_in_dim3A_522, %add3A_1323 : vector<16xf32>
      %mul3A_1324 = arith.constant 6.400000e+01 : f32
      %mul3A_1325 = vector.broadcast %mul3A_1324 : f32 to vector<16xf32>
      %mul3A_1326 = arith.mulf %div3A, %mul3A_1325 : vector<16xf32>
      %convert_element_type3A = arith.fptosi %mul3A_1326 : vector<16xf32> to vector<16xi32>
      %convert_element_type3A_1327 = arith.sitofp %convert_element_type3A : vector<16xi32> to vector<16xf32>
      %sub3A = arith.subf %mul3A_1326, %convert_element_type3A_1327 : vector<16xf32>
      %add3A_1328 = arith.addi %mul3A_520, %convert_element_type3A : vector<16xi32>
      %mul3A_1329 = arith.constant 128 : i32
      %mul3A_1330 = vector.broadcast %mul3A_1329 : i32 to vector<16xi32>
      %mul3A_1331 = arith.muli %get3A_1320, %mul3A_1330 : vector<16xi32>
      %add3A_1332 = arith.addi %add3A_1328, %mul3A_1331 : vector<16xi32>
      %sub3A_1333 = arith.subf %broadcast_in_dim3A_522, %sub3A : vector<16xf32>
      tpu.vector_store_idx %arg7[%add3A_1332], %sub3A_1333 {add = true} : memref<4096xf32, #tpu.memory_space<vmem>>[vector<16xi32>], vector<16xf32>,
      %add3A_1334 = arith.constant 1 : i32
      %add3A_1335 = vector.broadcast %add3A_1334 : i32 to vector<16xi32>
      %add3A_1336 = arith.addi %add3A_1332, %add3A_1335 : vector<16xi32>
      tpu.vector_store_idx %arg7[%add3A_1336], %sub3A {add = true} : memref<4096xf32, #tpu.memory_space<vmem>>[vector<16xi32>], vector<16xf32>,
    }
    %scan3A_530 = arith.constant 32 : i32
    %get3A = arith.constant 0 : index
    %get3A_531 = tpu.vector_load %arg7[%get3A] {strides = array<i32>} : memref<4096xf32, #tpu.memory_space<vmem>>, vector<16xf32>,
    %get3A_532 = arith.constant 256 : index
    %get3A_533 = tpu.vector_load %arg7[%get3A_532] {strides = array<i32>} : memref<4096xf32, #tpu.memory_space<vmem>>, vector<16xf32>,
    %add3A_534 = arith.addf %get3A_531, %get3A_533 : vector<16xf32>
    %get3A_535 = arith.constant 512 : index
    %get3A_536 = tpu.vector_load %arg7[%get3A_535] {strides = array<i32>} : memref<4096xf32, #tpu.memory_space<vmem>>, vector<16xf32>,
    %add3A_537 = arith.addf %add3A_534, %get3A_536 : vector<16xf32>
    %get3A_538 = arith.constant 768 : index
    %get3A_539 = tpu.vector_load %arg7[%get3A_538] {strides = array<i32>} : memref<4096xf32, #tpu.memory_space<vmem>>, vector<16xf32>,
    %add3A_540 = arith.addf %add3A_537, %get3A_539 : vector<16xf32>
    %get3A_541 = arith.constant 1024 : index
    %get3A_542 = tpu.vector_load %arg7[%get3A_541] {strides = array<i32>} : memref<4096xf32, #tpu.memory_space<vmem>>, vector<16xf32>,
    %add3A_543 = arith.addf %add3A_540, %get3A_542 : vector<16xf32>
    %get3A_544 = arith.constant 1280 : index
    %get3A_545 = tpu.vector_load %arg7[%get3A_544] {strides = array<i32>} : memref<4096xf32, #tpu.memory_space<vmem>>, vector<16xf32>,
    %add3A_546 = arith.addf %add3A_543, %get3A_545 : vector<16xf32>
    %get3A_547 = arith.constant 1536 : index
    %get3A_548 = tpu.vector_load %arg7[%get3A_547] {strides = array<i32>} : memref<4096xf32, #tpu.memory_space<vmem>>, vector<16xf32>,
    %add3A_549 = arith.addf %add3A_546, %get3A_548 : vector<16xf32>
    %get3A_550 = arith.constant 1792 : index
    %get3A_551 = tpu.vector_load %arg7[%get3A_550] {strides = array<i32>} : memref<4096xf32, #tpu.memory_space<vmem>>, vector<16xf32>,
    %add3A_552 = arith.addf %add3A_549, %get3A_551 : vector<16xf32>
    %get3A_553 = arith.constant 2048 : index
    %get3A_554 = tpu.vector_load %arg7[%get3A_553] {strides = array<i32>} : memref<4096xf32, #tpu.memory_space<vmem>>, vector<16xf32>,
    %add3A_555 = arith.addf %add3A_552, %get3A_554 : vector<16xf32>
    %get3A_556 = arith.constant 2304 : index
    %get3A_557 = tpu.vector_load %arg7[%get3A_556] {strides = array<i32>} : memref<4096xf32, #tpu.memory_space<vmem>>, vector<16xf32>,
    %add3A_558 = arith.addf %add3A_555, %get3A_557 : vector<16xf32>
    %get3A_559 = arith.constant 2560 : index
    %get3A_560 = tpu.vector_load %arg7[%get3A_559] {strides = array<i32>} : memref<4096xf32, #tpu.memory_space<vmem>>, vector<16xf32>,
    %add3A_561 = arith.addf %add3A_558, %get3A_560 : vector<16xf32>
    %get3A_562 = arith.constant 2816 : index
    %get3A_563 = tpu.vector_load %arg7[%get3A_562] {strides = array<i32>} : memref<4096xf32, #tpu.memory_space<vmem>>, vector<16xf32>,
    %add3A_564 = arith.addf %add3A_561, %get3A_563 : vector<16xf32>
    %get3A_565 = arith.constant 3072 : index
    %get3A_566 = tpu.vector_load %arg7[%get3A_565] {strides = array<i32>} : memref<4096xf32, #tpu.memory_space<vmem>>, vector<16xf32>,
    %add3A_567 = arith.addf %add3A_564, %get3A_566 : vector<16xf32>
    %get3A_568 = arith.constant 3328 : index
    %get3A_569 = tpu.vector_load %arg7[%get3A_568] {strides = array<i32>} : memref<4096xf32, #tpu.memory_space<vmem>>, vector<16xf32>,
    %add3A_570 = arith.addf %add3A_567, %get3A_569 : vector<16xf32>
    %get3A_571 = arith.constant 3584 : index
    %get3A_572 = tpu.vector_load %arg7[%get3A_571] {strides = array<i32>} : memref<4096xf32, #tpu.memory_space<vmem>>, vector<16xf32>,
    %add3A_573 = arith.addf %add3A_570, %get3A_572 : vector<16xf32>
    %get3A_574 = arith.constant 3840 : index
    %get3A_575 = tpu.vector_load %arg7[%get3A_574] {strides = array<i32>} : memref<4096xf32, #tpu.memory_space<vmem>>, vector<16xf32>,
    %add3A_576 = arith.addf %add3A_573, %get3A_575 : vector<16xf32>
    %swap3A_577 = arith.constant 0 : index
    %swap3A_578 = tpu.vector_load %arg8[%swap3A_577] {strides = array<i32>} : memref<256xf32, #tpu.memory_space<vmem>>, vector<16xf32>,
    tpu.vector_store %arg8[%swap3A_577], %add3A_576 {strides = array<i32>} : memref<256xf32, #tpu.memory_space<vmem>>, vector<16xf32>,
    %get3A_579 = arith.constant 16 : index
    %get3A_580 = tpu.vector_load %arg7[%get3A_579] {strides = array<i32>} : memref<4096xf32, #tpu.memory_space<vmem>>, vector<16xf32>,
    %get3A_581 = arith.constant 272 : index
    %get3A_582 = tpu.vector_load %arg7[%get3A_581] {strides = array<i32>} : memref<4096xf32, #tpu.memory_space<vmem>>, vector<16xf32>,
    %add3A_583 = arith.addf %get3A_580, %get3A_582 : vector<16xf32>
    %get3A_584 = arith.constant 528 : index
    %get3A_585 = tpu.vector_load %arg7[%get3A_584] {strides = array<i32>} : memref<4096xf32, #tpu.memory_space<vmem>>, vector<16xf32>,
    %add3A_586 = arith.addf %add3A_583, %get3A_585 : vector<16xf32>
    %get3A_587 = arith.constant 784 : index
    %get3A_588 = tpu.vector_load %arg7[%get3A_587] {strides = array<i32>} : memref<4096xf32, #tpu.memory_space<vmem>>, vector<16xf32>,
    %add3A_589 = arith.addf %add3A_586, %get3A_588 : vector<16xf32>
    %get3A_590 = arith.constant 1040 : index
    %get3A_591 = tpu.vector_load %arg7[%get3A_590] {strides = array<i32>} : memref<4096xf32, #tpu.memory_space<vmem>>, vector<16xf32>,
    %add3A_592 = arith.addf %add3A_589, %get3A_591 : vector<16xf32>
    %get3A_593 = arith.constant 1296 : index
    %get3A_594 = tpu.vector_load %arg7[%get3A_593] {strides = array<i32>} : memref<4096xf32, #tpu.memory_space<vmem>>, vector<16xf32>,
    %add3A_595 = arith.addf %add3A_592, %get3A_594 : vector<16xf32>
    %get3A_596 = arith.constant 1552 : index
    %get3A_597 = tpu.vector_load %arg7[%get3A_596] {strides = array<i32>} : memref<4096xf32, #tpu.memory_space<vmem>>, vector<16xf32>,
    %add3A_598 = arith.addf %add3A_595, %get3A_597 : vector<16xf32>
    %get3A_599 = arith.constant 1808 : index
    %get3A_600 = tpu.vector_load %arg7[%get3A_599] {strides = array<i32>} : memref<4096xf32, #tpu.memory_space<vmem>>, vector<16xf32>,
    %add3A_601 = arith.addf %add3A_598, %get3A_600 : vector<16xf32>
    %get3A_602 = arith.constant 2064 : index
    %get3A_603 = tpu.vector_load %arg7[%get3A_602] {strides = array<i32>} : memref<4096xf32, #tpu.memory_space<vmem>>, vector<16xf32>,
    %add3A_604 = arith.addf %add3A_601, %get3A_603 : vector<16xf32>
    %get3A_605 = arith.constant 2320 : index
    %get3A_606 = tpu.vector_load %arg7[%get3A_605] {strides = array<i32>} : memref<4096xf32, #tpu.memory_space<vmem>>, vector<16xf32>,
    %add3A_607 = arith.addf %add3A_604, %get3A_606 : vector<16xf32>
    %get3A_608 = arith.constant 2576 : index
    %get3A_609 = tpu.vector_load %arg7[%get3A_608] {strides = array<i32>} : memref<4096xf32, #tpu.memory_space<vmem>>, vector<16xf32>,
    %add3A_610 = arith.addf %add3A_607, %get3A_609 : vector<16xf32>
    %get3A_611 = arith.constant 2832 : index
    %get3A_612 = tpu.vector_load %arg7[%get3A_611] {strides = array<i32>} : memref<4096xf32, #tpu.memory_space<vmem>>, vector<16xf32>,
    %add3A_613 = arith.addf %add3A_610, %get3A_612 : vector<16xf32>
    %get3A_614 = arith.constant 3088 : index
    %get3A_615 = tpu.vector_load %arg7[%get3A_614] {strides = array<i32>} : memref<4096xf32, #tpu.memory_space<vmem>>, vector<16xf32>,
    %add3A_616 = arith.addf %add3A_613, %get3A_615 : vector<16xf32>
    %get3A_617 = arith.constant 3344 : index
    %get3A_618 = tpu.vector_load %arg7[%get3A_617] {strides = array<i32>} : memref<4096xf32, #tpu.memory_space<vmem>>, vector<16xf32>,
    %add3A_619 = arith.addf %add3A_616, %get3A_618 : vector<16xf32>
    %get3A_620 = arith.constant 3600 : index
    %get3A_621 = tpu.vector_load %arg7[%get3A_620] {strides = array<i32>} : memref<4096xf32, #tpu.memory_space<vmem>>, vector<16xf32>,
    %add3A_622 = arith.addf %add3A_619, %get3A_621 : vector<16xf32>
    %get3A_623 = arith.constant 3856 : index
    %get3A_624 = tpu.vector_load %arg7[%get3A_623] {strides = array<i32>} : memref<4096xf32, #tpu.memory_space<vmem>>, vector<16xf32>,
    %add3A_625 = arith.addf %add3A_622, %get3A_624 : vector<16xf32>
    %swap3A_626 = arith.constant 16 : index
    %swap3A_627 = tpu.vector_load %arg8[%swap3A_626] {strides = array<i32>} : memref<256xf32, #tpu.memory_space<vmem>>, vector<16xf32>,
    tpu.vector_store %arg8[%swap3A_626], %add3A_625 {strides = array<i32>} : memref<256xf32, #tpu.memory_space<vmem>>, vector<16xf32>,
    %get3A_628 = arith.constant 32 : index
    %get3A_629 = tpu.vector_load %arg7[%get3A_628] {strides = array<i32>} : memref<4096xf32, #tpu.memory_space<vmem>>, vector<16xf32>,
    %get3A_630 = arith.constant 288 : index
    %get3A_631 = tpu.vector_load %arg7[%get3A_630] {strides = array<i32>} : memref<4096xf32, #tpu.memory_space<vmem>>, vector<16xf32>,
    %add3A_632 = arith.addf %get3A_629, %get3A_631 : vector<16xf32>
    %get3A_633 = arith.constant 544 : index
    %get3A_634 = tpu.vector_load %arg7[%get3A_633] {strides = array<i32>} : memref<4096xf32, #tpu.memory_space<vmem>>, vector<16xf32>,
    %add3A_635 = arith.addf %add3A_632, %get3A_634 : vector<16xf32>
    %get3A_636 = arith.constant 800 : index
    %get3A_637 = tpu.vector_load %arg7[%get3A_636] {strides = array<i32>} : memref<4096xf32, #tpu.memory_space<vmem>>, vector<16xf32>,
    %add3A_638 = arith.addf %add3A_635, %get3A_637 : vector<16xf32>
    %get3A_639 = arith.constant 1056 : index
    %get3A_640 = tpu.vector_load %arg7[%get3A_639] {strides = array<i32>} : memref<4096xf32, #tpu.memory_space<vmem>>, vector<16xf32>,
    %add3A_641 = arith.addf %add3A_638, %get3A_640 : vector<16xf32>
    %get3A_642 = arith.constant 1312 : index
    %get3A_643 = tpu.vector_load %arg7[%get3A_642] {strides = array<i32>} : memref<4096xf32, #tpu.memory_space<vmem>>, vector<16xf32>,
    %add3A_644 = arith.addf %add3A_641, %get3A_643 : vector<16xf32>
    %get3A_645 = arith.constant 1568 : index
    %get3A_646 = tpu.vector_load %arg7[%get3A_645] {strides = array<i32>} : memref<4096xf32, #tpu.memory_space<vmem>>, vector<16xf32>,
    %add3A_647 = arith.addf %add3A_644, %get3A_646 : vector<16xf32>
    %get3A_648 = arith.constant 1824 : index
    %get3A_649 = tpu.vector_load %arg7[%get3A_648] {strides = array<i32>} : memref<4096xf32, #tpu.memory_space<vmem>>, vector<16xf32>,
    %add3A_650 = arith.addf %add3A_647, %get3A_649 : vector<16xf32>
    %get3A_651 = arith.constant 2080 : index
    %get3A_652 = tpu.vector_load %arg7[%get3A_651] {strides = array<i32>} : memref<4096xf32, #tpu.memory_space<vmem>>, vector<16xf32>,
    %add3A_653 = arith.addf %add3A_650, %get3A_652 : vector<16xf32>
    %get3A_654 = arith.constant 2336 : index
    %get3A_655 = tpu.vector_load %arg7[%get3A_654] {strides = array<i32>} : memref<4096xf32, #tpu.memory_space<vmem>>, vector<16xf32>,
    %add3A_656 = arith.addf %add3A_653, %get3A_655 : vector<16xf32>
    %get3A_657 = arith.constant 2592 : index
    %get3A_658 = tpu.vector_load %arg7[%get3A_657] {strides = array<i32>} : memref<4096xf32, #tpu.memory_space<vmem>>, vector<16xf32>,
    %add3A_659 = arith.addf %add3A_656, %get3A_658 : vector<16xf32>
    %get3A_660 = arith.constant 2848 : index
    %get3A_661 = tpu.vector_load %arg7[%get3A_660] {strides = array<i32>} : memref<4096xf32, #tpu.memory_space<vmem>>, vector<16xf32>,
    %add3A_662 = arith.addf %add3A_659, %get3A_661 : vector<16xf32>
    %get3A_663 = arith.constant 3104 : index
    %get3A_664 = tpu.vector_load %arg7[%get3A_663] {strides = array<i32>} : memref<4096xf32, #tpu.memory_space<vmem>>, vector<16xf32>,
    %add3A_665 = arith.addf %add3A_662, %get3A_664 : vector<16xf32>
    %get3A_666 = arith.constant 3360 : index
    %get3A_667 = tpu.vector_load %arg7[%get3A_666] {strides = array<i32>} : memref<4096xf32, #tpu.memory_space<vmem>>, vector<16xf32>,
    %add3A_668 = arith.addf %add3A_665, %get3A_667 : vector<16xf32>
    %get3A_669 = arith.constant 3616 : index
    %get3A_670 = tpu.vector_load %arg7[%get3A_669] {strides = array<i32>} : memref<4096xf32, #tpu.memory_space<vmem>>, vector<16xf32>,
    %add3A_671 = arith.addf %add3A_668, %get3A_670 : vector<16xf32>
    %get3A_672 = arith.constant 3872 : index
    %get3A_673 = tpu.vector_load %arg7[%get3A_672] {strides = array<i32>} : memref<4096xf32, #tpu.memory_space<vmem>>, vector<16xf32>,
    %add3A_674 = arith.addf %add3A_671, %get3A_673 : vector<16xf32>
    %swap3A_675 = arith.constant 32 : index
    %swap3A_676 = tpu.vector_load %arg8[%swap3A_675] {strides = array<i32>} : memref<256xf32, #tpu.memory_space<vmem>>, vector<16xf32>,
    tpu.vector_store %arg8[%swap3A_675], %add3A_674 {strides = array<i32>} : memref<256xf32, #tpu.memory_space<vmem>>, vector<16xf32>,
    %get3A_677 = arith.constant 48 : index
    %get3A_678 = tpu.vector_load %arg7[%get3A_677] {strides = array<i32>} : memref<4096xf32, #tpu.memory_space<vmem>>, vector<16xf32>,
    %get3A_679 = arith.constant 304 : index
    %get3A_680 = tpu.vector_load %arg7[%get3A_679] {strides = array<i32>} : memref<4096xf32, #tpu.memory_space<vmem>>, vector<16xf32>,
    %add3A_681 = arith.addf %get3A_678, %get3A_680 : vector<16xf32>
    %get3A_682 = arith.constant 560 : index
    %get3A_683 = tpu.vector_load %arg7[%get3A_682] {strides = array<i32>} : memref<4096xf32, #tpu.memory_space<vmem>>, vector<16xf32>,
    %add3A_684 = arith.addf %add3A_681, %get3A_683 : vector<16xf32>
    %get3A_685 = arith.constant 816 : index
    %get3A_686 = tpu.vector_load %arg7[%get3A_685] {strides = array<i32>} : memref<4096xf32, #tpu.memory_space<vmem>>, vector<16xf32>,
    %add3A_687 = arith.addf %add3A_684, %get3A_686 : vector<16xf32>
    %get3A_688 = arith.constant 1072 : index
    %get3A_689 = tpu.vector_load %arg7[%get3A_688] {strides = array<i32>} : memref<4096xf32, #tpu.memory_space<vmem>>, vector<16xf32>,
    %add3A_690 = arith.addf %add3A_687, %get3A_689 : vector<16xf32>
    %get3A_691 = arith.constant 1328 : index
    %get3A_692 = tpu.vector_load %arg7[%get3A_691] {strides = array<i32>} : memref<4096xf32, #tpu.memory_space<vmem>>, vector<16xf32>,
    %add3A_693 = arith.addf %add3A_690, %get3A_692 : vector<16xf32>
    %get3A_694 = arith.constant 1584 : index
    %get3A_695 = tpu.vector_load %arg7[%get3A_694] {strides = array<i32>} : memref<4096xf32, #tpu.memory_space<vmem>>, vector<16xf32>,
    %add3A_696 = arith.addf %add3A_693, %get3A_695 : vector<16xf32>
    %get3A_697 = arith.constant 1840 : index
    %get3A_698 = tpu.vector_load %arg7[%get3A_697] {strides = array<i32>} : memref<4096xf32, #tpu.memory_space<vmem>>, vector<16xf32>,
    %add3A_699 = arith.addf %add3A_696, %get3A_698 : vector<16xf32>
    %get3A_700 = arith.constant 2096 : index
    %get3A_701 = tpu.vector_load %arg7[%get3A_700] {strides = array<i32>} : memref<4096xf32, #tpu.memory_space<vmem>>, vector<16xf32>,
    %add3A_702 = arith.addf %add3A_699, %get3A_701 : vector<16xf32>
    %get3A_703 = arith.constant 2352 : index
    %get3A_704 = tpu.vector_load %arg7[%get3A_703] {strides = array<i32>} : memref<4096xf32, #tpu.memory_space<vmem>>, vector<16xf32>,
    %add3A_705 = arith.addf %add3A_702, %get3A_704 : vector<16xf32>
    %get3A_706 = arith.constant 2608 : index
    %get3A_707 = tpu.vector_load %arg7[%get3A_706] {strides = array<i32>} : memref<4096xf32, #tpu.memory_space<vmem>>, vector<16xf32>,
    %add3A_708 = arith.addf %add3A_705, %get3A_707 : vector<16xf32>
    %get3A_709 = arith.constant 2864 : index
    %get3A_710 = tpu.vector_load %arg7[%get3A_709] {strides = array<i32>} : memref<4096xf32, #tpu.memory_space<vmem>>, vector<16xf32>,
    %add3A_711 = arith.addf %add3A_708, %get3A_710 : vector<16xf32>
    %get3A_712 = arith.constant 3120 : index
    %get3A_713 = tpu.vector_load %arg7[%get3A_712] {strides = array<i32>} : memref<4096xf32, #tpu.memory_space<vmem>>, vector<16xf32>,
    %add3A_714 = arith.addf %add3A_711, %get3A_713 : vector<16xf32>
    %get3A_715 = arith.constant 3376 : index
    %get3A_716 = tpu.vector_load %arg7[%get3A_715] {strides = array<i32>} : memref<4096xf32, #tpu.memory_space<vmem>>, vector<16xf32>,
    %add3A_717 = arith.addf %add3A_714, %get3A_716 : vector<16xf32>
    %get3A_718 = arith.constant 3632 : index
    %get3A_719 = tpu.vector_load %arg7[%get3A_718] {strides = array<i32>} : memref<4096xf32, #tpu.memory_space<vmem>>, vector<16xf32>,
    %add3A_720 = arith.addf %add3A_717, %get3A_719 : vector<16xf32>
    %get3A_721 = arith.constant 3888 : index
    %get3A_722 = tpu.vector_load %arg7[%get3A_721] {strides = array<i32>} : memref<4096xf32, #tpu.memory_space<vmem>>, vector<16xf32>,
    %add3A_723 = arith.addf %add3A_720, %get3A_722 : vector<16xf32>
    %swap3A_724 = arith.constant 48 : index
    %swap3A_725 = tpu.vector_load %arg8[%swap3A_724] {strides = array<i32>} : memref<256xf32, #tpu.memory_space<vmem>>, vector<16xf32>,
    tpu.vector_store %arg8[%swap3A_724], %add3A_723 {strides = array<i32>} : memref<256xf32, #tpu.memory_space<vmem>>, vector<16xf32>,
    %get3A_726 = arith.constant 64 : index
    %get3A_727 = tpu.vector_load %arg7[%get3A_726] {strides = array<i32>} : memref<4096xf32, #tpu.memory_space<vmem>>, vector<16xf32>,
    %get3A_728 = arith.constant 320 : index
    %get3A_729 = tpu.vector_load %arg7[%get3A_728] {strides = array<i32>} : memref<4096xf32, #tpu.memory_space<vmem>>, vector<16xf32>,
    %add3A_730 = arith.addf %get3A_727, %get3A_729 : vector<16xf32>
    %get3A_731 = arith.constant 576 : index
    %get3A_732 = tpu.vector_load %arg7[%get3A_731] {strides = array<i32>} : memref<4096xf32, #tpu.memory_space<vmem>>, vector<16xf32>,
    %add3A_733 = arith.addf %add3A_730, %get3A_732 : vector<16xf32>
    %get3A_734 = arith.constant 832 : index
    %get3A_735 = tpu.vector_load %arg7[%get3A_734] {strides = array<i32>} : memref<4096xf32, #tpu.memory_space<vmem>>, vector<16xf32>,
    %add3A_736 = arith.addf %add3A_733, %get3A_735 : vector<16xf32>
    %get3A_737 = arith.constant 1088 : index
    %get3A_738 = tpu.vector_load %arg7[%get3A_737] {strides = array<i32>} : memref<4096xf32, #tpu.memory_space<vmem>>, vector<16xf32>,
    %add3A_739 = arith.addf %add3A_736, %get3A_738 : vector<16xf32>
    %get3A_740 = arith.constant 1344 : index
    %get3A_741 = tpu.vector_load %arg7[%get3A_740] {strides = array<i32>} : memref<4096xf32, #tpu.memory_space<vmem>>, vector<16xf32>,
    %add3A_742 = arith.addf %add3A_739, %get3A_741 : vector<16xf32>
    %get3A_743 = arith.constant 1600 : index
    %get3A_744 = tpu.vector_load %arg7[%get3A_743] {strides = array<i32>} : memref<4096xf32, #tpu.memory_space<vmem>>, vector<16xf32>,
    %add3A_745 = arith.addf %add3A_742, %get3A_744 : vector<16xf32>
    %get3A_746 = arith.constant 1856 : index
    %get3A_747 = tpu.vector_load %arg7[%get3A_746] {strides = array<i32>} : memref<4096xf32, #tpu.memory_space<vmem>>, vector<16xf32>,
    %add3A_748 = arith.addf %add3A_745, %get3A_747 : vector<16xf32>
    %get3A_749 = arith.constant 2112 : index
    %get3A_750 = tpu.vector_load %arg7[%get3A_749] {strides = array<i32>} : memref<4096xf32, #tpu.memory_space<vmem>>, vector<16xf32>,
    %add3A_751 = arith.addf %add3A_748, %get3A_750 : vector<16xf32>
    %get3A_752 = arith.constant 2368 : index
    %get3A_753 = tpu.vector_load %arg7[%get3A_752] {strides = array<i32>} : memref<4096xf32, #tpu.memory_space<vmem>>, vector<16xf32>,
    %add3A_754 = arith.addf %add3A_751, %get3A_753 : vector<16xf32>
    %get3A_755 = arith.constant 2624 : index
    %get3A_756 = tpu.vector_load %arg7[%get3A_755] {strides = array<i32>} : memref<4096xf32, #tpu.memory_space<vmem>>, vector<16xf32>,
    %add3A_757 = arith.addf %add3A_754, %get3A_756 : vector<16xf32>
    %get3A_758 = arith.constant 2880 : index
    %get3A_759 = tpu.vector_load %arg7[%get3A_758] {strides = array<i32>} : memref<4096xf32, #tpu.memory_space<vmem>>, vector<16xf32>,
    %add3A_760 = arith.addf %add3A_757, %get3A_759 : vector<16xf32>
    %get3A_761 = arith.constant 3136 : index
    %get3A_762 = tpu.vector_load %arg7[%get3A_761] {strides = array<i32>} : memref<4096xf32, #tpu.memory_space<vmem>>, vector<16xf32>,
    %add3A_763 = arith.addf %add3A_760, %get3A_762 : vector<16xf32>
    %get3A_764 = arith.constant 3392 : index
    %get3A_765 = tpu.vector_load %arg7[%get3A_764] {strides = array<i32>} : memref<4096xf32, #tpu.memory_space<vmem>>, vector<16xf32>,
    %add3A_766 = arith.addf %add3A_763, %get3A_765 : vector<16xf32>
    %get3A_767 = arith.constant 3648 : index
    %get3A_768 = tpu.vector_load %arg7[%get3A_767] {strides = array<i32>} : memref<4096xf32, #tpu.memory_space<vmem>>, vector<16xf32>,
    %add3A_769 = arith.addf %add3A_766, %get3A_768 : vector<16xf32>
    %get3A_770 = arith.constant 3904 : index
    %get3A_771 = tpu.vector_load %arg7[%get3A_770] {strides = array<i32>} : memref<4096xf32, #tpu.memory_space<vmem>>, vector<16xf32>,
    %add3A_772 = arith.addf %add3A_769, %get3A_771 : vector<16xf32>
    %swap3A_773 = arith.constant 64 : index
    %swap3A_774 = tpu.vector_load %arg8[%swap3A_773] {strides = array<i32>} : memref<256xf32, #tpu.memory_space<vmem>>, vector<16xf32>,
    tpu.vector_store %arg8[%swap3A_773], %add3A_772 {strides = array<i32>} : memref<256xf32, #tpu.memory_space<vmem>>, vector<16xf32>,
    %get3A_775 = arith.constant 80 : index
    %get3A_776 = tpu.vector_load %arg7[%get3A_775] {strides = array<i32>} : memref<4096xf32, #tpu.memory_space<vmem>>, vector<16xf32>,
    %get3A_777 = arith.constant 336 : index
    %get3A_778 = tpu.vector_load %arg7[%get3A_777] {strides = array<i32>} : memref<4096xf32, #tpu.memory_space<vmem>>, vector<16xf32>,
    %add3A_779 = arith.addf %get3A_776, %get3A_778 : vector<16xf32>
    %get3A_780 = arith.constant 592 : index
    %get3A_781 = tpu.vector_load %arg7[%get3A_780] {strides = array<i32>} : memref<4096xf32, #tpu.memory_space<vmem>>, vector<16xf32>,
    %add3A_782 = arith.addf %add3A_779, %get3A_781 : vector<16xf32>
    %get3A_783 = arith.constant 848 : index
    %get3A_784 = tpu.vector_load %arg7[%get3A_783] {strides = array<i32>} : memref<4096xf32, #tpu.memory_space<vmem>>, vector<16xf32>,
    %add3A_785 = arith.addf %add3A_782, %get3A_784 : vector<16xf32>
    %get3A_786 = arith.constant 1104 : index
    %get3A_787 = tpu.vector_load %arg7[%get3A_786] {strides = array<i32>} : memref<4096xf32, #tpu.memory_space<vmem>>, vector<16xf32>,
    %add3A_788 = arith.addf %add3A_785, %get3A_787 : vector<16xf32>
    %get3A_789 = arith.constant 1360 : index
    %get3A_790 = tpu.vector_load %arg7[%get3A_789] {strides = array<i32>} : memref<4096xf32, #tpu.memory_space<vmem>>, vector<16xf32>,
    %add3A_791 = arith.addf %add3A_788, %get3A_790 : vector<16xf32>
    %get3A_792 = arith.constant 1616 : index
    %get3A_793 = tpu.vector_load %arg7[%get3A_792] {strides = array<i32>} : memref<4096xf32, #tpu.memory_space<vmem>>, vector<16xf32>,
    %add3A_794 = arith.addf %add3A_791, %get3A_793 : vector<16xf32>
    %get3A_795 = arith.constant 1872 : index
    %get3A_796 = tpu.vector_load %arg7[%get3A_795] {strides = array<i32>} : memref<4096xf32, #tpu.memory_space<vmem>>, vector<16xf32>,
    %add3A_797 = arith.addf %add3A_794, %get3A_796 : vector<16xf32>
    %get3A_798 = arith.constant 2128 : index
    %get3A_799 = tpu.vector_load %arg7[%get3A_798] {strides = array<i32>} : memref<4096xf32, #tpu.memory_space<vmem>>, vector<16xf32>,
    %add3A_800 = arith.addf %add3A_797, %get3A_799 : vector<16xf32>
    %get3A_801 = arith.constant 2384 : index
    %get3A_802 = tpu.vector_load %arg7[%get3A_801] {strides = array<i32>} : memref<4096xf32, #tpu.memory_space<vmem>>, vector<16xf32>,
    %add3A_803 = arith.addf %add3A_800, %get3A_802 : vector<16xf32>
    %get3A_804 = arith.constant 2640 : index
    %get3A_805 = tpu.vector_load %arg7[%get3A_804] {strides = array<i32>} : memref<4096xf32, #tpu.memory_space<vmem>>, vector<16xf32>,
    %add3A_806 = arith.addf %add3A_803, %get3A_805 : vector<16xf32>
    %get3A_807 = arith.constant 2896 : index
    %get3A_808 = tpu.vector_load %arg7[%get3A_807] {strides = array<i32>} : memref<4096xf32, #tpu.memory_space<vmem>>, vector<16xf32>,
    %add3A_809 = arith.addf %add3A_806, %get3A_808 : vector<16xf32>
    %get3A_810 = arith.constant 3152 : index
    %get3A_811 = tpu.vector_load %arg7[%get3A_810] {strides = array<i32>} : memref<4096xf32, #tpu.memory_space<vmem>>, vector<16xf32>,
    %add3A_812 = arith.addf %add3A_809, %get3A_811 : vector<16xf32>
    %get3A_813 = arith.constant 3408 : index
    %get3A_814 = tpu.vector_load %arg7[%get3A_813] {strides = array<i32>} : memref<4096xf32, #tpu.memory_space<vmem>>, vector<16xf32>,
    %add3A_815 = arith.addf %add3A_812, %get3A_814 : vector<16xf32>
    %get3A_816 = arith.constant 3664 : index
    %get3A_817 = tpu.vector_load %arg7[%get3A_816] {strides = array<i32>} : memref<4096xf32, #tpu.memory_space<vmem>>, vector<16xf32>,
    %add3A_818 = arith.addf %add3A_815, %get3A_817 : vector<16xf32>
    %get3A_819 = arith.constant 3920 : index
    %get3A_820 = tpu.vector_load %arg7[%get3A_819] {strides = array<i32>} : memref<4096xf32, #tpu.memory_space<vmem>>, vector<16xf32>,
    %add3A_821 = arith.addf %add3A_818, %get3A_820 : vector<16xf32>
    %swap3A_822 = arith.constant 80 : index
    %swap3A_823 = tpu.vector_load %arg8[%swap3A_822] {strides = array<i32>} : memref<256xf32, #tpu.memory_space<vmem>>, vector<16xf32>,
    tpu.vector_store %arg8[%swap3A_822], %add3A_821 {strides = array<i32>} : memref<256xf32, #tpu.memory_space<vmem>>, vector<16xf32>,
    %get3A_824 = arith.constant 96 : index
    %get3A_825 = tpu.vector_load %arg7[%get3A_824] {strides = array<i32>} : memref<4096xf32, #tpu.memory_space<vmem>>, vector<16xf32>,
    %get3A_826 = arith.constant 352 : index
    %get3A_827 = tpu.vector_load %arg7[%get3A_826] {strides = array<i32>} : memref<4096xf32, #tpu.memory_space<vmem>>, vector<16xf32>,
    %add3A_828 = arith.addf %get3A_825, %get3A_827 : vector<16xf32>
    %get3A_829 = arith.constant 608 : index
    %get3A_830 = tpu.vector_load %arg7[%get3A_829] {strides = array<i32>} : memref<4096xf32, #tpu.memory_space<vmem>>, vector<16xf32>,
    %add3A_831 = arith.addf %add3A_828, %get3A_830 : vector<16xf32>
    %get3A_832 = arith.constant 864 : index
    %get3A_833 = tpu.vector_load %arg7[%get3A_832] {strides = array<i32>} : memref<4096xf32, #tpu.memory_space<vmem>>, vector<16xf32>,
    %add3A_834 = arith.addf %add3A_831, %get3A_833 : vector<16xf32>
    %get3A_835 = arith.constant 1120 : index
    %get3A_836 = tpu.vector_load %arg7[%get3A_835] {strides = array<i32>} : memref<4096xf32, #tpu.memory_space<vmem>>, vector<16xf32>,
    %add3A_837 = arith.addf %add3A_834, %get3A_836 : vector<16xf32>
    %get3A_838 = arith.constant 1376 : index
    %get3A_839 = tpu.vector_load %arg7[%get3A_838] {strides = array<i32>} : memref<4096xf32, #tpu.memory_space<vmem>>, vector<16xf32>,
    %add3A_840 = arith.addf %add3A_837, %get3A_839 : vector<16xf32>
    %get3A_841 = arith.constant 1632 : index
    %get3A_842 = tpu.vector_load %arg7[%get3A_841] {strides = array<i32>} : memref<4096xf32, #tpu.memory_space<vmem>>, vector<16xf32>,
    %add3A_843 = arith.addf %add3A_840, %get3A_842 : vector<16xf32>
    %get3A_844 = arith.constant 1888 : index
    %get3A_845 = tpu.vector_load %arg7[%get3A_844] {strides = array<i32>} : memref<4096xf32, #tpu.memory_space<vmem>>, vector<16xf32>,
    %add3A_846 = arith.addf %add3A_843, %get3A_845 : vector<16xf32>
    %get3A_847 = arith.constant 2144 : index
    %get3A_848 = tpu.vector_load %arg7[%get3A_847] {strides = array<i32>} : memref<4096xf32, #tpu.memory_space<vmem>>, vector<16xf32>,
    %add3A_849 = arith.addf %add3A_846, %get3A_848 : vector<16xf32>
    %get3A_850 = arith.constant 2400 : index
    %get3A_851 = tpu.vector_load %arg7[%get3A_850] {strides = array<i32>} : memref<4096xf32, #tpu.memory_space<vmem>>, vector<16xf32>,
    %add3A_852 = arith.addf %add3A_849, %get3A_851 : vector<16xf32>
    %get3A_853 = arith.constant 2656 : index
    %get3A_854 = tpu.vector_load %arg7[%get3A_853] {strides = array<i32>} : memref<4096xf32, #tpu.memory_space<vmem>>, vector<16xf32>,
    %add3A_855 = arith.addf %add3A_852, %get3A_854 : vector<16xf32>
    %get3A_856 = arith.constant 2912 : index
    %get3A_857 = tpu.vector_load %arg7[%get3A_856] {strides = array<i32>} : memref<4096xf32, #tpu.memory_space<vmem>>, vector<16xf32>,
    %add3A_858 = arith.addf %add3A_855, %get3A_857 : vector<16xf32>
    %get3A_859 = arith.constant 3168 : index
    %get3A_860 = tpu.vector_load %arg7[%get3A_859] {strides = array<i32>} : memref<4096xf32, #tpu.memory_space<vmem>>, vector<16xf32>,
    %add3A_861 = arith.addf %add3A_858, %get3A_860 : vector<16xf32>
    %get3A_862 = arith.constant 3424 : index
    %get3A_863 = tpu.vector_load %arg7[%get3A_862] {strides = array<i32>} : memref<4096xf32, #tpu.memory_space<vmem>>, vector<16xf32>,
    %add3A_864 = arith.addf %add3A_861, %get3A_863 : vector<16xf32>
    %get3A_865 = arith.constant 3680 : index
    %get3A_866 = tpu.vector_load %arg7[%get3A_865] {strides = array<i32>} : memref<4096xf32, #tpu.memory_space<vmem>>, vector<16xf32>,
    %add3A_867 = arith.addf %add3A_864, %get3A_866 : vector<16xf32>
    %get3A_868 = arith.constant 3936 : index
    %get3A_869 = tpu.vector_load %arg7[%get3A_868] {strides = array<i32>} : memref<4096xf32, #tpu.memory_space<vmem>>, vector<16xf32>,
    %add3A_870 = arith.addf %add3A_867, %get3A_869 : vector<16xf32>
    %swap3A_871 = arith.constant 96 : index
    %swap3A_872 = tpu.vector_load %arg8[%swap3A_871] {strides = array<i32>} : memref<256xf32, #tpu.memory_space<vmem>>, vector<16xf32>,
    tpu.vector_store %arg8[%swap3A_871], %add3A_870 {strides = array<i32>} : memref<256xf32, #tpu.memory_space<vmem>>, vector<16xf32>,
    %get3A_873 = arith.constant 112 : index
    %get3A_874 = tpu.vector_load %arg7[%get3A_873] {strides = array<i32>} : memref<4096xf32, #tpu.memory_space<vmem>>, vector<16xf32>,
    %get3A_875 = arith.constant 368 : index
    %get3A_876 = tpu.vector_load %arg7[%get3A_875] {strides = array<i32>} : memref<4096xf32, #tpu.memory_space<vmem>>, vector<16xf32>,
    %add3A_877 = arith.addf %get3A_874, %get3A_876 : vector<16xf32>
    %get3A_878 = arith.constant 624 : index
    %get3A_879 = tpu.vector_load %arg7[%get3A_878] {strides = array<i32>} : memref<4096xf32, #tpu.memory_space<vmem>>, vector<16xf32>,
    %add3A_880 = arith.addf %add3A_877, %get3A_879 : vector<16xf32>
    %get3A_881 = arith.constant 880 : index
    %get3A_882 = tpu.vector_load %arg7[%get3A_881] {strides = array<i32>} : memref<4096xf32, #tpu.memory_space<vmem>>, vector<16xf32>,
    %add3A_883 = arith.addf %add3A_880, %get3A_882 : vector<16xf32>
    %get3A_884 = arith.constant 1136 : index
    %get3A_885 = tpu.vector_load %arg7[%get3A_884] {strides = array<i32>} : memref<4096xf32, #tpu.memory_space<vmem>>, vector<16xf32>,
    %add3A_886 = arith.addf %add3A_883, %get3A_885 : vector<16xf32>
    %get3A_887 = arith.constant 1392 : index
    %get3A_888 = tpu.vector_load %arg7[%get3A_887] {strides = array<i32>} : memref<4096xf32, #tpu.memory_space<vmem>>, vector<16xf32>,
    %add3A_889 = arith.addf %add3A_886, %get3A_888 : vector<16xf32>
    %get3A_890 = arith.constant 1648 : index
    %get3A_891 = tpu.vector_load %arg7[%get3A_890] {strides = array<i32>} : memref<4096xf32, #tpu.memory_space<vmem>>, vector<16xf32>,
    %add3A_892 = arith.addf %add3A_889, %get3A_891 : vector<16xf32>
    %get3A_893 = arith.constant 1904 : index
    %get3A_894 = tpu.vector_load %arg7[%get3A_893] {strides = array<i32>} : memref<4096xf32, #tpu.memory_space<vmem>>, vector<16xf32>,
    %add3A_895 = arith.addf %add3A_892, %get3A_894 : vector<16xf32>
    %get3A_896 = arith.constant 2160 : index
    %get3A_897 = tpu.vector_load %arg7[%get3A_896] {strides = array<i32>} : memref<4096xf32, #tpu.memory_space<vmem>>, vector<16xf32>,
    %add3A_898 = arith.addf %add3A_895, %get3A_897 : vector<16xf32>
    %get3A_899 = arith.constant 2416 : index
    %get3A_900 = tpu.vector_load %arg7[%get3A_899] {strides = array<i32>} : memref<4096xf32, #tpu.memory_space<vmem>>, vector<16xf32>,
    %add3A_901 = arith.addf %add3A_898, %get3A_900 : vector<16xf32>
    %get3A_902 = arith.constant 2672 : index
    %get3A_903 = tpu.vector_load %arg7[%get3A_902] {strides = array<i32>} : memref<4096xf32, #tpu.memory_space<vmem>>, vector<16xf32>,
    %add3A_904 = arith.addf %add3A_901, %get3A_903 : vector<16xf32>
    %get3A_905 = arith.constant 2928 : index
    %get3A_906 = tpu.vector_load %arg7[%get3A_905] {strides = array<i32>} : memref<4096xf32, #tpu.memory_space<vmem>>, vector<16xf32>,
    %add3A_907 = arith.addf %add3A_904, %get3A_906 : vector<16xf32>
    %get3A_908 = arith.constant 3184 : index
    %get3A_909 = tpu.vector_load %arg7[%get3A_908] {strides = array<i32>} : memref<4096xf32, #tpu.memory_space<vmem>>, vector<16xf32>,
    %add3A_910 = arith.addf %add3A_907, %get3A_909 : vector<16xf32>
    %get3A_911 = arith.constant 3440 : index
    %get3A_912 = tpu.vector_load %arg7[%get3A_911] {strides = array<i32>} : memref<4096xf32, #tpu.memory_space<vmem>>, vector<16xf32>,
    %add3A_913 = arith.addf %add3A_910, %get3A_912 : vector<16xf32>
    %get3A_914 = arith.constant 3696 : index
    %get3A_915 = tpu.vector_load %arg7[%get3A_914] {strides = array<i32>} : memref<4096xf32, #tpu.memory_space<vmem>>, vector<16xf32>,
    %add3A_916 = arith.addf %add3A_913, %get3A_915 : vector<16xf32>
    %get3A_917 = arith.constant 3952 : index
    %get3A_918 = tpu.vector_load %arg7[%get3A_917] {strides = array<i32>} : memref<4096xf32, #tpu.memory_space<vmem>>, vector<16xf32>,
    %add3A_919 = arith.addf %add3A_916, %get3A_918 : vector<16xf32>
    %swap3A_920 = arith.constant 112 : index
    %swap3A_921 = tpu.vector_load %arg8[%swap3A_920] {strides = array<i32>} : memref<256xf32, #tpu.memory_space<vmem>>, vector<16xf32>,
    tpu.vector_store %arg8[%swap3A_920], %add3A_919 {strides = array<i32>} : memref<256xf32, #tpu.memory_space<vmem>>, vector<16xf32>,
    %get3A_922 = arith.constant 128 : index
    %get3A_923 = tpu.vector_load %arg7[%get3A_922] {strides = array<i32>} : memref<4096xf32, #tpu.memory_space<vmem>>, vector<16xf32>,
    %get3A_924 = arith.constant 384 : index
    %get3A_925 = tpu.vector_load %arg7[%get3A_924] {strides = array<i32>} : memref<4096xf32, #tpu.memory_space<vmem>>, vector<16xf32>,
    %add3A_926 = arith.addf %get3A_923, %get3A_925 : vector<16xf32>
    %get3A_927 = arith.constant 640 : index
    %get3A_928 = tpu.vector_load %arg7[%get3A_927] {strides = array<i32>} : memref<4096xf32, #tpu.memory_space<vmem>>, vector<16xf32>,
    %add3A_929 = arith.addf %add3A_926, %get3A_928 : vector<16xf32>
    %get3A_930 = arith.constant 896 : index
    %get3A_931 = tpu.vector_load %arg7[%get3A_930] {strides = array<i32>} : memref<4096xf32, #tpu.memory_space<vmem>>, vector<16xf32>,
    %add3A_932 = arith.addf %add3A_929, %get3A_931 : vector<16xf32>
    %get3A_933 = arith.constant 1152 : index
    %get3A_934 = tpu.vector_load %arg7[%get3A_933] {strides = array<i32>} : memref<4096xf32, #tpu.memory_space<vmem>>, vector<16xf32>,
    %add3A_935 = arith.addf %add3A_932, %get3A_934 : vector<16xf32>
    %get3A_936 = arith.constant 1408 : index
    %get3A_937 = tpu.vector_load %arg7[%get3A_936] {strides = array<i32>} : memref<4096xf32, #tpu.memory_space<vmem>>, vector<16xf32>,
    %add3A_938 = arith.addf %add3A_935, %get3A_937 : vector<16xf32>
    %get3A_939 = arith.constant 1664 : index
    %get3A_940 = tpu.vector_load %arg7[%get3A_939] {strides = array<i32>} : memref<4096xf32, #tpu.memory_space<vmem>>, vector<16xf32>,
    %add3A_941 = arith.addf %add3A_938, %get3A_940 : vector<16xf32>
    %get3A_942 = arith.constant 1920 : index
    %get3A_943 = tpu.vector_load %arg7[%get3A_942] {strides = array<i32>} : memref<4096xf32, #tpu.memory_space<vmem>>, vector<16xf32>,
    %add3A_944 = arith.addf %add3A_941, %get3A_943 : vector<16xf32>
    %get3A_945 = arith.constant 2176 : index
    %get3A_946 = tpu.vector_load %arg7[%get3A_945] {strides = array<i32>} : memref<4096xf32, #tpu.memory_space<vmem>>, vector<16xf32>,
    %add3A_947 = arith.addf %add3A_944, %get3A_946 : vector<16xf32>
    %get3A_948 = arith.constant 2432 : index
    %get3A_949 = tpu.vector_load %arg7[%get3A_948] {strides = array<i32>} : memref<4096xf32, #tpu.memory_space<vmem>>, vector<16xf32>,
    %add3A_950 = arith.addf %add3A_947, %get3A_949 : vector<16xf32>
    %get3A_951 = arith.constant 2688 : index
    %get3A_952 = tpu.vector_load %arg7[%get3A_951] {strides = array<i32>} : memref<4096xf32, #tpu.memory_space<vmem>>, vector<16xf32>,
    %add3A_953 = arith.addf %add3A_950, %get3A_952 : vector<16xf32>
    %get3A_954 = arith.constant 2944 : index
    %get3A_955 = tpu.vector_load %arg7[%get3A_954] {strides = array<i32>} : memref<4096xf32, #tpu.memory_space<vmem>>, vector<16xf32>,
    %add3A_956 = arith.addf %add3A_953, %get3A_955 : vector<16xf32>
    %get3A_957 = arith.constant 3200 : index
    %get3A_958 = tpu.vector_load %arg7[%get3A_957] {strides = array<i32>} : memref<4096xf32, #tpu.memory_space<vmem>>, vector<16xf32>,
    %add3A_959 = arith.addf %add3A_956, %get3A_958 : vector<16xf32>
    %get3A_960 = arith.constant 3456 : index
    %get3A_961 = tpu.vector_load %arg7[%get3A_960] {strides = array<i32>} : memref<4096xf32, #tpu.memory_space<vmem>>, vector<16xf32>,
    %add3A_962 = arith.addf %add3A_959, %get3A_961 : vector<16xf32>
    %get3A_963 = arith.constant 3712 : index
    %get3A_964 = tpu.vector_load %arg7[%get3A_963] {strides = array<i32>} : memref<4096xf32, #tpu.memory_space<vmem>>, vector<16xf32>,
    %add3A_965 = arith.addf %add3A_962, %get3A_964 : vector<16xf32>
    %get3A_966 = arith.constant 3968 : index
    %get3A_967 = tpu.vector_load %arg7[%get3A_966] {strides = array<i32>} : memref<4096xf32, #tpu.memory_space<vmem>>, vector<16xf32>,
    %add3A_968 = arith.addf %add3A_965, %get3A_967 : vector<16xf32>
    %swap3A_969 = arith.constant 128 : index
    %swap3A_970 = tpu.vector_load %arg8[%swap3A_969] {strides = array<i32>} : memref<256xf32, #tpu.memory_space<vmem>>, vector<16xf32>,
    tpu.vector_store %arg8[%swap3A_969], %add3A_968 {strides = array<i32>} : memref<256xf32, #tpu.memory_space<vmem>>, vector<16xf32>,
    %get3A_971 = arith.constant 144 : index
    %get3A_972 = tpu.vector_load %arg7[%get3A_971] {strides = array<i32>} : memref<4096xf32, #tpu.memory_space<vmem>>, vector<16xf32>,
    %get3A_973 = arith.constant 400 : index
    %get3A_974 = tpu.vector_load %arg7[%get3A_973] {strides = array<i32>} : memref<4096xf32, #tpu.memory_space<vmem>>, vector<16xf32>,
    %add3A_975 = arith.addf %get3A_972, %get3A_974 : vector<16xf32>
    %get3A_976 = arith.constant 656 : index
    %get3A_977 = tpu.vector_load %arg7[%get3A_976] {strides = array<i32>} : memref<4096xf32, #tpu.memory_space<vmem>>, vector<16xf32>,
    %add3A_978 = arith.addf %add3A_975, %get3A_977 : vector<16xf32>
    %get3A_979 = arith.constant 912 : index
    %get3A_980 = tpu.vector_load %arg7[%get3A_979] {strides = array<i32>} : memref<4096xf32, #tpu.memory_space<vmem>>, vector<16xf32>,
    %add3A_981 = arith.addf %add3A_978, %get3A_980 : vector<16xf32>
    %get3A_982 = arith.constant 1168 : index
    %get3A_983 = tpu.vector_load %arg7[%get3A_982] {strides = array<i32>} : memref<4096xf32, #tpu.memory_space<vmem>>, vector<16xf32>,
    %add3A_984 = arith.addf %add3A_981, %get3A_983 : vector<16xf32>
    %get3A_985 = arith.constant 1424 : index
    %get3A_986 = tpu.vector_load %arg7[%get3A_985] {strides = array<i32>} : memref<4096xf32, #tpu.memory_space<vmem>>, vector<16xf32>,
    %add3A_987 = arith.addf %add3A_984, %get3A_986 : vector<16xf32>
    %get3A_988 = arith.constant 1680 : index
    %get3A_989 = tpu.vector_load %arg7[%get3A_988] {strides = array<i32>} : memref<4096xf32, #tpu.memory_space<vmem>>, vector<16xf32>,
    %add3A_990 = arith.addf %add3A_987, %get3A_989 : vector<16xf32>
    %get3A_991 = arith.constant 1936 : index
    %get3A_992 = tpu.vector_load %arg7[%get3A_991] {strides = array<i32>} : memref<4096xf32, #tpu.memory_space<vmem>>, vector<16xf32>,
    %add3A_993 = arith.addf %add3A_990, %get3A_992 : vector<16xf32>
    %get3A_994 = arith.constant 2192 : index
    %get3A_995 = tpu.vector_load %arg7[%get3A_994] {strides = array<i32>} : memref<4096xf32, #tpu.memory_space<vmem>>, vector<16xf32>,
    %add3A_996 = arith.addf %add3A_993, %get3A_995 : vector<16xf32>
    %get3A_997 = arith.constant 2448 : index
    %get3A_998 = tpu.vector_load %arg7[%get3A_997] {strides = array<i32>} : memref<4096xf32, #tpu.memory_space<vmem>>, vector<16xf32>,
    %add3A_999 = arith.addf %add3A_996, %get3A_998 : vector<16xf32>
    %get3A_1000 = arith.constant 2704 : index
    %get3A_1001 = tpu.vector_load %arg7[%get3A_1000] {strides = array<i32>} : memref<4096xf32, #tpu.memory_space<vmem>>, vector<16xf32>,
    %add3A_1002 = arith.addf %add3A_999, %get3A_1001 : vector<16xf32>
    %get3A_1003 = arith.constant 2960 : index
    %get3A_1004 = tpu.vector_load %arg7[%get3A_1003] {strides = array<i32>} : memref<4096xf32, #tpu.memory_space<vmem>>, vector<16xf32>,
    %add3A_1005 = arith.addf %add3A_1002, %get3A_1004 : vector<16xf32>
    %get3A_1006 = arith.constant 3216 : index
    %get3A_1007 = tpu.vector_load %arg7[%get3A_1006] {strides = array<i32>} : memref<4096xf32, #tpu.memory_space<vmem>>, vector<16xf32>,
    %add3A_1008 = arith.addf %add3A_1005, %get3A_1007 : vector<16xf32>
    %get3A_1009 = arith.constant 3472 : index
    %get3A_1010 = tpu.vector_load %arg7[%get3A_1009] {strides = array<i32>} : memref<4096xf32, #tpu.memory_space<vmem>>, vector<16xf32>,
    %add3A_1011 = arith.addf %add3A_1008, %get3A_1010 : vector<16xf32>
    %get3A_1012 = arith.constant 3728 : index
    %get3A_1013 = tpu.vector_load %arg7[%get3A_1012] {strides = array<i32>} : memref<4096xf32, #tpu.memory_space<vmem>>, vector<16xf32>,
    %add3A_1014 = arith.addf %add3A_1011, %get3A_1013 : vector<16xf32>
    %get3A_1015 = arith.constant 3984 : index
    %get3A_1016 = tpu.vector_load %arg7[%get3A_1015] {strides = array<i32>} : memref<4096xf32, #tpu.memory_space<vmem>>, vector<16xf32>,
    %add3A_1017 = arith.addf %add3A_1014, %get3A_1016 : vector<16xf32>
    %swap3A_1018 = arith.constant 144 : index
    %swap3A_1019 = tpu.vector_load %arg8[%swap3A_1018] {strides = array<i32>} : memref<256xf32, #tpu.memory_space<vmem>>, vector<16xf32>,
    tpu.vector_store %arg8[%swap3A_1018], %add3A_1017 {strides = array<i32>} : memref<256xf32, #tpu.memory_space<vmem>>, vector<16xf32>,
    %get3A_1020 = arith.constant 160 : index
    %get3A_1021 = tpu.vector_load %arg7[%get3A_1020] {strides = array<i32>} : memref<4096xf32, #tpu.memory_space<vmem>>, vector<16xf32>,
    %get3A_1022 = arith.constant 416 : index
    %get3A_1023 = tpu.vector_load %arg7[%get3A_1022] {strides = array<i32>} : memref<4096xf32, #tpu.memory_space<vmem>>, vector<16xf32>,
    %add3A_1024 = arith.addf %get3A_1021, %get3A_1023 : vector<16xf32>
    %get3A_1025 = arith.constant 672 : index
    %get3A_1026 = tpu.vector_load %arg7[%get3A_1025] {strides = array<i32>} : memref<4096xf32, #tpu.memory_space<vmem>>, vector<16xf32>,
    %add3A_1027 = arith.addf %add3A_1024, %get3A_1026 : vector<16xf32>
    %get3A_1028 = arith.constant 928 : index
    %get3A_1029 = tpu.vector_load %arg7[%get3A_1028] {strides = array<i32>} : memref<4096xf32, #tpu.memory_space<vmem>>, vector<16xf32>,
    %add3A_1030 = arith.addf %add3A_1027, %get3A_1029 : vector<16xf32>
    %get3A_1031 = arith.constant 1184 : index
    %get3A_1032 = tpu.vector_load %arg7[%get3A_1031] {strides = array<i32>} : memref<4096xf32, #tpu.memory_space<vmem>>, vector<16xf32>,
    %add3A_1033 = arith.addf %add3A_1030, %get3A_1032 : vector<16xf32>
    %get3A_1034 = arith.constant 1440 : index
    %get3A_1035 = tpu.vector_load %arg7[%get3A_1034] {strides = array<i32>} : memref<4096xf32, #tpu.memory_space<vmem>>, vector<16xf32>,
    %add3A_1036 = arith.addf %add3A_1033, %get3A_1035 : vector<16xf32>
    %get3A_1037 = arith.constant 1696 : index
    %get3A_1038 = tpu.vector_load %arg7[%get3A_1037] {strides = array<i32>} : memref<4096xf32, #tpu.memory_space<vmem>>, vector<16xf32>,
    %add3A_1039 = arith.addf %add3A_1036, %get3A_1038 : vector<16xf32>
    %get3A_1040 = arith.constant 1952 : index
    %get3A_1041 = tpu.vector_load %arg7[%get3A_1040] {strides = array<i32>} : memref<4096xf32, #tpu.memory_space<vmem>>, vector<16xf32>,
    %add3A_1042 = arith.addf %add3A_1039, %get3A_1041 : vector<16xf32>
    %get3A_1043 = arith.constant 2208 : index
    %get3A_1044 = tpu.vector_load %arg7[%get3A_1043] {strides = array<i32>} : memref<4096xf32, #tpu.memory_space<vmem>>, vector<16xf32>,
    %add3A_1045 = arith.addf %add3A_1042, %get3A_1044 : vector<16xf32>
    %get3A_1046 = arith.constant 2464 : index
    %get3A_1047 = tpu.vector_load %arg7[%get3A_1046] {strides = array<i32>} : memref<4096xf32, #tpu.memory_space<vmem>>, vector<16xf32>,
    %add3A_1048 = arith.addf %add3A_1045, %get3A_1047 : vector<16xf32>
    %get3A_1049 = arith.constant 2720 : index
    %get3A_1050 = tpu.vector_load %arg7[%get3A_1049] {strides = array<i32>} : memref<4096xf32, #tpu.memory_space<vmem>>, vector<16xf32>,
    %add3A_1051 = arith.addf %add3A_1048, %get3A_1050 : vector<16xf32>
    %get3A_1052 = arith.constant 2976 : index
    %get3A_1053 = tpu.vector_load %arg7[%get3A_1052] {strides = array<i32>} : memref<4096xf32, #tpu.memory_space<vmem>>, vector<16xf32>,
    %add3A_1054 = arith.addf %add3A_1051, %get3A_1053 : vector<16xf32>
    %get3A_1055 = arith.constant 3232 : index
    %get3A_1056 = tpu.vector_load %arg7[%get3A_1055] {strides = array<i32>} : memref<4096xf32, #tpu.memory_space<vmem>>, vector<16xf32>,
    %add3A_1057 = arith.addf %add3A_1054, %get3A_1056 : vector<16xf32>
    %get3A_1058 = arith.constant 3488 : index
    %get3A_1059 = tpu.vector_load %arg7[%get3A_1058] {strides = array<i32>} : memref<4096xf32, #tpu.memory_space<vmem>>, vector<16xf32>,
    %add3A_1060 = arith.addf %add3A_1057, %get3A_1059 : vector<16xf32>
    %get3A_1061 = arith.constant 3744 : index
    %get3A_1062 = tpu.vector_load %arg7[%get3A_1061] {strides = array<i32>} : memref<4096xf32, #tpu.memory_space<vmem>>, vector<16xf32>,
    %add3A_1063 = arith.addf %add3A_1060, %get3A_1062 : vector<16xf32>
    %get3A_1064 = arith.constant 4000 : index
    %get3A_1065 = tpu.vector_load %arg7[%get3A_1064] {strides = array<i32>} : memref<4096xf32, #tpu.memory_space<vmem>>, vector<16xf32>,
    %add3A_1066 = arith.addf %add3A_1063, %get3A_1065 : vector<16xf32>
    %swap3A_1067 = arith.constant 160 : index
    %swap3A_1068 = tpu.vector_load %arg8[%swap3A_1067] {strides = array<i32>} : memref<256xf32, #tpu.memory_space<vmem>>, vector<16xf32>,
    tpu.vector_store %arg8[%swap3A_1067], %add3A_1066 {strides = array<i32>} : memref<256xf32, #tpu.memory_space<vmem>>, vector<16xf32>,
    %get3A_1069 = arith.constant 176 : index
    %get3A_1070 = tpu.vector_load %arg7[%get3A_1069] {strides = array<i32>} : memref<4096xf32, #tpu.memory_space<vmem>>, vector<16xf32>,
    %get3A_1071 = arith.constant 432 : index
    %get3A_1072 = tpu.vector_load %arg7[%get3A_1071] {strides = array<i32>} : memref<4096xf32, #tpu.memory_space<vmem>>, vector<16xf32>,
    %add3A_1073 = arith.addf %get3A_1070, %get3A_1072 : vector<16xf32>
    %get3A_1074 = arith.constant 688 : index
    %get3A_1075 = tpu.vector_load %arg7[%get3A_1074] {strides = array<i32>} : memref<4096xf32, #tpu.memory_space<vmem>>, vector<16xf32>,
    %add3A_1076 = arith.addf %add3A_1073, %get3A_1075 : vector<16xf32>
    %get3A_1077 = arith.constant 944 : index
    %get3A_1078 = tpu.vector_load %arg7[%get3A_1077] {strides = array<i32>} : memref<4096xf32, #tpu.memory_space<vmem>>, vector<16xf32>,
    %add3A_1079 = arith.addf %add3A_1076, %get3A_1078 : vector<16xf32>
    %get3A_1080 = arith.constant 1200 : index
    %get3A_1081 = tpu.vector_load %arg7[%get3A_1080] {strides = array<i32>} : memref<4096xf32, #tpu.memory_space<vmem>>, vector<16xf32>,
    %add3A_1082 = arith.addf %add3A_1079, %get3A_1081 : vector<16xf32>
    %get3A_1083 = arith.constant 1456 : index
    %get3A_1084 = tpu.vector_load %arg7[%get3A_1083] {strides = array<i32>} : memref<4096xf32, #tpu.memory_space<vmem>>, vector<16xf32>,
    %add3A_1085 = arith.addf %add3A_1082, %get3A_1084 : vector<16xf32>
    %get3A_1086 = arith.constant 1712 : index
    %get3A_1087 = tpu.vector_load %arg7[%get3A_1086] {strides = array<i32>} : memref<4096xf32, #tpu.memory_space<vmem>>, vector<16xf32>,
    %add3A_1088 = arith.addf %add3A_1085, %get3A_1087 : vector<16xf32>
    %get3A_1089 = arith.constant 1968 : index
    %get3A_1090 = tpu.vector_load %arg7[%get3A_1089] {strides = array<i32>} : memref<4096xf32, #tpu.memory_space<vmem>>, vector<16xf32>,
    %add3A_1091 = arith.addf %add3A_1088, %get3A_1090 : vector<16xf32>
    %get3A_1092 = arith.constant 2224 : index
    %get3A_1093 = tpu.vector_load %arg7[%get3A_1092] {strides = array<i32>} : memref<4096xf32, #tpu.memory_space<vmem>>, vector<16xf32>,
    %add3A_1094 = arith.addf %add3A_1091, %get3A_1093 : vector<16xf32>
    %get3A_1095 = arith.constant 2480 : index
    %get3A_1096 = tpu.vector_load %arg7[%get3A_1095] {strides = array<i32>} : memref<4096xf32, #tpu.memory_space<vmem>>, vector<16xf32>,
    %add3A_1097 = arith.addf %add3A_1094, %get3A_1096 : vector<16xf32>
    %get3A_1098 = arith.constant 2736 : index
    %get3A_1099 = tpu.vector_load %arg7[%get3A_1098] {strides = array<i32>} : memref<4096xf32, #tpu.memory_space<vmem>>, vector<16xf32>,
    %add3A_1100 = arith.addf %add3A_1097, %get3A_1099 : vector<16xf32>
    %get3A_1101 = arith.constant 2992 : index
    %get3A_1102 = tpu.vector_load %arg7[%get3A_1101] {strides = array<i32>} : memref<4096xf32, #tpu.memory_space<vmem>>, vector<16xf32>,
    %add3A_1103 = arith.addf %add3A_1100, %get3A_1102 : vector<16xf32>
    %get3A_1104 = arith.constant 3248 : index
    %get3A_1105 = tpu.vector_load %arg7[%get3A_1104] {strides = array<i32>} : memref<4096xf32, #tpu.memory_space<vmem>>, vector<16xf32>,
    %add3A_1106 = arith.addf %add3A_1103, %get3A_1105 : vector<16xf32>
    %get3A_1107 = arith.constant 3504 : index
    %get3A_1108 = tpu.vector_load %arg7[%get3A_1107] {strides = array<i32>} : memref<4096xf32, #tpu.memory_space<vmem>>, vector<16xf32>,
    %add3A_1109 = arith.addf %add3A_1106, %get3A_1108 : vector<16xf32>
    %get3A_1110 = arith.constant 3760 : index
    %get3A_1111 = tpu.vector_load %arg7[%get3A_1110] {strides = array<i32>} : memref<4096xf32, #tpu.memory_space<vmem>>, vector<16xf32>,
    %add3A_1112 = arith.addf %add3A_1109, %get3A_1111 : vector<16xf32>
    %get3A_1113 = arith.constant 4016 : index
    %get3A_1114 = tpu.vector_load %arg7[%get3A_1113] {strides = array<i32>} : memref<4096xf32, #tpu.memory_space<vmem>>, vector<16xf32>,
    %add3A_1115 = arith.addf %add3A_1112, %get3A_1114 : vector<16xf32>
    %swap3A_1116 = arith.constant 176 : index
    %swap3A_1117 = tpu.vector_load %arg8[%swap3A_1116] {strides = array<i32>} : memref<256xf32, #tpu.memory_space<vmem>>, vector<16xf32>,
    tpu.vector_store %arg8[%swap3A_1116], %add3A_1115 {strides = array<i32>} : memref<256xf32, #tpu.memory_space<vmem>>, vector<16xf32>,
    %get3A_1118 = arith.constant 192 : index
    %get3A_1119 = tpu.vector_load %arg7[%get3A_1118] {strides = array<i32>} : memref<4096xf32, #tpu.memory_space<vmem>>, vector<16xf32>,
    %get3A_1120 = arith.constant 448 : index
    %get3A_1121 = tpu.vector_load %arg7[%get3A_1120] {strides = array<i32>} : memref<4096xf32, #tpu.memory_space<vmem>>, vector<16xf32>,
    %add3A_1122 = arith.addf %get3A_1119, %get3A_1121 : vector<16xf32>
    %get3A_1123 = arith.constant 704 : index
    %get3A_1124 = tpu.vector_load %arg7[%get3A_1123] {strides = array<i32>} : memref<4096xf32, #tpu.memory_space<vmem>>, vector<16xf32>,
    %add3A_1125 = arith.addf %add3A_1122, %get3A_1124 : vector<16xf32>
    %get3A_1126 = arith.constant 960 : index
    %get3A_1127 = tpu.vector_load %arg7[%get3A_1126] {strides = array<i32>} : memref<4096xf32, #tpu.memory_space<vmem>>, vector<16xf32>,
    %add3A_1128 = arith.addf %add3A_1125, %get3A_1127 : vector<16xf32>
    %get3A_1129 = arith.constant 1216 : index
    %get3A_1130 = tpu.vector_load %arg7[%get3A_1129] {strides = array<i32>} : memref<4096xf32, #tpu.memory_space<vmem>>, vector<16xf32>,
    %add3A_1131 = arith.addf %add3A_1128, %get3A_1130 : vector<16xf32>
    %get3A_1132 = arith.constant 1472 : index
    %get3A_1133 = tpu.vector_load %arg7[%get3A_1132] {strides = array<i32>} : memref<4096xf32, #tpu.memory_space<vmem>>, vector<16xf32>,
    %add3A_1134 = arith.addf %add3A_1131, %get3A_1133 : vector<16xf32>
    %get3A_1135 = arith.constant 1728 : index
    %get3A_1136 = tpu.vector_load %arg7[%get3A_1135] {strides = array<i32>} : memref<4096xf32, #tpu.memory_space<vmem>>, vector<16xf32>,
    %add3A_1137 = arith.addf %add3A_1134, %get3A_1136 : vector<16xf32>
    %get3A_1138 = arith.constant 1984 : index
    %get3A_1139 = tpu.vector_load %arg7[%get3A_1138] {strides = array<i32>} : memref<4096xf32, #tpu.memory_space<vmem>>, vector<16xf32>,
    %add3A_1140 = arith.addf %add3A_1137, %get3A_1139 : vector<16xf32>
    %get3A_1141 = arith.constant 2240 : index
    %get3A_1142 = tpu.vector_load %arg7[%get3A_1141] {strides = array<i32>} : memref<4096xf32, #tpu.memory_space<vmem>>, vector<16xf32>,
    %add3A_1143 = arith.addf %add3A_1140, %get3A_1142 : vector<16xf32>
    %get3A_1144 = arith.constant 2496 : index
    %get3A_1145 = tpu.vector_load %arg7[%get3A_1144] {strides = array<i32>} : memref<4096xf32, #tpu.memory_space<vmem>>, vector<16xf32>,
    %add3A_1146 = arith.addf %add3A_1143, %get3A_1145 : vector<16xf32>
    %get3A_1147 = arith.constant 2752 : index
    %get3A_1148 = tpu.vector_load %arg7[%get3A_1147] {strides = array<i32>} : memref<4096xf32, #tpu.memory_space<vmem>>, vector<16xf32>,
    %add3A_1149 = arith.addf %add3A_1146, %get3A_1148 : vector<16xf32>
    %get3A_1150 = arith.constant 3008 : index
    %get3A_1151 = tpu.vector_load %arg7[%get3A_1150] {strides = array<i32>} : memref<4096xf32, #tpu.memory_space<vmem>>, vector<16xf32>,
    %add3A_1152 = arith.addf %add3A_1149, %get3A_1151 : vector<16xf32>
    %get3A_1153 = arith.constant 3264 : index
    %get3A_1154 = tpu.vector_load %arg7[%get3A_1153] {strides = array<i32>} : memref<4096xf32, #tpu.memory_space<vmem>>, vector<16xf32>,
    %add3A_1155 = arith.addf %add3A_1152, %get3A_1154 : vector<16xf32>
    %get3A_1156 = arith.constant 3520 : index
    %get3A_1157 = tpu.vector_load %arg7[%get3A_1156] {strides = array<i32>} : memref<4096xf32, #tpu.memory_space<vmem>>, vector<16xf32>,
    %add3A_1158 = arith.addf %add3A_1155, %get3A_1157 : vector<16xf32>
    %get3A_1159 = arith.constant 3776 : index
    %get3A_1160 = tpu.vector_load %arg7[%get3A_1159] {strides = array<i32>} : memref<4096xf32, #tpu.memory_space<vmem>>, vector<16xf32>,
    %add3A_1161 = arith.addf %add3A_1158, %get3A_1160 : vector<16xf32>
    %get3A_1162 = arith.constant 4032 : index
    %get3A_1163 = tpu.vector_load %arg7[%get3A_1162] {strides = array<i32>} : memref<4096xf32, #tpu.memory_space<vmem>>, vector<16xf32>,
    %add3A_1164 = arith.addf %add3A_1161, %get3A_1163 : vector<16xf32>
    %swap3A_1165 = arith.constant 192 : index
    %swap3A_1166 = tpu.vector_load %arg8[%swap3A_1165] {strides = array<i32>} : memref<256xf32, #tpu.memory_space<vmem>>, vector<16xf32>,
    tpu.vector_store %arg8[%swap3A_1165], %add3A_1164 {strides = array<i32>} : memref<256xf32, #tpu.memory_space<vmem>>, vector<16xf32>,
    %get3A_1167 = arith.constant 208 : index
    %get3A_1168 = tpu.vector_load %arg7[%get3A_1167] {strides = array<i32>} : memref<4096xf32, #tpu.memory_space<vmem>>, vector<16xf32>,
    %get3A_1169 = arith.constant 464 : index
    %get3A_1170 = tpu.vector_load %arg7[%get3A_1169] {strides = array<i32>} : memref<4096xf32, #tpu.memory_space<vmem>>, vector<16xf32>,
    %add3A_1171 = arith.addf %get3A_1168, %get3A_1170 : vector<16xf32>
    %get3A_1172 = arith.constant 720 : index
    %get3A_1173 = tpu.vector_load %arg7[%get3A_1172] {strides = array<i32>} : memref<4096xf32, #tpu.memory_space<vmem>>, vector<16xf32>,
    %add3A_1174 = arith.addf %add3A_1171, %get3A_1173 : vector<16xf32>
    %get3A_1175 = arith.constant 976 : index
    %get3A_1176 = tpu.vector_load %arg7[%get3A_1175] {strides = array<i32>} : memref<4096xf32, #tpu.memory_space<vmem>>, vector<16xf32>,
    %add3A_1177 = arith.addf %add3A_1174, %get3A_1176 : vector<16xf32>
    %get3A_1178 = arith.constant 1232 : index
    %get3A_1179 = tpu.vector_load %arg7[%get3A_1178] {strides = array<i32>} : memref<4096xf32, #tpu.memory_space<vmem>>, vector<16xf32>,
    %add3A_1180 = arith.addf %add3A_1177, %get3A_1179 : vector<16xf32>
    %get3A_1181 = arith.constant 1488 : index
    %get3A_1182 = tpu.vector_load %arg7[%get3A_1181] {strides = array<i32>} : memref<4096xf32, #tpu.memory_space<vmem>>, vector<16xf32>,
    %add3A_1183 = arith.addf %add3A_1180, %get3A_1182 : vector<16xf32>
    %get3A_1184 = arith.constant 1744 : index
    %get3A_1185 = tpu.vector_load %arg7[%get3A_1184] {strides = array<i32>} : memref<4096xf32, #tpu.memory_space<vmem>>, vector<16xf32>,
    %add3A_1186 = arith.addf %add3A_1183, %get3A_1185 : vector<16xf32>
    %get3A_1187 = arith.constant 2000 : index
    %get3A_1188 = tpu.vector_load %arg7[%get3A_1187] {strides = array<i32>} : memref<4096xf32, #tpu.memory_space<vmem>>, vector<16xf32>,
    %add3A_1189 = arith.addf %add3A_1186, %get3A_1188 : vector<16xf32>
    %get3A_1190 = arith.constant 2256 : index
    %get3A_1191 = tpu.vector_load %arg7[%get3A_1190] {strides = array<i32>} : memref<4096xf32, #tpu.memory_space<vmem>>, vector<16xf32>,
    %add3A_1192 = arith.addf %add3A_1189, %get3A_1191 : vector<16xf32>
    %get3A_1193 = arith.constant 2512 : index
    %get3A_1194 = tpu.vector_load %arg7[%get3A_1193] {strides = array<i32>} : memref<4096xf32, #tpu.memory_space<vmem>>, vector<16xf32>,
    %add3A_1195 = arith.addf %add3A_1192, %get3A_1194 : vector<16xf32>
    %get3A_1196 = arith.constant 2768 : index
    %get3A_1197 = tpu.vector_load %arg7[%get3A_1196] {strides = array<i32>} : memref<4096xf32, #tpu.memory_space<vmem>>, vector<16xf32>,
    %add3A_1198 = arith.addf %add3A_1195, %get3A_1197 : vector<16xf32>
    %get3A_1199 = arith.constant 3024 : index
    %get3A_1200 = tpu.vector_load %arg7[%get3A_1199] {strides = array<i32>} : memref<4096xf32, #tpu.memory_space<vmem>>, vector<16xf32>,
    %add3A_1201 = arith.addf %add3A_1198, %get3A_1200 : vector<16xf32>
    %get3A_1202 = arith.constant 3280 : index
    %get3A_1203 = tpu.vector_load %arg7[%get3A_1202] {strides = array<i32>} : memref<4096xf32, #tpu.memory_space<vmem>>, vector<16xf32>,
    %add3A_1204 = arith.addf %add3A_1201, %get3A_1203 : vector<16xf32>
    %get3A_1205 = arith.constant 3536 : index
    %get3A_1206 = tpu.vector_load %arg7[%get3A_1205] {strides = array<i32>} : memref<4096xf32, #tpu.memory_space<vmem>>, vector<16xf32>,
    %add3A_1207 = arith.addf %add3A_1204, %get3A_1206 : vector<16xf32>
    %get3A_1208 = arith.constant 3792 : index
    %get3A_1209 = tpu.vector_load %arg7[%get3A_1208] {strides = array<i32>} : memref<4096xf32, #tpu.memory_space<vmem>>, vector<16xf32>,
    %add3A_1210 = arith.addf %add3A_1207, %get3A_1209 : vector<16xf32>
    %get3A_1211 = arith.constant 4048 : index
    %get3A_1212 = tpu.vector_load %arg7[%get3A_1211] {strides = array<i32>} : memref<4096xf32, #tpu.memory_space<vmem>>, vector<16xf32>,
    %add3A_1213 = arith.addf %add3A_1210, %get3A_1212 : vector<16xf32>
    %swap3A_1214 = arith.constant 208 : index
    %swap3A_1215 = tpu.vector_load %arg8[%swap3A_1214] {strides = array<i32>} : memref<256xf32, #tpu.memory_space<vmem>>, vector<16xf32>,
    tpu.vector_store %arg8[%swap3A_1214], %add3A_1213 {strides = array<i32>} : memref<256xf32, #tpu.memory_space<vmem>>, vector<16xf32>,
    %get3A_1216 = arith.constant 224 : index
    %get3A_1217 = tpu.vector_load %arg7[%get3A_1216] {strides = array<i32>} : memref<4096xf32, #tpu.memory_space<vmem>>, vector<16xf32>,
    %get3A_1218 = arith.constant 480 : index
    %get3A_1219 = tpu.vector_load %arg7[%get3A_1218] {strides = array<i32>} : memref<4096xf32, #tpu.memory_space<vmem>>, vector<16xf32>,
    %add3A_1220 = arith.addf %get3A_1217, %get3A_1219 : vector<16xf32>
    %get3A_1221 = arith.constant 736 : index
    %get3A_1222 = tpu.vector_load %arg7[%get3A_1221] {strides = array<i32>} : memref<4096xf32, #tpu.memory_space<vmem>>, vector<16xf32>,
    %add3A_1223 = arith.addf %add3A_1220, %get3A_1222 : vector<16xf32>
    %get3A_1224 = arith.constant 992 : index
    %get3A_1225 = tpu.vector_load %arg7[%get3A_1224] {strides = array<i32>} : memref<4096xf32, #tpu.memory_space<vmem>>, vector<16xf32>,
    %add3A_1226 = arith.addf %add3A_1223, %get3A_1225 : vector<16xf32>
    %get3A_1227 = arith.constant 1248 : index
    %get3A_1228 = tpu.vector_load %arg7[%get3A_1227] {strides = array<i32>} : memref<4096xf32, #tpu.memory_space<vmem>>, vector<16xf32>,
    %add3A_1229 = arith.addf %add3A_1226, %get3A_1228 : vector<16xf32>
    %get3A_1230 = arith.constant 1504 : index
    %get3A_1231 = tpu.vector_load %arg7[%get3A_1230] {strides = array<i32>} : memref<4096xf32, #tpu.memory_space<vmem>>, vector<16xf32>,
    %add3A_1232 = arith.addf %add3A_1229, %get3A_1231 : vector<16xf32>
    %get3A_1233 = arith.constant 1760 : index
    %get3A_1234 = tpu.vector_load %arg7[%get3A_1233] {strides = array<i32>} : memref<4096xf32, #tpu.memory_space<vmem>>, vector<16xf32>,
    %add3A_1235 = arith.addf %add3A_1232, %get3A_1234 : vector<16xf32>
    %get3A_1236 = arith.constant 2016 : index
    %get3A_1237 = tpu.vector_load %arg7[%get3A_1236] {strides = array<i32>} : memref<4096xf32, #tpu.memory_space<vmem>>, vector<16xf32>,
    %add3A_1238 = arith.addf %add3A_1235, %get3A_1237 : vector<16xf32>
    %get3A_1239 = arith.constant 2272 : index
    %get3A_1240 = tpu.vector_load %arg7[%get3A_1239] {strides = array<i32>} : memref<4096xf32, #tpu.memory_space<vmem>>, vector<16xf32>,
    %add3A_1241 = arith.addf %add3A_1238, %get3A_1240 : vector<16xf32>
    %get3A_1242 = arith.constant 2528 : index
    %get3A_1243 = tpu.vector_load %arg7[%get3A_1242] {strides = array<i32>} : memref<4096xf32, #tpu.memory_space<vmem>>, vector<16xf32>,
    %add3A_1244 = arith.addf %add3A_1241, %get3A_1243 : vector<16xf32>
    %get3A_1245 = arith.constant 2784 : index
    %get3A_1246 = tpu.vector_load %arg7[%get3A_1245] {strides = array<i32>} : memref<4096xf32, #tpu.memory_space<vmem>>, vector<16xf32>,
    %add3A_1247 = arith.addf %add3A_1244, %get3A_1246 : vector<16xf32>
    %get3A_1248 = arith.constant 3040 : index
    %get3A_1249 = tpu.vector_load %arg7[%get3A_1248] {strides = array<i32>} : memref<4096xf32, #tpu.memory_space<vmem>>, vector<16xf32>,
    %add3A_1250 = arith.addf %add3A_1247, %get3A_1249 : vector<16xf32>
    %get3A_1251 = arith.constant 3296 : index
    %get3A_1252 = tpu.vector_load %arg7[%get3A_1251] {strides = array<i32>} : memref<4096xf32, #tpu.memory_space<vmem>>, vector<16xf32>,
    %add3A_1253 = arith.addf %add3A_1250, %get3A_1252 : vector<16xf32>
    %get3A_1254 = arith.constant 3552 : index
    %get3A_1255 = tpu.vector_load %arg7[%get3A_1254] {strides = array<i32>} : memref<4096xf32, #tpu.memory_space<vmem>>, vector<16xf32>,
    %add3A_1256 = arith.addf %add3A_1253, %get3A_1255 : vector<16xf32>
    %get3A_1257 = arith.constant 3808 : index
    %get3A_1258 = tpu.vector_load %arg7[%get3A_1257] {strides = array<i32>} : memref<4096xf32, #tpu.memory_space<vmem>>, vector<16xf32>,
    %add3A_1259 = arith.addf %add3A_1256, %get3A_1258 : vector<16xf32>
    %get3A_1260 = arith.constant 4064 : index
    %get3A_1261 = tpu.vector_load %arg7[%get3A_1260] {strides = array<i32>} : memref<4096xf32, #tpu.memory_space<vmem>>, vector<16xf32>,
    %add3A_1262 = arith.addf %add3A_1259, %get3A_1261 : vector<16xf32>
    %swap3A_1263 = arith.constant 224 : index
    %swap3A_1264 = tpu.vector_load %arg8[%swap3A_1263] {strides = array<i32>} : memref<256xf32, #tpu.memory_space<vmem>>, vector<16xf32>,
    tpu.vector_store %arg8[%swap3A_1263], %add3A_1262 {strides = array<i32>} : memref<256xf32, #tpu.memory_space<vmem>>, vector<16xf32>,
    %get3A_1265 = arith.constant 240 : index
    %get3A_1266 = tpu.vector_load %arg7[%get3A_1265] {strides = array<i32>} : memref<4096xf32, #tpu.memory_space<vmem>>, vector<16xf32>,
    %get3A_1267 = arith.constant 496 : index
    %get3A_1268 = tpu.vector_load %arg7[%get3A_1267] {strides = array<i32>} : memref<4096xf32, #tpu.memory_space<vmem>>, vector<16xf32>,
    %add3A_1269 = arith.addf %get3A_1266, %get3A_1268 : vector<16xf32>
    %get3A_1270 = arith.constant 752 : index
    %get3A_1271 = tpu.vector_load %arg7[%get3A_1270] {strides = array<i32>} : memref<4096xf32, #tpu.memory_space<vmem>>, vector<16xf32>,
    %add3A_1272 = arith.addf %add3A_1269, %get3A_1271 : vector<16xf32>
    %get3A_1273 = arith.constant 1008 : index
    %get3A_1274 = tpu.vector_load %arg7[%get3A_1273] {strides = array<i32>} : memref<4096xf32, #tpu.memory_space<vmem>>, vector<16xf32>,
    %add3A_1275 = arith.addf %add3A_1272, %get3A_1274 : vector<16xf32>
    %get3A_1276 = arith.constant 1264 : index
    %get3A_1277 = tpu.vector_load %arg7[%get3A_1276] {strides = array<i32>} : memref<4096xf32, #tpu.memory_space<vmem>>, vector<16xf32>,
    %add3A_1278 = arith.addf %add3A_1275, %get3A_1277 : vector<16xf32>
    %get3A_1279 = arith.constant 1520 : index
    %get3A_1280 = tpu.vector_load %arg7[%get3A_1279] {strides = array<i32>} : memref<4096xf32, #tpu.memory_space<vmem>>, vector<16xf32>,
    %add3A_1281 = arith.addf %add3A_1278, %get3A_1280 : vector<16xf32>
    %get3A_1282 = arith.constant 1776 : index
    %get3A_1283 = tpu.vector_load %arg7[%get3A_1282] {strides = array<i32>} : memref<4096xf32, #tpu.memory_space<vmem>>, vector<16xf32>,
    %add3A_1284 = arith.addf %add3A_1281, %get3A_1283 : vector<16xf32>
    %get3A_1285 = arith.constant 2032 : index
    %get3A_1286 = tpu.vector_load %arg7[%get3A_1285] {strides = array<i32>} : memref<4096xf32, #tpu.memory_space<vmem>>, vector<16xf32>,
    %add3A_1287 = arith.addf %add3A_1284, %get3A_1286 : vector<16xf32>
    %get3A_1288 = arith.constant 2288 : index
    %get3A_1289 = tpu.vector_load %arg7[%get3A_1288] {strides = array<i32>} : memref<4096xf32, #tpu.memory_space<vmem>>, vector<16xf32>,
    %add3A_1290 = arith.addf %add3A_1287, %get3A_1289 : vector<16xf32>
    %get3A_1291 = arith.constant 2544 : index
    %get3A_1292 = tpu.vector_load %arg7[%get3A_1291] {strides = array<i32>} : memref<4096xf32, #tpu.memory_space<vmem>>, vector<16xf32>,
    %add3A_1293 = arith.addf %add3A_1290, %get3A_1292 : vector<16xf32>
    %get3A_1294 = arith.constant 2800 : index
    %get3A_1295 = tpu.vector_load %arg7[%get3A_1294] {strides = array<i32>} : memref<4096xf32, #tpu.memory_space<vmem>>, vector<16xf32>,
    %add3A_1296 = arith.addf %add3A_1293, %get3A_1295 : vector<16xf32>
    %get3A_1297 = arith.constant 3056 : index
    %get3A_1298 = tpu.vector_load %arg7[%get3A_1297] {strides = array<i32>} : memref<4096xf32, #tpu.memory_space<vmem>>, vector<16xf32>,
    %add3A_1299 = arith.addf %add3A_1296, %get3A_1298 : vector<16xf32>
    %get3A_1300 = arith.constant 3312 : index
    %get3A_1301 = tpu.vector_load %arg7[%get3A_1300] {strides = array<i32>} : memref<4096xf32, #tpu.memory_space<vmem>>, vector<16xf32>,
    %add3A_1302 = arith.addf %add3A_1299, %get3A_1301 : vector<16xf32>
    %get3A_1303 = arith.constant 3568 : index
    %get3A_1304 = tpu.vector_load %arg7[%get3A_1303] {strides = array<i32>} : memref<4096xf32, #tpu.memory_space<vmem>>, vector<16xf32>,
    %add3A_1305 = arith.addf %add3A_1302, %get3A_1304 : vector<16xf32>
    %get3A_1306 = arith.constant 3824 : index
    %get3A_1307 = tpu.vector_load %arg7[%get3A_1306] {strides = array<i32>} : memref<4096xf32, #tpu.memory_space<vmem>>, vector<16xf32>,
    %add3A_1308 = arith.addf %add3A_1305, %get3A_1307 : vector<16xf32>
    %get3A_1309 = arith.constant 4080 : index
    %get3A_1310 = tpu.vector_load %arg7[%get3A_1309] {strides = array<i32>} : memref<4096xf32, #tpu.memory_space<vmem>>, vector<16xf32>,
    %add3A_1311 = arith.addf %add3A_1308, %get3A_1310 : vector<16xf32>
    %swap3A_1312 = arith.constant 240 : index
    %swap3A_1313 = tpu.vector_load %arg8[%swap3A_1312] {strides = array<i32>} : memref<256xf32, #tpu.memory_space<vmem>>, vector<16xf32>,
    tpu.vector_store %arg8[%swap3A_1312], %add3A_1311 {strides = array<i32>} : memref<256xf32, #tpu.memory_space<vmem>>, vector<16xf32>,
    "tpu.region"() ({
      %run_scoped3A = tpu.sem_alloc : memref<!tpu.dma_semaphore, #tpu.memory_space<semaphore_mem>>
      %dma_start3A_1314 = arith.constant 0 : i32
      %dma_start3A_1315 = tpu.memref_slice %arg4[%add3A, %dma_start3A_1314] : memref<32x256xf32, #tpu.memory_space<hbm>> -> memref<1x256xf32, #tpu.memory_space<hbm>>
      %dma_start3A_1316 = tpu.memref_squeeze %dma_start3A_1315 : memref<1x256xf32, #tpu.memory_space<hbm>> -> memref<256xf32, #tpu.memory_space<hbm>>
      %dma_start3A_1317 = arith.constant 0 : i32
      %dma_start3A_1318 = tpu.memref_slice %arg4[%add3A, %dma_start3A_1317] : memref<32x256xf32, #tpu.memory_space<hbm>> -> memref<1x256xf32, #tpu.memory_space<hbm>>
      %dma_start3A_1319 = tpu.memref_squeeze %dma_start3A_1318 : memref<1x256xf32, #tpu.memory_space<hbm>> -> memref<256xf32, #tpu.memory_space<hbm>>
      tpu.enqueue_dma source(%arg8 : memref<256xf32, #tpu.memory_space<vmem>>) target(%dma_start3A_1319 : memref<256xf32, #tpu.memory_space<hbm>>) target_semaphore(%run_scoped3A : memref<!tpu.dma_semaphore, #tpu.memory_space<semaphore_mem>>)
      %dma_wait3A_1320 = arith.constant 0 : i32
      %dma_wait3A_1321 = tpu.memref_slice %arg4[%add3A, %dma_wait3A_1320] : memref<32x256xf32, #tpu.memory_space<hbm>> -> memref<1x256xf32, #tpu.memory_space<hbm>>
      %dma_wait3A_1322 = tpu.memref_squeeze %dma_wait3A_1321 : memref<1x256xf32, #tpu.memory_space<hbm>> -> memref<256xf32, #tpu.memory_space<hbm>>
      %dma_wait3A_1323 = arith.constant 0 : i32
      %dma_wait3A_1324 = tpu.memref_slice %arg4[%add3A, %dma_wait3A_1323] : memref<32x256xf32, #tpu.memory_space<hbm>> -> memref<1x256xf32, #tpu.memory_space<hbm>>
      %dma_wait3A_1325 = tpu.memref_squeeze %dma_wait3A_1324 : memref<1x256xf32, #tpu.memory_space<hbm>> -> memref<256xf32, #tpu.memory_space<hbm>>
      tpu.wait_dma2 semaphore(%run_scoped3A : memref<!tpu.dma_semaphore, #tpu.memory_space<semaphore_mem>>) src(%arg8 : memref<256xf32, #tpu.memory_space<vmem>>) dst(%dma_wait3A_1325 : memref<256xf32, #tpu.memory_space<hbm>>)
      tpu.yield
    }) : () -> ()
    return
  }
}

module attributes {stable_mosaic.version = 14 : i64} {
  func.func @_tc_loss_body(%arg0: memref<32x256xf32, #tpu.memory_space<vmem>>, %arg1: memref<1x1xf32, #tpu.memory_space<smem>>) attributes {dimension_semantics = [], scalar_prefetch = 0 : i64, scratch_operands = 0 : i64, tpu.core_type = #tpu.core_type<tc>} {
    %get3A = arith.constant 0 : index
    %get3A_0 = arith.constant 0 : index
    %get3A_1 = vector.load %arg0[%get3A, %get3A_0] : memref<32x256xf32, #tpu.memory_space<vmem>>, vector<32x256xf32>
    %reduce_sum3A = arith.constant dense<0.000000e+00> : vector<256xf32>
    %reduce_sum3A_2 = vector.multi_reduction <add>, %get3A_1, %reduce_sum3A [0] : vector<32x256xf32> to vector<256xf32>
    %broadcast_in_dim3A = vector.shape_cast %reduce_sum3A_2 : vector<256xf32> to vector<1x256xf32>
    %mul3A = arith.constant 1.562500e-02 : f32
    %mul3A_3 = vector.broadcast %mul3A : f32 to vector<1x256xf32>
    %mul3A_4 = arith.mulf %broadcast_in_dim3A, %mul3A_3 : vector<1x256xf32>
    %iota3A = tpu.iota {dimensions = array<i32: 1>} : vector<1x256xi32>
    %lt3A = arith.constant 65 : i32
    %lt3A_5 = vector.broadcast %lt3A : i32 to vector<1x256xi32>
    %lt3A_6 = arith.cmpi slt, %iota3A, %lt3A_5 : vector<1x256xi32>
    %ge3A = arith.constant 128 : i32
    %ge3A_7 = vector.broadcast %ge3A : i32 to vector<1x256xi32>
    %ge3A_8 = arith.cmpi sge, %iota3A, %ge3A_7 : vector<1x256xi32>
    %lt3A_9 = arith.constant 193 : i32
    %lt3A_10 = vector.broadcast %lt3A_9 : i32 to vector<1x256xi32>
    %lt3A_11 = arith.cmpi slt, %iota3A, %lt3A_10 : vector<1x256xi32>
    %and3A = arith.andi %ge3A_8, %lt3A_11 : vector<1x256xi1>
    %jit3A = arith.constant 0.000000e+00 : f32
    %broadcast_in_dim3A_12 = vector.broadcast %jit3A : f32 to vector<1x256xf32>
    %select_n3A = arith.select %lt3A_6, %mul3A_4, %broadcast_in_dim3A_12 : vector<1x256xi1>, vector<1x256xf32>
    %reduce_sum3A_13 = vector.shape_cast %select_n3A : vector<1x256xf32> to vector<1x1x256xf32>
    %reduce_sum3A_14 = arith.constant dense<0.000000e+00> : vector<1xf32>
    %reduce_sum3A_15 = vector.multi_reduction <add>, %reduce_sum3A_13, %reduce_sum3A_14 [1, 2] : vector<1x1x256xf32> to vector<1xf32>
    %reduce_sum3A_16 = vector.shape_cast %reduce_sum3A_15 : vector<1xf32> to vector<1x1x1xf32>
    %reduce_sum3A_17 = vector.extract %reduce_sum3A_16[0, 0, 0] : f32 from vector<1x1x1xf32>
    %jit3A_18 = arith.constant 0.000000e+00 : f32
    %broadcast_in_dim3A_19 = vector.broadcast %jit3A_18 : f32 to vector<1x256xf32>
    %select_n3A_20 = arith.select %and3A, %mul3A_4, %broadcast_in_dim3A_19 : vector<1x256xi1>, vector<1x256xf32>
    %reduce_sum3A_21 = vector.shape_cast %select_n3A_20 : vector<1x256xf32> to vector<1x1x256xf32>
    %reduce_sum3A_22 = arith.constant dense<0.000000e+00> : vector<1xf32>
    %reduce_sum3A_23 = vector.multi_reduction <add>, %reduce_sum3A_21, %reduce_sum3A_22 [1, 2] : vector<1x1x256xf32> to vector<1xf32>
    %reduce_sum3A_24 = vector.shape_cast %reduce_sum3A_23 : vector<1xf32> to vector<1x1x1xf32>
    %reduce_sum3A_25 = vector.extract %reduce_sum3A_24[0, 0, 0] : f32 from vector<1x1x1xf32>
    %eq3A = arith.constant 0 : i32
    %eq3A_26 = vector.broadcast %eq3A : i32 to vector<1x256xi32>
    %eq3A_27 = arith.cmpi eq, %iota3A, %eq3A_26 : vector<1x256xi32>
    %jit3A_28 = arith.constant 0.699999988 : f32
    %jit3A_29 = arith.constant 0.000000e+00 : f32
    %broadcast_in_dim3A_30 = vector.broadcast %jit3A_28 : f32 to vector<1x256xf32>
    %broadcast_in_dim3A_31 = vector.broadcast %jit3A_29 : f32 to vector<1x256xf32>
    %select_n3A_32 = arith.select %eq3A_27, %broadcast_in_dim3A_30, %broadcast_in_dim3A_31 : vector<1x256xi1>, vector<1x256xf32>
    %eq3A_33 = arith.constant 64 : i32
    %eq3A_34 = vector.broadcast %eq3A_33 : i32 to vector<1x256xi32>
    %eq3A_35 = arith.cmpi eq, %iota3A, %eq3A_34 : vector<1x256xi32>
    %jit3A_36 = arith.constant 3.000000e-01 : f32
    %jit3A_37 = arith.constant 0.000000e+00 : f32
    %broadcast_in_dim3A_38 = vector.broadcast %jit3A_36 : f32 to vector<1x256xf32>
    %broadcast_in_dim3A_39 = vector.broadcast %jit3A_37 : f32 to vector<1x256xf32>
    %select_n3A_40 = arith.select %eq3A_35, %broadcast_in_dim3A_38, %broadcast_in_dim3A_39 : vector<1x256xi1>, vector<1x256xf32>
    %add3A = arith.addf %select_n3A_32, %select_n3A_40 : vector<1x256xf32>
    %eq3A_41 = arith.constant 192 : i32
    %eq3A_42 = vector.broadcast %eq3A_41 : i32 to vector<1x256xi32>
    %eq3A_43 = arith.cmpi eq, %iota3A, %eq3A_42 : vector<1x256xi32>
    %jit3A_44 = arith.constant 1.000000e+00 : f32
    %jit3A_45 = arith.constant 0.000000e+00 : f32
    %broadcast_in_dim3A_46 = vector.broadcast %jit3A_44 : f32 to vector<1x256xf32>
    %broadcast_in_dim3A_47 = vector.broadcast %jit3A_45 : f32 to vector<1x256xf32>
    %select_n3A_48 = arith.select %eq3A_43, %broadcast_in_dim3A_46, %broadcast_in_dim3A_47 : vector<1x256xi1>, vector<1x256xf32>
    %add3A_49 = arith.constant 9.99999993E-9 : f32
    %add3A_50 = arith.addf %reduce_sum3A_17, %add3A_49 : f32
    %div3A = vector.broadcast %add3A_50 : f32 to vector<1x256xf32>
    %div3A_51 = arith.divf %mul3A_4, %div3A : vector<1x256xf32>
    %sub3A = arith.subf %div3A_51, %add3A : vector<1x256xf32>
    %abs3A = math.absf %sub3A : vector<1x256xf32>
    %jit3A_52 = arith.constant 0.000000e+00 : f32
    %broadcast_in_dim3A_53 = vector.broadcast %jit3A_52 : f32 to vector<1x256xf32>
    %select_n3A_54 = arith.select %lt3A_6, %abs3A, %broadcast_in_dim3A_53 : vector<1x256xi1>, vector<1x256xf32>
    %reduce_sum3A_55 = vector.shape_cast %select_n3A_54 : vector<1x256xf32> to vector<1x1x256xf32>
    %reduce_sum3A_56 = arith.constant dense<0.000000e+00> : vector<1xf32>
    %reduce_sum3A_57 = vector.multi_reduction <add>, %reduce_sum3A_55, %reduce_sum3A_56 [1, 2] : vector<1x1x256xf32> to vector<1xf32>
    %reduce_sum3A_58 = vector.shape_cast %reduce_sum3A_57 : vector<1xf32> to vector<1x1x1xf32>
    %reduce_sum3A_59 = vector.extract %reduce_sum3A_58[0, 0, 0] : f32 from vector<1x1x1xf32>
    %add3A_60 = arith.constant 9.99999993E-9 : f32
    %add3A_61 = arith.addf %reduce_sum3A_25, %add3A_60 : f32
    %div3A_62 = vector.broadcast %add3A_61 : f32 to vector<1x256xf32>
    %div3A_63 = arith.divf %mul3A_4, %div3A_62 : vector<1x256xf32>
    %sub3A_64 = arith.subf %div3A_63, %select_n3A_48 : vector<1x256xf32>
    %abs3A_65 = math.absf %sub3A_64 : vector<1x256xf32>
    %jit3A_66 = arith.constant 0.000000e+00 : f32
    %broadcast_in_dim3A_67 = vector.broadcast %jit3A_66 : f32 to vector<1x256xf32>
    %select_n3A_68 = arith.select %and3A, %abs3A_65, %broadcast_in_dim3A_67 : vector<1x256xi1>, vector<1x256xf32>
    %reduce_sum3A_69 = vector.shape_cast %select_n3A_68 : vector<1x256xf32> to vector<1x1x256xf32>
    %reduce_sum3A_70 = arith.constant dense<0.000000e+00> : vector<1xf32>
    %reduce_sum3A_71 = vector.multi_reduction <add>, %reduce_sum3A_69, %reduce_sum3A_70 [1, 2] : vector<1x1x256xf32> to vector<1xf32>
    %reduce_sum3A_72 = vector.shape_cast %reduce_sum3A_71 : vector<1xf32> to vector<1x1x1xf32>
    %reduce_sum3A_73 = vector.extract %reduce_sum3A_72[0, 0, 0] : f32 from vector<1x1x1xf32>
    %mul3A_74 = arith.constant 1.66666663 : f32
    %mul3A_75 = arith.mulf %mul3A_74, %reduce_sum3A_59 : f32
    %add3A_76 = arith.addf %reduce_sum3A_73, %mul3A_75 : f32
    %div3A_77 = arith.constant 6.500000e+01 : f32
    %div3A_78 = arith.divf %add3A_76, %div3A_77 : f32
    %swap3A = arith.constant 0 : index
    %swap3A_79 = arith.constant 0 : index
    %swap3A_80 = memref.load %arg1[%swap3A, %swap3A_79] : memref<1x1xf32, #tpu.memory_space<smem>>
    memref.store %div3A_78, %arg1[%swap3A, %swap3A_79] : memref<1x1xf32, #tpu.memory_space<smem>>
    return
  }
}

</mosaic_0001>

<sc_bundles>
// kernel: kernel.4.cloned.1.call-start
scs
__scs_entry_jumppad:
0x0: {  	(pc) =	sbr.rel $0x88, $3  }
0x1: {  	(tag) =	ssettag $0x0;
	lr =	simm.s32 $0x1  }
0x2: {  	[smem:$0x3F9F] =	sst lr;
	_ =	strace $0xD0000000  }
0x3: {  	_ = 	snop  }
0x4: {  	_ = 	snop  }
0x5: {  	_ = 	snop  }
0x6: {  	_ = 	snop  }
0x7: {  	_ = 	snop  }
__scs_overlays_trampoline_lowered:
0x8: {  	[smem:$0x3FAE] =	sst s0  }
0x9: {  	[smem:$0x3FAF] =	sst s1  }
0xa: {  	[smem:$0x3FB0] =	sst s2  }
0xb: {  	[smem:$0x3FB1] =	sst s3  }
0xc: {  	[smem:$0x3FB2] =	sst s4  }
0xd: {  	[smem:$0x3FB3] =	sst s5  }
0xe: {  	[smem:$0x3FB4] =	sst s6  }
0xf: {  	[smem:$0x3FB5] =	sst s7  }
0x10: {  	[smem:$0x3FB6] =	sst s8  }
0x11: {  	[smem:$0x3FB7] =	sst s9;
	s0 =	simm.s32 @!p0 $0x0  }
0x12: {  	s1 =	sld [smem:$0x3F9D];
	s0 =	simm.s32 @p0 $0x1  }
0x13: {  	[smem:$0x3FB8] =	sst s0;
	s0 =	simm.s32 @!p1 $0x0  }
0x14: {  	s2 =	sld [smem:$0x3F9C];
	s0 =	simm.s32 @p1 $0x1  }
0x15: {  	[smem:$0x3FB9] =	sst s0;
	s0 =	simm.s32 @!p2 $0x0  }
0x16: {  	s3 =	sld [smem:$0x3FDB];
	s0 =	simm.s32 @p2 $0x1  }
0x17: {  	s4 =	simm.s32 $0x1BF5;
	[smem:$0x3FBB] =	sst s0  }
0x18: {  	s0 =	sld [smem:$0x3F9E];
	_ =	swait.ge [sflag:s4], $0x0  }
0x19: {  	s7 =	sld [smem:$0x3F9F]  }
0x1a: {  	s8 =	sadd.s32 $0xFFFFE003, lr  }
0x1b: {  	s9 =	sadd.s32 $0xFFFFFEF7, lr;
	s5 =	simm.s32 $0xFFFFFFFF;
	p2 =	slt.u32 s8, $0xFFFFF086  }
0x1c: {  	p1 =	slt.u32 s9, $0xF7A;
	s5 =	simm.s32 @!p2 $0x0  }
0x1d: {  	s5 =	simm.s32 @p1 $0x1;
	p0 =	seq.s32 s7, s2  }
0x1e: {  	s7 =	smul.u32 @!p0 $0xF7A, s2;
	p2 =	seq.s32 @!p0 s5, $0x0  }
0x1f: {  	s9 =	smul.u32 $0xF7A, s1;
	s8 =	simm.s32 @!p0 $0x1BF5;
	p2 =	por !p2, p0  }
0x20: {  	[sflag:s8] =	ssyncset.s32 @!p0 $0xFFFFF086;
	s6 =	sadd.s32 @!p0 s3, s7;
	s7 =	simm.s32 @!p0 $0x108  }
0x21: {  	s3 =	sadd.s32 s3, s9;
	s6 =	sadd.s32 @!p0 $0x88, s6;
	s7 =	simm.s32 @p2 $0x1082  }
0x22: {  	[simem:s7], [sflag:s8] =	dma.local @!p0 [hbm:s6], $0xF7A  }
0x23: {  	s9 =	sor.u32 $0xD0000000, s2;
	s6 =	simm.s32 $0x108;
	_ =	swait.ge @!p0 [sflag:s8], $0x0  }
0x24: {  	s3 =	sadd.s32 $0x88, s3;
	s6 =	simm.s32 @!p1 $0x1082;
	[sflag:s4] =	ssyncset.s32 $0xFFFFF086  }
0x25: {  	[simem:s6], [sflag:s4] =	dma.local [hbm:s3], $0xF7A  }
0x26: {  	[smem:$0x3F9F] =	sst s1;
	(tag) =	ssettag s2;
	_ =	strace s9  }
0x27: {  	s1 =	sld [smem:$0x3FAF]  }
0x28: {  	s2 =	sld [smem:$0x3FB0]  }
0x29: {  	s4 =	sld [smem:$0x3FB2]  }
0x2a: {  	p0 =	seq.s32 s5, $0x0;
	s5 =	sld [smem:$0x3FB3]  }
0x2b: {  	s6 =	sld [smem:$0x3FB4]  }
0x2c: {  	s7 =	sld [smem:$0x3FB5]  }
0x2d: {  	s3 =	simm.s32 $0x108;
	s8 =	sld [smem:$0x3FB6]  }
0x2e: {  	s3 =	simm.s32 @!p0 $0x1082;
	s9 =	sld [smem:$0x3FB7]  }
0x2f: {  	lr =	sadd.s32 s0, s3;
	s0 =	sld [smem:$0x3FAE]  }
0x30: {  	s3 =	sld [smem:$0x3FB1]  }
0x31: {  	[smem:$0x3FBA] =	sst s10  }
0x32: {  	s10 =	sld [smem:$0x3FB8];
	_ =	sdelay $0x3  }
0x33: {  	p0 =	seq.s32 s10, $0x1;
	s10 =	sld [smem:$0x3FBA];
	_ =	sdelay $0x3  }
0x34: {  	[smem:$0x3FBA] =	sst s10  }
0x35: {  	s10 =	sld [smem:$0x3FB9];
	_ =	sdelay $0x3  }
0x36: {  	p1 =	seq.s32 s10, $0x1;
	s10 =	sld [smem:$0x3FBA];
	_ =	sdelay $0x3  }
0x37: {  	[smem:$0x3FBA] =	sst s10  }
0x38: {  	s10 =	sld [smem:$0x3FBB]  }
0x39: {  	_ = 	snop;
	(pc) =	sbr.ind lr, $3  }
0x3a: {  	_ = 	snop  }
0x3b: {  	_ = 	snop  }
0x3c: {  	p2 =	seq.s32 s10, $0x1;
	s10 =	sld [smem:$0x3FBA]  }
0x3d: {  	_ =	shalt  }
0x3e: {  	_ =	shalt  }
0x3f: {  	_ =	shalt  }
0x40: {  	_ =	shalt  }
0x41: {  	_ =	shalt  }
0x42: {  	_ =	shalt  }
0x43: {  	_ =	shalt  }
0x44: {  	_ =	shalt  }
0x45: {  	_ =	shalt  }
0x46: {  	_ =	shalt  }
0x47: {  	_ =	shalt  }
0x48: {  	_ =	shalt  }
0x49: {  	_ =	shalt  }
0x4a: {  	_ =	shalt  }
0x4b: {  	_ =	shalt  }
0x4c: {  	_ =	shalt  }
0x4d: {  	_ =	shalt  }
0x4e: {  	_ =	shalt  }
0x4f: {  	_ =	shalt  }
0x50: {  	_ =	shalt  }
0x51: {  	_ =	shalt  }
0x52: {  	_ =	shalt  }
0x53: {  	_ =	shalt  }
0x54: {  	_ =	shalt  }
0x55: {  	_ =	shalt  }
0x56: {  	_ =	shalt  }
0x57: {  	_ =	shalt  }
0x58: {  	_ =	shalt  }
0x59: {  	_ =	shalt  }
0x5a: {  	_ =	shalt  }
0x5b: {  	_ =	shalt  }
0x5c: {  	_ =	shalt  }
0x5d: {  	_ =	shalt  }
0x5e: {  	_ =	shalt  }
0x5f: {  	_ =	shalt  }
0x60: {  	_ =	shalt  }
0x61: {  	_ =	shalt  }
0x62: {  	_ =	shalt  }
0x63: {  	_ =	shalt  }
0x64: {  	_ =	shalt  }
0x65: {  	_ =	shalt  }
0x66: {  	_ =	shalt  }
0x67: {  	_ =	shalt  }
0x68: {  	_ =	shalt  }
0x69: {  	_ =	shalt  }
0x6a: {  	_ =	shalt  }
0x6b: {  	_ =	shalt  }
0x6c: {  	_ =	shalt  }
0x6d: {  	_ =	shalt  }
0x6e: {  	_ =	shalt  }
0x6f: {  	_ =	shalt  }
0x70: {  	_ =	shalt  }
0x71: {  	_ =	shalt  }
0x72: {  	_ =	shalt  }
0x73: {  	_ =	shalt  }
0x74: {  	_ =	shalt  }
0x75: {  	_ =	shalt  }
0x76: {  	_ =	shalt  }
0x77: {  	_ =	shalt  }
0x78: {  	_ =	shalt  }
0x79: {  	_ =	shalt  }
0x7a: {  	_ =	shalt  }
0x7b: {  	_ =	shalt  }
0x7c: {  	_ =	shalt  }
0x7d: {  	_ =	shalt  }
0x7e: {  	_ =	shalt  }
0x7f: {  	_ =	shalt  }
0x80: {  	_ =	shalt  }
0x81: {  	_ =	shalt  }
0x82: {  	_ =	shalt  }
0x83: {  	_ =	shalt  }
0x84: {  	_ =	shalt  }
0x85: {  	_ =	shalt  }
0x86: {  	_ =	shalt  }
0x87: {  	_ =	shalt  }
.Lfunc_end0:
.L_simem_size_0:
called_computation_lowered:
.L_overlay_start_0:
0x88: {  	s2 =	sld [smem:$0x3FD9]  }
0x89: {  	s3 =	sld [smem:$0x3FFE];
	_ =	sdelay $0x1  }
0x8a: {  	s1 =	srdreg.scid  }
0x8b: {  	s0 =	sand.u32 $0x1, s1  }
0x8c: {  	s17 =	sshll.u32 s0, $0xA;
	s2 =	sadd.s32 s3, s2  }
0x8d: {  	s2 =	sadd.s32 s2, s17  }
0x8e: {  	[smem:$0x3FC6] =	sst s2  }
0x8f: {  	_ = 	snop  }
0x90: {  	s2 =	sld [smem:$0x3FC9]  }
0x91: {  	s18 =	sld [smem:$0x3FC8];
	(tm) =	ssettm $0x1  }
0x92: {  	s4 =	sld [smem:$0x3FFB];
	_ =	sdelay $0x3  }
0x93: {  	_ =	strace s4  }
0x94: {  	s4 =	sld [smem:$0x3FFC];
	_ =	sdelay $0x3  }
0x95: {  	_ =	strace s4  }
0x96: {  	s4 =	sld [smem:$0x3FFD];
	_ =	sdelay $0x3  }
0x97: {  	_ =	strace s4  }
0x98: {  	_ =	strace $0x8FFFFFFF  }
0x99: {  	s19 =	sld [smem:$0x3FDB];
	_ =	sdelay $0x1  }
0x9a: {  	s5 =	simm.s32 $_scs_section_size  }
0x9b: {  	s6 =	simm.s32 $_size__tile_overlayer_lowered;
	s7 =	simm.s32 $_tile_overlayer_lowered  }
0x9c: {  	s22 =	simm.s32 $0x1BFF;
	s21 =	sshll.u32 s7, $0x1;
	s4 =	sadd.s32 s5, s19  }
0x9d: {  	s8 =	simm.s32 $0x0;
	s20 =	sshll.u32 s6, $0x1;
	s6 =	sadd.s32 s21, s4  }
0x9e: {  	[timem:s8], [sflag:s22] =	dma.local [hbm:s6], s20  }
0x9f: {  	_ =	swait.ge [sflag:s22], s20  }
0xa0: {  	s5 =	ssub.s32 $0x0, s20;
	[sflag:s22] =	ssyncset.done $0x0  }
0xa1: {  	[sflag:s22] =	ssyncadd.s32 s5;
	_ =	sdelay $0x1  }
0xa2: {  	s23 =	simm.s32 $0x1B8B  }
0xa3: {  	_ =	swait.ge [sflag:s23], $0x1  }
0xa4: {  	[sflag:s23] =	ssyncset.done $0x0  }
0xa5: {  	s25 =	simm.s32 $0x1B8E;
	s24 =	sld [smem:$0x3FFE];
	[sflag:s23] =	ssyncadd.s32 $0xFFFFFFFF  }
0xa6: {  	s26 =	simm.s32 $execute0_lowered;
	[smem:$0x3FD2] =	sst s25  }
0xa7: {  	s6 =	sshll.u32 s26, $0x1;
	_ =	strace $0x80000046;
	[dreg:$0x1] =	wrdreg $0xFFFFFFFF  }
0xa8: {  	s28 =	simm.s32 $_size_execute0_lowered;
	s4 =	sadd.s32 s4, s6;
	[dreg:$0x0] =	wrdreg $0x0  }
0xa9: {  	s6 =	sshll.u32 s28, $0x1;
	[dreg:$0x2] =	wrdreg s4  }
0xaa: {  	[dreg:$0x3] =	wrdreg s6  }
0xab: {  	[dreg:$0x4] =	wrdreg $0xC0  }
0xac: {  	_ =	task [dreg:s8], $0x5FFFF  }
0xad: {  	[dreg:$0x1] =	wrdreg $0xFFFFFFFF  }
0xae: {  	[dreg:$0x0] =	wrdreg $0x60  }
0xaf: {  	[dreg:$0x2] =	wrdreg s2  }
0xb0: {  	[dreg:$0x3] =	wrdreg s18  }
0xb1: {  	[dreg:$0x4] =	wrdreg s24  }
0xb2: {  	[dreg:$0x5] =	wrdreg $0x9  }
0xb3: {  	_ =	task.clear_ibuf [dreg:s8], $0x6FFFF;
	_ =	strace $0x90000046  }
0xb4: {  	s29 =	simm.s32 $0x9;
	_ =	strace $0x80000048  }
0xb5: {  	_ =	swait.ge [sflag:s29], $0x1  }
0xb6: {  	[sflag:s29] =	ssyncadd.s32 $0xFFFFFFFF  }
0xb7: {  	_ =	strace $0x90000048  }
0xb8: {  	_ =	sfence  }
0xb9: {  	s30 =	sld [smem:$0x0];
	_ =	sdelay $0x2  }
0xba: {  	s31 =	sshll.u32 s1, $0xD;
	s1 =	sshrl.u32 s1, $0x2  }
0xbb: {  	s3 =	sand.u32 $0x4000, s31;
	s1 =	sadd.s32 s1, s30  }
0xbc: {  	s0 =	sor.u32 s3, s0;
	s1 =	sshll.u32 s1, $0x11  }
0xbd: {  	s0 =	sor.u32 s1, s0  }
0xbe: {  	s0 =	sadd.s32 $0x8F2B, s0  }
0xbf: {  	[sflag:s0] =	ssyncadd.remote.s32 $0x1  }
0xc0: {  	_ =	sfence.sel $0xFFFF  }
0xc1: {  	[dreg:$0x0] =	wrdreg $0xFFFFFFFF;
	(pc) =	sbr.abs _section_cstart, $3  }
0xc2: {  	[dreg:$0x1] =	wrdreg $0xFFFFFFFF  }
0xc3: {  	_ =	task.clear_ibuf [dreg:s8], $0x2FFFF;
	_ =	strace $0x9FFFFFFF  }
0xc4: {  	(tm) =	ssettm $0x7FFFFFFF  }
0xc5: {  	_ =	shalt  }
tec
execute0_lowered:
.L_overlay_start_1:
0x0: {  	(tag) =	ssettag $0x1  }
0x1: {  	s3 =	rddreg [dreg:$0x0]  }
0x2: {  	s4 =	rddreg [dreg:$0x1]  }
0x3: {  	s5 =	rddreg [dreg:$0x2]  }
0x4: {  	s0 =	rddreg [dreg:$0x3];
	s2 =	simm.s32 $0x0  }
0x5: {  	s1 =	stileid.u32;
	s6 =	srdreg.scid;
	s10 =	simm.s32 $0x10000  }
0x6: {  	s11 =	simm.s32 $0x80;
	s12 =	simm.s32 $0x400;
	s13 =	simm.s32 $0x11000  }
0x7: {  	s14 =	simm.s32 $0x3;
	s15 =	simm.s32 $0x0;
	[smem:$0x7FF] =	sst s2  }
0x8: {  	s7 =	sshll.u32 s1, $0x6;
	s6 =	sand.u32 $0x1, s6;
	s8 =	sshll.u32 s1, $0x1  }
0x9: {  	_ =	strace $0x80000047;
	s7 =	sand.u32 $0x300, s7;
	s8 =	sor.u32 s6, s8  }
0xa: {  	s6 =	ssub.s32 $0x2, s6;
	s5 =	sadd.s32 s7, s5;
	s31 =	sshll.u32 s8, $0x4  }
0xb: {  	s9 =	sshrl.u32 s6, $0x1;
	s8 =	sshll.u32 s8, $0xC;
	s7 =	sand.u32 $0x70, s31  }
0xc: {  	s6 =	ssub.s32 s6, s9;
	s3 =	sadd.s32 s3, s8;
	s4 =	sadd.s32 s4, s8  }
0xd: {  	v1 =	vlaneseq.u32;
	s8 =	simm.s32 $0x1;
	s9 =	simm.s32 $0x2;
	s5 =	sadd.s32 s7, s5  }
0xe: {  	v0 =	vimm.f32 $0.0e+00;
	v1 =	vmul.u32 $0x100, v1;
	s6 =	smax.u32 s6, $0x1;
	s7 =	simm.s32 $0x8000;
	s5 =	sadd.s32 $0x600, s5  }
.LBB2_1:
0xf: {  	[tilespmem:s2], [sflag:$0x1] =	stream.linear.gather [hbm4b:s3+s2], $0x8000, $0x38;
	[tilespmem:$0x11100] =	vst v63  }
0x10: {  	_ = 	snop  }
0x11: {  	[tilespmem:s7], [sflag:$0x2] =	stream.linear.gather [hbm4b:s4+s2], $0x8000, $0x38;
	[tilespmem:$0x11100] =	vst v63  }
0x12: {  	[tilespmem:$0x10000] =	vst v0  }
0x13: {  	[tilespmem:$0x10010] =	vst v0  }
0x14: {  	[tilespmem:$0x10020] =	vst v0  }
0x15: {  	[tilespmem:$0x10030] =	vst v0  }
0x16: {  	[tilespmem:$0x10040] =	vst v0  }
0x17: {  	[tilespmem:$0x10050] =	vst v0  }
0x18: {  	[tilespmem:$0x10060] =	vst v0  }
0x19: {  	[tilespmem:$0x10070] =	vst v0  }
0x1a: {  	[tilespmem:$0x10080] =	vst v0  }
0x1b: {  	[tilespmem:$0x10090] =	vst v0  }
0x1c: {  	[tilespmem:$0x100A0] =	vst v0  }
0x1d: {  	[tilespmem:$0x100B0] =	vst v0  }
0x1e: {  	[tilespmem:$0x100C0] =	vst v0  }
0x1f: {  	[tilespmem:$0x100D0] =	vst v0  }
0x20: {  	[tilespmem:$0x100E0] =	vst v0  }
0x21: {  	[tilespmem:$0x100F0] =	vst v0  }
0x22: {  	[tilespmem:$0x10100] =	vst v0  }
0x23: {  	[tilespmem:$0x10110] =	vst v0  }
0x24: {  	[tilespmem:$0x10120] =	vst v0  }
0x25: {  	[tilespmem:$0x10130] =	vst v0  }
0x26: {  	[tilespmem:$0x10140] =	vst v0  }
0x27: {  	[tilespmem:$0x10150] =	vst v0  }
0x28: {  	[tilespmem:$0x10160] =	vst v0  }
0x29: {  	[tilespmem:$0x10170] =	vst v0  }
0x2a: {  	[tilespmem:$0x10180] =	vst v0  }
0x2b: {  	[tilespmem:$0x10190] =	vst v0  }
0x2c: {  	[tilespmem:$0x101A0] =	vst v0  }
0x2d: {  	[tilespmem:$0x101B0] =	vst v0  }
0x2e: {  	[tilespmem:$0x101C0] =	vst v0  }
0x2f: {  	[tilespmem:$0x101D0] =	vst v0  }
0x30: {  	[tilespmem:$0x101E0] =	vst v0  }
0x31: {  	[tilespmem:$0x101F0] =	vst v0  }
0x32: {  	[tilespmem:$0x10200] =	vst v0  }
0x33: {  	[tilespmem:$0x10210] =	vst v0  }
0x34: {  	[tilespmem:$0x10220] =	vst v0  }
0x35: {  	[tilespmem:$0x10230] =	vst v0  }
0x36: {  	[tilespmem:$0x10240] =	vst v0  }
0x37: {  	[tilespmem:$0x10250] =	vst v0  }
0x38: {  	[tilespmem:$0x10260] =	vst v0  }
0x39: {  	[tilespmem:$0x10270] =	vst v0  }
0x3a: {  	[tilespmem:$0x10280] =	vst v0  }
0x3b: {  	[tilespmem:$0x10290] =	vst v0  }
0x3c: {  	[tilespmem:$0x102A0] =	vst v0  }
0x3d: {  	[tilespmem:$0x102B0] =	vst v0  }
0x3e: {  	[tilespmem:$0x102C0] =	vst v0  }
0x3f: {  	[tilespmem:$0x102D0] =	vst v0  }
0x40: {  	[tilespmem:$0x102E0] =	vst v0  }
0x41: {  	[tilespmem:$0x102F0] =	vst v0  }
0x42: {  	[tilespmem:$0x10300] =	vst v0  }
0x43: {  	[tilespmem:$0x10310] =	vst v0  }
0x44: {  	[tilespmem:$0x10320] =	vst v0  }
0x45: {  	[tilespmem:$0x10330] =	vst v0  }
0x46: {  	[tilespmem:$0x10340] =	vst v0  }
0x47: {  	[tilespmem:$0x10350] =	vst v0  }
0x48: {  	[tilespmem:$0x10360] =	vst v0  }
0x49: {  	[tilespmem:$0x10370] =	vst v0  }
0x4a: {  	[tilespmem:$0x10380] =	vst v0  }
0x4b: {  	[tilespmem:$0x10390] =	vst v0  }
0x4c: {  	[tilespmem:$0x103A0] =	vst v0  }
0x4d: {  	[tilespmem:$0x103B0] =	vst v0  }
0x4e: {  	[tilespmem:$0x103C0] =	vst v0  }
0x4f: {  	[tilespmem:$0x103D0] =	vst v0  }
0x50: {  	[tilespmem:$0x103E0] =	vst v0  }
0x51: {  	[tilespmem:$0x103F0] =	vst v0  }
0x52: {  	[tilespmem:$0x10400] =	vst v0  }
0x53: {  	[tilespmem:$0x10410] =	vst v0  }
0x54: {  	[tilespmem:$0x10420] =	vst v0  }
0x55: {  	[tilespmem:$0x10430] =	vst v0  }
0x56: {  	[tilespmem:$0x10440] =	vst v0  }
0x57: {  	[tilespmem:$0x10450] =	vst v0  }
0x58: {  	[tilespmem:$0x10460] =	vst v0  }
0x59: {  	[tilespmem:$0x10470] =	vst v0  }
0x5a: {  	[tilespmem:$0x10480] =	vst v0  }
0x5b: {  	[tilespmem:$0x10490] =	vst v0  }
0x5c: {  	[tilespmem:$0x104A0] =	vst v0  }
0x5d: {  	[tilespmem:$0x104B0] =	vst v0  }
0x5e: {  	[tilespmem:$0x104C0] =	vst v0  }
0x5f: {  	[tilespmem:$0x104D0] =	vst v0  }
0x60: {  	[tilespmem:$0x104E0] =	vst v0  }
0x61: {  	[tilespmem:$0x104F0] =	vst v0  }
0x62: {  	[tilespmem:$0x10500] =	vst v0  }
0x63: {  	[tilespmem:$0x10510] =	vst v0  }
0x64: {  	[tilespmem:$0x10520] =	vst v0  }
0x65: {  	[tilespmem:$0x10530] =	vst v0  }
0x66: {  	[tilespmem:$0x10540] =	vst v0  }
0x67: {  	[tilespmem:$0x10550] =	vst v0  }
0x68: {  	[tilespmem:$0x10560] =	vst v0  }
0x69: {  	[tilespmem:$0x10570] =	vst v0  }
0x6a: {  	[tilespmem:$0x10580] =	vst v0  }
0x6b: {  	[tilespmem:$0x10590] =	vst v0  }
0x6c: {  	[tilespmem:$0x105A0] =	vst v0  }
0x6d: {  	[tilespmem:$0x105B0] =	vst v0  }
0x6e: {  	[tilespmem:$0x105C0] =	vst v0  }
0x6f: {  	[tilespmem:$0x105D0] =	vst v0  }
0x70: {  	[tilespmem:$0x105E0] =	vst v0  }
0x71: {  	[tilespmem:$0x105F0] =	vst v0  }
0x72: {  	[tilespmem:$0x10600] =	vst v0  }
0x73: {  	[tilespmem:$0x10610] =	vst v0  }
0x74: {  	[tilespmem:$0x10620] =	vst v0  }
0x75: {  	[tilespmem:$0x10630] =	vst v0  }
0x76: {  	[tilespmem:$0x10640] =	vst v0  }
0x77: {  	[tilespmem:$0x10650] =	vst v0  }
0x78: {  	[tilespmem:$0x10660] =	vst v0  }
0x79: {  	[tilespmem:$0x10670] =	vst v0  }
0x7a: {  	[tilespmem:$0x10680] =	vst v0  }
0x7b: {  	[tilespmem:$0x10690] =	vst v0  }
0x7c: {  	[tilespmem:$0x106A0] =	vst v0  }
0x7d: {  	[tilespmem:$0x106B0] =	vst v0  }
0x7e: {  	[tilespmem:$0x106C0] =	vst v0  }
0x7f: {  	[tilespmem:$0x106D0] =	vst v0  }
0x80: {  	[tilespmem:$0x106E0] =	vst v0  }
0x81: {  	[tilespmem:$0x106F0] =	vst v0  }
0x82: {  	[tilespmem:$0x10700] =	vst v0  }
0x83: {  	[tilespmem:$0x10710] =	vst v0  }
0x84: {  	[tilespmem:$0x10720] =	vst v0  }
0x85: {  	[tilespmem:$0x10730] =	vst v0  }
0x86: {  	[tilespmem:$0x10740] =	vst v0  }
0x87: {  	[tilespmem:$0x10750] =	vst v0  }
0x88: {  	[tilespmem:$0x10760] =	vst v0  }
0x89: {  	[tilespmem:$0x10770] =	vst v0  }
0x8a: {  	[tilespmem:$0x10780] =	vst v0  }
0x8b: {  	[tilespmem:$0x10790] =	vst v0  }
0x8c: {  	[tilespmem:$0x107A0] =	vst v0  }
0x8d: {  	[tilespmem:$0x107B0] =	vst v0  }
0x8e: {  	[tilespmem:$0x107C0] =	vst v0  }
0x8f: {  	[tilespmem:$0x107D0] =	vst v0  }
0x90: {  	[tilespmem:$0x107E0] =	vst v0  }
0x91: {  	[tilespmem:$0x107F0] =	vst v0  }
0x92: {  	[tilespmem:$0x10800] =	vst v0  }
0x93: {  	[tilespmem:$0x10810] =	vst v0  }
0x94: {  	[tilespmem:$0x10820] =	vst v0  }
0x95: {  	[tilespmem:$0x10830] =	vst v0  }
0x96: {  	[tilespmem:$0x10840] =	vst v0  }
0x97: {  	[tilespmem:$0x10850] =	vst v0  }
0x98: {  	[tilespmem:$0x10860] =	vst v0  }
0x99: {  	[tilespmem:$0x10870] =	vst v0  }
0x9a: {  	[tilespmem:$0x10880] =	vst v0  }
0x9b: {  	[tilespmem:$0x10890] =	vst v0  }
0x9c: {  	[tilespmem:$0x108A0] =	vst v0  }
0x9d: {  	[tilespmem:$0x108B0] =	vst v0  }
0x9e: {  	[tilespmem:$0x108C0] =	vst v0  }
0x9f: {  	[tilespmem:$0x108D0] =	vst v0  }
0xa0: {  	[tilespmem:$0x108E0] =	vst v0  }
0xa1: {  	[tilespmem:$0x108F0] =	vst v0  }
0xa2: {  	[tilespmem:$0x10900] =	vst v0  }
0xa3: {  	[tilespmem:$0x10910] =	vst v0  }
0xa4: {  	[tilespmem:$0x10920] =	vst v0  }
0xa5: {  	[tilespmem:$0x10930] =	vst v0  }
0xa6: {  	[tilespmem:$0x10940] =	vst v0  }
0xa7: {  	[tilespmem:$0x10950] =	vst v0  }
0xa8: {  	[tilespmem:$0x10960] =	vst v0  }
0xa9: {  	[tilespmem:$0x10970] =	vst v0  }
0xaa: {  	[tilespmem:$0x10980] =	vst v0  }
0xab: {  	[tilespmem:$0x10990] =	vst v0  }
0xac: {  	[tilespmem:$0x109A0] =	vst v0  }
0xad: {  	[tilespmem:$0x109B0] =	vst v0  }
0xae: {  	[tilespmem:$0x109C0] =	vst v0  }
0xaf: {  	[tilespmem:$0x109D0] =	vst v0  }
0xb0: {  	[tilespmem:$0x109E0] =	vst v0  }
0xb1: {  	[tilespmem:$0x109F0] =	vst v0  }
0xb2: {  	[tilespmem:$0x10A00] =	vst v0  }
0xb3: {  	[tilespmem:$0x10A10] =	vst v0  }
0xb4: {  	[tilespmem:$0x10A20] =	vst v0  }
0xb5: {  	[tilespmem:$0x10A30] =	vst v0  }
0xb6: {  	[tilespmem:$0x10A40] =	vst v0  }
0xb7: {  	[tilespmem:$0x10A50] =	vst v0  }
0xb8: {  	[tilespmem:$0x10A60] =	vst v0  }
0xb9: {  	[tilespmem:$0x10A70] =	vst v0  }
0xba: {  	[tilespmem:$0x10A80] =	vst v0  }
0xbb: {  	[tilespmem:$0x10A90] =	vst v0  }
0xbc: {  	[tilespmem:$0x10AA0] =	vst v0  }
0xbd: {  	[tilespmem:$0x10AB0] =	vst v0  }
0xbe: {  	[tilespmem:$0x10AC0] =	vst v0  }
0xbf: {  	[tilespmem:$0x10AD0] =	vst v0  }
0xc0: {  	[tilespmem:$0x10AE0] =	vst v0  }
0xc1: {  	[tilespmem:$0x10AF0] =	vst v0  }
0xc2: {  	[tilespmem:$0x10B00] =	vst v0  }
0xc3: {  	[tilespmem:$0x10B10] =	vst v0  }
0xc4: {  	[tilespmem:$0x10B20] =	vst v0  }
0xc5: {  	[tilespmem:$0x10B30] =	vst v0  }
0xc6: {  	[tilespmem:$0x10B40] =	vst v0  }
0xc7: {  	[tilespmem:$0x10B50] =	vst v0  }
0xc8: {  	[tilespmem:$0x10B60] =	vst v0  }
0xc9: {  	[tilespmem:$0x10B70] =	vst v0  }
0xca: {  	[tilespmem:$0x10B80] =	vst v0  }
0xcb: {  	[tilespmem:$0x10B90] =	vst v0  }
0xcc: {  	[tilespmem:$0x10BA0] =	vst v0  }
0xcd: {  	[tilespmem:$0x10BB0] =	vst v0  }
0xce: {  	[tilespmem:$0x10BC0] =	vst v0  }
0xcf: {  	[tilespmem:$0x10BD0] =	vst v0  }
0xd0: {  	[tilespmem:$0x10BE0] =	vst v0  }
0xd1: {  	[tilespmem:$0x10BF0] =	vst v0  }
0xd2: {  	[tilespmem:$0x10C00] =	vst v0  }
0xd3: {  	[tilespmem:$0x10C10] =	vst v0  }
0xd4: {  	[tilespmem:$0x10C20] =	vst v0  }
0xd5: {  	[tilespmem:$0x10C30] =	vst v0  }
0xd6: {  	[tilespmem:$0x10C40] =	vst v0  }
0xd7: {  	[tilespmem:$0x10C50] =	vst v0  }
0xd8: {  	[tilespmem:$0x10C60] =	vst v0  }
0xd9: {  	[tilespmem:$0x10C70] =	vst v0  }
0xda: {  	[tilespmem:$0x10C80] =	vst v0  }
0xdb: {  	[tilespmem:$0x10C90] =	vst v0  }
0xdc: {  	[tilespmem:$0x10CA0] =	vst v0  }
0xdd: {  	[tilespmem:$0x10CB0] =	vst v0  }
0xde: {  	[tilespmem:$0x10CC0] =	vst v0  }
0xdf: {  	[tilespmem:$0x10CD0] =	vst v0  }
0xe0: {  	[tilespmem:$0x10CE0] =	vst v0  }
0xe1: {  	[tilespmem:$0x10CF0] =	vst v0  }
0xe2: {  	[tilespmem:$0x10D00] =	vst v0  }
0xe3: {  	[tilespmem:$0x10D10] =	vst v0  }
0xe4: {  	[tilespmem:$0x10D20] =	vst v0  }
0xe5: {  	[tilespmem:$0x10D30] =	vst v0  }
0xe6: {  	[tilespmem:$0x10D40] =	vst v0  }
0xe7: {  	[tilespmem:$0x10D50] =	vst v0  }
0xe8: {  	[tilespmem:$0x10D60] =	vst v0  }
0xe9: {  	[tilespmem:$0x10D70] =	vst v0  }
0xea: {  	[tilespmem:$0x10D80] =	vst v0  }
0xeb: {  	[tilespmem:$0x10D90] =	vst v0  }
0xec: {  	[tilespmem:$0x10DA0] =	vst v0  }
0xed: {  	[tilespmem:$0x10DB0] =	vst v0  }
0xee: {  	[tilespmem:$0x10DC0] =	vst v0  }
0xef: {  	[tilespmem:$0x10DD0] =	vst v0  }
0xf0: {  	[tilespmem:$0x10DE0] =	vst v0  }
0xf1: {  	[tilespmem:$0x10DF0] =	vst v0  }
0xf2: {  	[tilespmem:$0x10E00] =	vst v0  }
0xf3: {  	[tilespmem:$0x10E10] =	vst v0  }
0xf4: {  	[tilespmem:$0x10E20] =	vst v0  }
0xf5: {  	[tilespmem:$0x10E30] =	vst v0  }
0xf6: {  	[tilespmem:$0x10E40] =	vst v0  }
0xf7: {  	[tilespmem:$0x10E50] =	vst v0  }
0xf8: {  	[tilespmem:$0x10E60] =	vst v0  }
0xf9: {  	[tilespmem:$0x10E70] =	vst v0  }
0xfa: {  	[tilespmem:$0x10E80] =	vst v0  }
0xfb: {  	[tilespmem:$0x10E90] =	vst v0  }
0xfc: {  	[tilespmem:$0x10EA0] =	vst v0  }
0xfd: {  	[tilespmem:$0x10EB0] =	vst v0  }
0xfe: {  	[tilespmem:$0x10EC0] =	vst v0  }
0xff: {  	[tilespmem:$0x10ED0] =	vst v0  }
0x100: {  	[tilespmem:$0x10EE0] =	vst v0  }
0x101: {  	[tilespmem:$0x10EF0] =	vst v0  }
0x102: {  	[tilespmem:$0x10F00] =	vst v0  }
0x103: {  	[tilespmem:$0x10F10] =	vst v0  }
0x104: {  	[tilespmem:$0x10F20] =	vst v0  }
0x105: {  	[tilespmem:$0x10F30] =	vst v0  }
0x106: {  	[tilespmem:$0x10F40] =	vst v0  }
0x107: {  	[tilespmem:$0x10F50] =	vst v0  }
0x108: {  	[tilespmem:$0x10F60] =	vst v0  }
0x109: {  	[tilespmem:$0x10F70] =	vst v0  }
0x10a: {  	[tilespmem:$0x10F80] =	vst v0  }
0x10b: {  	[tilespmem:$0x10F90] =	vst v0  }
0x10c: {  	[tilespmem:$0x10FA0] =	vst v0  }
0x10d: {  	[tilespmem:$0x10FB0] =	vst v0  }
0x10e: {  	[tilespmem:$0x10FC0] =	vst v0  }
0x10f: {  	[tilespmem:$0x10FD0] =	vst v0  }
0x110: {  	[tilespmem:$0x10FE0] =	vst v0  }
0x111: {  	[tilespmem:$0x10FF0] =	vst v0  }
0x112: {  	_ =	swait.ge [sflag:s8], $0x8000  }
0x113: {  	[sflag:s8] =	ssyncset.done $0x0  }
0x114: {  	[sflag:s8] =	ssyncadd.s32 $0xFFFF8000  }
0x115: {  	_ =	swait.ge [sflag:s9], $0x8000  }
0x116: {  	[sflag:s9] =	ssyncset.done $0x0  }
0x117: {  	s17 =	simm.s32 $0x0;
	s16 =	simm.s32 $0x40;
	[sflag:s9] =	ssyncadd.s32 $0xFFFF8000  }
.LBB2_2:
0x118: {  	p0 =	sne.s32 s16, $0x7C0;
	v2 =	vld [tilespmem:s17+$0x0];
	_ =	sdelay $0x4  }
0x119: {  	v2 =	vsub.f32 $0.0e+00, v2;
	_ =	sdelay $0x1  }
0x11a: {  	v2 =	vmul.f32 $1.442695020e+00, v2;
	_ =	sdelay $0x1  }
0x11b: {  	(erf) = vpow2.f32 v2;
	_ =	sdelay $0x8  }
0x11c: {  	v2 =	vpop (erf)  }
0x11d: {  	v2 =	vadd.f32 $1.000000000e+00, v2;
	_ =	sdelay $0x1  }
0x11e: {  	(erf) = vrcp.f32 v2;
	_ =	sdelay $0x8  }
0x11f: {  	v2 =	vld [tilespmem:s17+$0x8000];
	v3 =	vpop (erf)  }
0x120: {  	v3 =	vmul.f32 $6.400000000e+01, v3;
	_ =	sdelay $0x1  }
0x121: {  	v4 =	vtrunc.f32 v3  }
0x122: {  	v4 =	vcvt.f32.s32 v4  }
0x123: {  	v2 =	vshll.u32 v2, $0x7  }
0x124: {  	v5 =	vcvt.s32.f32 v4;
	v2 =	vadd.s32 v4, v2  }
0x125: {  	v2 =	vadd.s32 v1, v2  }
0x126: {  	v3 =	vsub.f32 v3, v5;
	v4 =	vadd.s32 $0x1, v2  }
.Ltmp0:
0x127: {  	(pc) =	sbr.rel @p0 .LBB2_2-.Ltmp0, $3  }
0x128: {  	v5 =	vsub.f32 $1.000000000e+00, v3;
	_ =	sdelay $0x1  }
0x129: {  	[tilespmem:v2+s10+$0x0] =	vst.idx.add.f32.msk $0xffff, v5  }
0x12a: {  	s17 =	sshra.s32 s16, $0x2;
	s16 =	sadd.s32 $0x40, s16;
	[tilespmem:v4+s10+$0x0] =	vst.idx.add.f32.msk $0xffff, v3  }
0x12b: {  	v2 =	vld [tilespmem:s17+$0x0];
	_ =	sdelay $0x4  }
0x12c: {  	v2 =	vsub.f32 $0.0e+00, v2;
	_ =	sdelay $0x1  }
0x12d: {  	v2 =	vmul.f32 $1.442695020e+00, v2;
	_ =	sdelay $0x1  }
0x12e: {  	(erf) = vpow2.f32 v2;
	_ =	sdelay $0x8  }
0x12f: {  	v2 =	vpop (erf)  }
0x130: {  	v2 =	vadd.f32 $1.000000000e+00, v2;
	_ =	sdelay $0x1  }
0x131: {  	(erf) = vrcp.f32 v2;
	_ =	sdelay $0x8  }
0x132: {  	v2 =	vld [tilespmem:s17+$0x8000];
	v3 =	vpop (erf)  }
0x133: {  	v3 =	vmul.f32 $6.400000000e+01, v3;
	_ =	sdelay $0x1  }
0x134: {  	v4 =	vtrunc.f32 v3  }
0x135: {  	v4 =	vcvt.f32.s32 v4  }
0x136: {  	v2 =	vshll.u32 v2, $0x7  }
0x137: {  	v5 =	vcvt.s32.f32 v4;
	v2 =	vadd.s32 v4, v2  }
0x138: {  	v2 =	vadd.s32 v1, v2  }
0x139: {  	v3 =	vsub.f32 v3, v5;
	v59 =	vadd.s32 $0x1, v2;
	_ =	sdelay $0x1  }
0x13a: {  	v5 =	vsub.f32 $1.000000000e+00, v3;
	_ =	sdelay $0x1  }
0x13b: {  	[tilespmem:v2+s10+$0x0] =	vst.idx.add.f32.msk $0xffff, v5  }
0x13c: {  	[tilespmem:v59+s10+$0x0] =	vst.idx.add.f32.msk $0xffff, v3  }
0x13d: {  	v31 =	vld [tilespmem:$0x10000]  }
0x13e: {  	v30 =	vld [tilespmem:$0x10100]  }
0x13f: {  	v34 =	vld [tilespmem:$0x10200]  }
0x140: {  	v38 =	vld [tilespmem:$0x10300]  }
0x141: {  	v47 =	vld [tilespmem:$0x10400]  }
0x142: {  	v53 =	vld [tilespmem:$0x10500]  }
0x143: {  	v62 =	vld [tilespmem:$0x10600]  }
0x144: {  	v2 =	vld [tilespmem:$0x10700]  }
0x145: {  	v16 =	vld [tilespmem:$0x10010]  }
0x146: {  	v13 =	vld [tilespmem:$0x10110]  }
0x147: {  	v18 =	vld [tilespmem:$0x10210]  }
0x148: {  	v22 =	vld [tilespmem:$0x10310]  }
0x149: {  	v27 =	vld [tilespmem:$0x10410]  }
0x14a: {  	v41 =	vld [tilespmem:$0x10510]  }
0x14b: {  	v48 =	vld [tilespmem:$0x10610]  }
0x14c: {  	v57 =	vld [tilespmem:$0x10710]  }
0x14d: {  	v56 =	vld [tilespmem:$0x10810]  }
0x14e: {  	v7 =	vld [tilespmem:$0x10020]  }
0x14f: {  	v6 =	vld [tilespmem:$0x10120]  }
0x150: {  	v9 =	vld [tilespmem:$0x10220]  }
0x151: {  	v11 =	vld [tilespmem:$0x10320]  }
0x152: {  	v17 =	vld [tilespmem:$0x10420]  }
0x153: {  	v21 =	vld [tilespmem:$0x10520]  }
0x154: {  	v25 =	vld [tilespmem:$0x10620]  }
0x155: {  	v33 =	vld [tilespmem:$0x10720]  }
0x156: {  	v39 =	vld [tilespmem:$0x10820]  }
0x157: {  	v45 =	vld [tilespmem:$0x10920]  }
0x158: {  	v54 =	vld [tilespmem:$0x10A20]  }
0x159: {  	v61 =	vld [tilespmem:$0x10B20]  }
0x15a: {  	v3 =	vld [tilespmem:$0x10030]  }
0x15b: {  	v4 =	vld [tilespmem:$0x10230]  }
0x15c: {  	v5 =	vld [tilespmem:$0x10330]  }
0x15d: {  	v8 =	vld [tilespmem:$0x10430]  }
0x15e: {  	v10 =	vld [tilespmem:$0x10530]  }
0x15f: {  	v12 =	vld [tilespmem:$0x10630]  }
0x160: {  	v19 =	vld [tilespmem:$0x10730]  }
0x161: {  	v23 =	vld [tilespmem:$0x10830]  }
0x162: {  	v28 =	vld [tilespmem:$0x10930]  }
0x163: {  	v36 =	vld [tilespmem:$0x10A30]  }
0x164: {  	v42 =	vld [tilespmem:$0x10B30]  }
0x165: {  	v49 =	vld [tilespmem:$0x10C30]  }
0x166: {  	v58 =	vld [tilespmem:$0x10D30]  }
0x167: {  	v14 =	vld [tilespmem:$0x10E30]  }
0x168: {  	v63 =	vld [tilespmem:$0x10040]  }
0x169: {  	v60 =	vld [tilespmem:$0x10F30]  }
0x16a: {  	v20 =	vld [tilespmem:$0x10140]  }
0x16b: {  	v24 =	vld [tilespmem:$0x10240]  }
0x16c: {  	[tilespmem:$0x1FA80] =	vst v2;
	v2 =	vld [tilespmem:$0x10800]  }
0x16d: {  	[tilespmem:$0x1FBD0] =	vst v63;
	v63 =	vld [tilespmem:$0x10550]  }
0x16e: {  	v26 =	vld [tilespmem:$0x10340]  }
0x16f: {  	v29 =	vld [tilespmem:$0x10440]  }
0x170: {  	v32 =	vld [tilespmem:$0x10540]  }
0x171: {  	[tilespmem:$0x1FA90] =	vst v2;
	v2 =	vld [tilespmem:$0x10900]  }
0x172: {  	[tilespmem:$0x1FC50] =	vst v63;
	v63 =	vld [tilespmem:$0x10860]  }
0x173: {  	v35 =	vld [tilespmem:$0x10640]  }
0x174: {  	v37 =	vld [tilespmem:$0x10740]  }
0x175: {  	v40 =	vld [tilespmem:$0x10840]  }
0x176: {  	[tilespmem:$0x1FAA0] =	vst v2;
	v2 =	vld [tilespmem:$0x10A00]  }
0x177: {  	[tilespmem:$0x1FCF0] =	vst v63;
	v63 =	vld [tilespmem:$0x10970]  }
0x178: {  	v43 =	vld [tilespmem:$0x10940]  }
0x179: {  	v44 =	vld [tilespmem:$0x10A40]  }
0x17a: {  	v46 =	vld [tilespmem:$0x10B40]  }
0x17b: {  	[tilespmem:$0x1FAC0] =	vst v2;
	v2 =	vld [tilespmem:$0x10B00]  }
0x17c: {  	[tilespmem:$0x1FD40] =	vst v63;
	v63 =	vld [tilespmem:$0x10A70]  }
0x17d: {  	v50 =	vld [tilespmem:$0x10C40]  }
0x17e: {  	v51 =	vld [tilespmem:$0x10D40]  }
0x17f: {  	v52 =	vld [tilespmem:$0x10E40]  }
0x180: {  	[tilespmem:$0x1FAE0] =	vst v2;
	v2 =	vld [tilespmem:$0x10C00]  }
0x181: {  	[tilespmem:$0x1FD80] =	vst v63;
	v63 =	vld [tilespmem:$0x10B70]  }
0x182: {  	v55 =	vld [tilespmem:$0x10F40]  }
0x183: {  	v59 =	vld [tilespmem:$0x10450]  }
0x184: {  	v15 =	vld [tilespmem:$0x10070]  }
0x185: {  	[tilespmem:$0x1FB00] =	vst v2;
	v2 =	vld [tilespmem:$0x10D00]  }
0x186: {  	[tilespmem:$0x1FDC0] =	vst v63;
	v63 =	vld [tilespmem:$0x10C70]  }
0x187: {  	[tilespmem:$0x1FD50] =	vst v46;
	v46 =	vld [tilespmem:$0x10050]  }
0x188: {  	[tilespmem:$0x1FD10] =	vst v44;
	v44 =	vld [tilespmem:$0x10150]  }
0x189: {  	[tilespmem:$0x1FE10] =	vst v52;
	v52 =	vld [tilespmem:$0x10250]  }
0x18a: {  	[tilespmem:$0x1FB20] =	vst v2;
	v2 =	vld [tilespmem:$0x10E00]  }
0x18b: {  	[tilespmem:$0x1FE00] =	vst v63;
	v63 =	vld [tilespmem:$0x10D70]  }
0x18c: {  	[tilespmem:$0x1FBF0] =	vst v60;
	v60 =	vld [tilespmem:$0x10350]  }
0x18d: {  	[tilespmem:$0x1FBE0] =	vst v20;
	v20 =	vld [tilespmem:$0x10650]  }
0x18e: {  	[tilespmem:$0x1FC00] =	vst v24;
	v24 =	vld [tilespmem:$0x10750]  }
0x18f: {  	[tilespmem:$0x1FB50] =	vst v2;
	v2 =	vld [tilespmem:$0x10F00]  }
0x190: {  	[tilespmem:$0x1FE40] =	vst v63;
	v63 =	vld [tilespmem:$0x10E70]  }
0x191: {  	[tilespmem:$0x1FC10] =	vst v26;
	v26 =	vld [tilespmem:$0x10850]  }
0x192: {  	[tilespmem:$0x1FC20] =	vst v29;
	v29 =	vld [tilespmem:$0x10950]  }
0x193: {  	[tilespmem:$0x1FC40] =	vst v32;
	v32 =	vld [tilespmem:$0x10A50]  }
0x194: {  	[tilespmem:$0x1FB80] =	vst v2;
	v2 =	vld [tilespmem:$0x10910]  }
0x195: {  	[tilespmem:$0x1FE80] =	vst v63;
	v63 =	vld [tilespmem:$0x10F70]  }
0x196: {  	[tilespmem:$0x1FC60] =	vst v35;
	v35 =	vld [tilespmem:$0x10B50]  }
0x197: {  	[tilespmem:$0x1FC80] =	vst v37;
	v37 =	vld [tilespmem:$0x10C50]  }
0x198: {  	[tilespmem:$0x1FCB0] =	vst v40;
	v40 =	vld [tilespmem:$0x10D50]  }
0x199: {  	[tilespmem:$0x1FAB0] =	vst v2;
	v2 =	vld [tilespmem:$0x10A10]  }
0x19a: {  	[tilespmem:$0x1FEC0] =	vst v63;
	v63 =	vld [tilespmem:$0x10080]  }
0x19b: {  	[tilespmem:$0x1FCE0] =	vst v43;
	v43 =	vld [tilespmem:$0x10E50]  }
0x19c: {  	[tilespmem:$0x1FD90] =	vst v50;
	v50 =	vld [tilespmem:$0x10F50]  }
0x19d: {  	[tilespmem:$0x1FE50] =	vst v55;
	v55 =	vld [tilespmem:$0x10560]  }
0x19e: {  	[tilespmem:$0x1FAD0] =	vst v2;
	v2 =	vld [tilespmem:$0x10B10]  }
0x19f: {  	[tilespmem:$0x1FEA0] =	vst v63;
	v63 =	vld [tilespmem:$0x10180]  }
0x1a0: {  	[tilespmem:$0x1FDD0] =	vst v51;
	v51 =	vld [tilespmem:$0x10660]  }
0x1a1: {  	[tilespmem:$0x1FC30] =	vst v59;
	v59 =	vld [tilespmem:$0x10760]  }
0x1a2: {  	[tilespmem:$0x1FBB0] =	vst v14;
	v14 =	vld [tilespmem:$0x10170]  }
0x1a3: {  	[tilespmem:$0x1FAF0] =	vst v2;
	v2 =	vld [tilespmem:$0x10C10]  }
0x1a4: {  	[tilespmem:$0x1FEB0] =	vst v63;
	v63 =	vld [tilespmem:$0x10280]  }
0x1a5: {  	v30 =	vadd.f32 v30, v31;
	v31 =	vld [tilespmem:$0x10D80]  }
0x1a6: {  	v6 =	vadd.f32 v6, v7;
	v7 =	vld [tilespmem:$0x10090]  }
0x1a7: {  	v13 =	vadd.f32 v13, v16;
	v16 =	vld [tilespmem:$0x1FA80]  }
0x1a8: {  	[tilespmem:$0x1FB10] =	vst v2;
	v2 =	vld [tilespmem:$0x10D10]  }
0x1a9: {  	[tilespmem:$0x1FED0] =	vst v63;
	v63 =	vld [tilespmem:$0x10380]  }
0x1aa: {  	v30 =	vadd.f32 v34, v30;
	v34 =	vadd.f32 v18, v13;
	v18 =	vld [tilespmem:$0x10990]  }
0x1ab: {  	[tilespmem:$0x1FD00] =	vst v29;
	v29 =	vld [tilespmem:$0x10060]  }
0x1ac: {  	[tilespmem:$0x1FCD0] =	vst v26;
	v26 =	vld [tilespmem:$0x10160]  }
0x1ad: {  	[tilespmem:$0x1FB40] =	vst v2;
	v2 =	vld [tilespmem:$0x10E10]  }
0x1ae: {  	[tilespmem:$0x1FEE0] =	vst v63;
	v63 =	vld [tilespmem:$0x10480]  }
0x1af: {  	[tilespmem:$0x1FD70] =	vst v35;
	v35 =	vld [tilespmem:$0x10260]  }
0x1b0: {  	[tilespmem:$0x1FDF0] =	vst v40;
	v40 =	vld [tilespmem:$0x10360]  }
0x1b1: {  	[tilespmem:$0x1FE70] =	vst v50;
	v50 =	vld [tilespmem:$0x10460]  }
0x1b2: {  	[tilespmem:$0x1FB70] =	vst v2;
	v2 =	vld [tilespmem:$0x10F10]  }
0x1b3: {  	[tilespmem:$0x1FEF0] =	vst v63;
	v63 =	vld [tilespmem:$0x10580]  }
0x1b4: {  	[tilespmem:$0x1FC70] =	vst v20;
	v20 =	vld [tilespmem:$0x10960]  }
0x1b5: {  	[tilespmem:$0x1FCA0] =	vst v24;
	v24 =	vld [tilespmem:$0x10A60]  }
0x1b6: {  	[tilespmem:$0x1FD30] =	vst v32;
	v32 =	vld [tilespmem:$0x10B60]  }
0x1b7: {  	[tilespmem:$0x1FBA0] =	vst v2;
	v2 =	vld [tilespmem:$0x10C20]  }
0x1b8: {  	[tilespmem:$0x1FF00] =	vst v63;
	v63 =	vld [tilespmem:$0x10680]  }
0x1b9: {  	[tilespmem:$0x1FDB0] =	vst v37;
	v37 =	vld [tilespmem:$0x10C60]  }
0x1ba: {  	[tilespmem:$0x1FE30] =	vst v43;
	v43 =	vld [tilespmem:$0x10D60]  }
0x1bb: {  	[tilespmem:$0x1FC90] =	vst v51;
	v51 =	vld [tilespmem:$0x10E60]  }
0x1bc: {  	v6 =	vadd.f32 v9, v6;
	[tilespmem:$0x1FB30] =	vst v2;
	v2 =	vld [tilespmem:$0x10D20]  }
0x1bd: {  	[tilespmem:$0x1FF10] =	vst v63;
	v63 =	vld [tilespmem:$0x10780]  }
0x1be: {  	v6 =	vadd.f32 v11, v6;
	[tilespmem:$0x1FCC0] =	vst v59;
	v59 =	vld [tilespmem:$0x10F60]  }
0x1bf: {  	[tilespmem:$0x1FFB0] =	vst v31;
	v31 =	vld [tilespmem:$0x10790]  }
0x1c0: {  	v11 =	vadd.f32 v17, v6;
	v6 =	vld [tilespmem:$0x10390]  }
0x1c1: {  	[tilespmem:$0x1FB60] =	vst v2;
	v2 =	vld [tilespmem:$0x10E20]  }
0x1c2: {  	[tilespmem:$0x1FF20] =	vst v63;
	v63 =	vld [tilespmem:$0x10880]  }
0x1c3: {  	v17 =	vld [tilespmem:$0x1FA90]  }
0x1c4: {  	v13 =	vadd.f32 v21, v11;
	v11 =	vld [tilespmem:$0x101A0]  }
0x1c5: {  	[tilespmem:$0x1FD20] =	vst v20;
	v20 =	vld [tilespmem:$0x10270]  }
0x1c6: {  	[tilespmem:$0x1FB90] =	vst v2;
	v2 =	vld [tilespmem:$0x10F20]  }
0x1c7: {  	[tilespmem:$0x1FF30] =	vst v63;
	v63 =	vld [tilespmem:$0x10980]  }
0x1c8: {  	[tilespmem:$0x1FD60] =	vst v24;
	v24 =	vld [tilespmem:$0x10370]  }
0x1c9: {  	[tilespmem:$0x1FDA0] =	vst v32;
	v32 =	vld [tilespmem:$0x10470]  }
0x1ca: {  	[tilespmem:$0x1FDE0] =	vst v37;
	v37 =	vld [tilespmem:$0x10570]  }
0x1cb: {  	[tilespmem:$0x1FBC0] =	vst v2;
	v2 =	vld [tilespmem:$0x10130]  }
0x1cc: {  	[tilespmem:$0x1FF40] =	vst v63;
	v63 =	vld [tilespmem:$0x10A80]  }
0x1cd: {  	[tilespmem:$0x1FE20] =	vst v43;
	v43 =	vld [tilespmem:$0x10670]  }
0x1ce: {  	[tilespmem:$0x1FE60] =	vst v51;
	v51 =	vld [tilespmem:$0x10770]  }
0x1cf: {  	[tilespmem:$0x1FE90] =	vst v59;
	v59 =	vld [tilespmem:$0x10870]  }
0x1d0: {  	v21 =	vld [tilespmem:$0x1FAA0]  }
0x1d1: {  	[tilespmem:$0x1FF60] =	vst v63;
	v63 =	vld [tilespmem:$0x10B80];
	v2 =	vadd.f32 v2, v3  }
0x1d2: {  	v3 =	vld [tilespmem:$0x10E80]  }
0x1d3: {  	[tilespmem:$0x1FF50] =	vst v18;
	v18 =	vld [tilespmem:$0x1FB60];
	v4 =	vadd.f32 v4, v2  }
0x1d4: {  	v2 =	vld [tilespmem:$0x10190]  }
0x1d5: {  	v4 =	vadd.f32 v5, v4;
	v5 =	vld [tilespmem:$0x10290]  }
0x1d6: {  	[tilespmem:$0x1FF70] =	vst v63;
	v63 =	vld [tilespmem:$0x10C80]  }
0x1d7: {  	[tilespmem:$0x1FFD0] =	vst v3;
	v3 =	vadd.f32 v38, v30;
	v38 =	vld [tilespmem:$0x10F80]  }
0x1d8: {  	v30 =	vld [tilespmem:$0x10A90]  }
0x1d9: {  	v4 =	vadd.f32 v8, v4;
	v8 =	vadd.f32 v25, v13;
	v25 =	vld [tilespmem:$0x1FAB0]  }
0x1da: {  	v3 =	vadd.f32 v47, v3;
	v47 =	vld [tilespmem:$0x1FAE0]  }
0x1db: {  	v8 =	vadd.f32 v33, v8;
	v33 =	vld [tilespmem:$0x1FAC0]  }
0x1dc: {  	v4 =	vadd.f32 v10, v4;
	v10 =	vld [tilespmem:$0x100A0]  }
0x1dd: {  	v3 =	vadd.f32 v53, v3;
	v53 =	vld [tilespmem:$0x1FAF0]  }
0x1de: {  	[tilespmem:$0x1FFF0] =	vst v38;
	v38 =	vld [tilespmem:$0x10590]  }
0x1df: {  	[tilespmem:$0x1FF90] =	vst v63;
	v63 =	vadd.f32 v22, v34;
	v22 =	vld [tilespmem:$0x10B90]  }
0x1e0: {  	v34 =	vld [tilespmem:$0x10D90]  }
0x1e1: {  	v8 =	vadd.f32 v39, v8;
	v39 =	vld [tilespmem:$0x1FAD0]  }
0x1e2: {  	v4 =	vadd.f32 v12, v4;
	v12 =	vld [tilespmem:$0x10FA0]  }
0x1e3: {  	v3 =	vadd.f32 v62, v3;
	v62 =	vld [tilespmem:$0x1FB30]  }
0x1e4: {  	v9 =	vadd.f32 v27, v63;
	v27 =	vld [tilespmem:$0x10C90]  }
0x1e5: {  	v8 =	vadd.f32 v45, v8;
	v45 =	vld [tilespmem:$0x10E90]  }
0x1e6: {  	v63 =	vld [tilespmem:$0x10F90]  }
0x1e7: {  	v4 =	vadd.f32 v19, v4;
	v19 =	vld [tilespmem:$0x1FB70]  }
0x1e8: {  	v3 =	vadd.f32 v16, v3;
	v16 =	vld [tilespmem:$0x1FB40]  }
0x1e9: {  	v10 =	vadd.f32 v11, v10;
	v11 =	vld [tilespmem:$0x10BC0]  }
0x1ea: {  	v9 =	vadd.f32 v41, v9;
	v41 =	vld [tilespmem:$0x10490]  }
0x1eb: {  	v8 =	vadd.f32 v54, v8;
	v54 =	vld [tilespmem:$0x1FB00]  }
0x1ec: {  	v4 =	vadd.f32 v23, v4;
	v23 =	vld [tilespmem:$0x1FBB0]  }
0x1ed: {  	[tilespmem:$0x1FFC0] =	vst v34;
	v34 =	vld [tilespmem:$0x102A0]  }
0x1ee: {  	v3 =	vadd.f32 v17, v3;
	v17 =	vld [tilespmem:$0x1FB50]  }
0x1ef: {  	[tilespmem:$0x1FF80] =	vst v22;
	v22 =	vld [tilespmem:$0x1FBA0]  }
0x1f0: {  	v9 =	vadd.f32 v48, v9;
	v48 =	vld [tilespmem:$0x10690]  }
0x1f1: {  	v8 =	vadd.f32 v61, v8;
	v61 =	vld [tilespmem:$0x1FB20]  }
0x1f2: {  	[tilespmem:$0x1FFA0] =	vst v27;
	v27 =	vld [tilespmem:$0x106A0]  }
0x1f3: {  	v2 =	vadd.f32 v2, v7;
	v3 =	vadd.f32 v21, v3;
	v21 =	vld [tilespmem:$0x1FB80]  }
0x1f4: {  	v4 =	vadd.f32 v28, v4;
	[tilespmem:$0x1FFE0] =	vst v45;
	v45 =	vld [tilespmem:$0x1FBE0]  }
0x1f5: {  	v2 =	vadd.f32 v5, v2;
	v9 =	vadd.f32 v57, v9;
	v57 =	vld [tilespmem:$0x10890]  }
0x1f6: {  	v4 =	vadd.f32 v36, v4;
	v36 =	vld [tilespmem:$0x103A0]  }
0x1f7: {  	v2 =	vadd.f32 v6, v2;
	v8 =	vadd.f32 v62, v8;
	v62 =	vld [tilespmem:$0x1FC20]  }
0x1f8: {  	v3 =	vadd.f32 v33, v3;
	v33 =	vld [tilespmem:$0x108A0]  }
0x1f9: {  	v2 =	vadd.f32 v41, v2;
	v41 =	vld [tilespmem:$0x1FF10]  }
0x1fa: {  	v9 =	vadd.f32 v56, v9;
	v56 =	vld [tilespmem:$0x1FB10]  }
0x1fb: {  	v4 =	vadd.f32 v42, v4;
	v42 =	vld [tilespmem:$0x104A0]  }
0x1fc: {  	v3 =	vadd.f32 v47, v3;
	v47 =	vld [tilespmem:$0x1FBF0]  }
0x1fd: {  	v2 =	vadd.f32 v38, v2;
	v38 =	vld [tilespmem:$0x10CD0]  }
0x1fe: {  	v4 =	vadd.f32 v49, v4;
	v49 =	vld [tilespmem:$0x105A0]  }
0x1ff: {  	v9 =	vadd.f32 v25, v9;
	v25 =	vld [tilespmem:$0x1FBC0]  }
0x200: {  	v3 =	vadd.f32 v54, v3;
	v54 =	vld [tilespmem:$0x1FC00]  }
0x201: {  	v2 =	vadd.f32 v48, v2;
	v48 =	vld [tilespmem:$0x1FF30]  }
0x202: {  	v9 =	vadd.f32 v39, v9;
	v39 =	vld [tilespmem:$0x107A0]  }
0x203: {  	v4 =	vadd.f32 v58, v4;
	v58 =	vadd.f32 v14, v15;
	v14 =	vld [tilespmem:$0x10EA0]  }
0x204: {  	v3 =	vadd.f32 v61, v3;
	v61 =	vld [tilespmem:$0x1FC10]  }
0x205: {  	v2 =	vadd.f32 v31, v2;
	v31 =	vld [tilespmem:$0x104D0]  }
0x206: {  	v9 =	vadd.f32 v53, v9;
	v53 =	vadd.f32 v44, v46;
	v44 =	vld [tilespmem:$0x1FCA0]  }
0x207: {  	v46 =	vld [tilespmem:$0x1FCC0]  }
0x208: {  	v3 =	vadd.f32 v17, v3;
	v17 =	vld [tilespmem:$0x10CA0]  }
0x209: {  	v4 =	vadd.f32 v23, v4;
	v2 =	vadd.f32 v57, v2;
	v57 =	vld [tilespmem:$0x1FF50]  }
0x20a: {  	v9 =	vadd.f32 v56, v9;
	v56 =	vadd.f32 v26, v29;
	v26 =	vld [tilespmem:$0x1FC40]  }
0x20b: {  	v29 =	vld [tilespmem:$0x1FC50]  }
0x20c: {  	v23 =	vadd.f32 v47, v4;
	v47 =	vld [tilespmem:$0x1FCD0]  }
0x20d: {  	v4 =	vadd.f32 v52, v53;
	v52 =	vld [tilespmem:$0x1FD00]  }
0x20e: {  	v53 =	vld [tilespmem:$0x1FD10]  }
0x20f: {  	v28 =	vadd.f32 v21, v3;
	v3 =	vld [tilespmem:$0x1FB90]  }
0x210: {  	v21 =	vld [tilespmem:$0x10AA0]  }
0x211: {  	v9 =	vadd.f32 v16, v9;
	v16 =	vld [tilespmem:$0x109A0]  }
0x212: {  	v4 =	vadd.f32 v60, v4;
	v60 =	vld [tilespmem:$0x1FD70]  }
0x213: {  	v9 =	vadd.f32 v19, v9;
	v19 =	vld [tilespmem:$0x10DA0]  }
0x214: {  	v8 =	vadd.f32 v18, v8;
	v2 =	vadd.f32 v57, v2;
	v57 =	vld [tilespmem:$0x100F0]  }
0x215: {  	v18 =	vadd.f32 v22, v9;
	v9 =	vadd.f32 v20, v58;
	v20 =	vld [tilespmem:$0x1FC30]  }
0x216: {  	v3 =	vadd.f32 v3, v8;
	v8 =	vadd.f32 v35, v56;
	v35 =	vld [tilespmem:$0x1FC70]  }
0x217: {  	v56 =	vld [tilespmem:$0x1FD40]  }
0x218: {  	v58 =	vld [tilespmem:$0x1FD50]  }
0x219: {  	v2 =	vadd.f32 v30, v2;
	v30 =	vld [tilespmem:$0x10AD0]  }
0x21a: {  	v22 =	vadd.f32 v25, v3;
	v3 =	vld [tilespmem:$0x1FBD0]  }
0x21b: {  	v25 =	vld [tilespmem:$0x10BA0]  }
0x21c: {  	v9 =	vadd.f32 v24, v9;
	v24 =	vld [tilespmem:$0x101B0]  }
0x21d: {  	v8 =	vadd.f32 v40, v8;
	v40 =	vld [tilespmem:$0x1FC90]  }
0x21e: {  	v9 =	vadd.f32 v32, v9;
	v32 =	vld [tilespmem:$0x1FC60]  }
0x21f: {  	v8 =	vadd.f32 v50, v8;
	v50 =	vld [tilespmem:$0x1FCE0]  }
0x220: {  	v4 =	vadd.f32 v20, v4;
	v20 =	vld [tilespmem:$0x100B0]  }
0x221: {  	v9 =	vadd.f32 v37, v9;
	v37 =	vld [tilespmem:$0x1FC80]  }
0x222: {  	v8 =	vadd.f32 v55, v8;
	v55 =	vld [tilespmem:$0x1FD30]  }
0x223: {  	v4 =	vadd.f32 v29, v4;
	v29 =	vld [tilespmem:$0x103B0]  }
0x224: {  	v3 =	vadd.f32 v45, v3;
	v45 =	vld [tilespmem:$0x1FCB0]  }
0x225: {  	v8 =	vadd.f32 v40, v8;
	v40 =	vld [tilespmem:$0x107B0]  }
0x226: {  	v9 =	vadd.f32 v43, v9;
	v43 =	vld [tilespmem:$0x108B0]  }
0x227: {  	v4 =	vadd.f32 v35, v4;
	v35 =	vld [tilespmem:$0x105B0]  }
0x228: {  	v3 =	vadd.f32 v54, v3;
	v54 =	vld [tilespmem:$0x1FD20]  }
0x229: {  	v9 =	vadd.f32 v51, v9;
	v51 =	vld [tilespmem:$0x1FCF0]  }
0x22a: {  	v8 =	vadd.f32 v46, v8;
	v46 =	vld [tilespmem:$0x10BB0]  }
0x22b: {  	v5 =	vadd.f32 v24, v20;
	v20 =	vld [tilespmem:$0x1FEE0];
	v3 =	vadd.f32 v61, v3  }
0x22c: {  	v24 =	vadd.f32 v34, v10;
	v10 =	vld [tilespmem:$0x10CC0]  }
0x22d: {  	v4 =	vadd.f32 v44, v4;
	v44 =	vld [tilespmem:$0x109B0];
	v3 =	vadd.f32 v62, v3  }
0x22e: {  	v61 =	vld [tilespmem:$0x1FD80]  }
0x22f: {  	v9 =	vadd.f32 v59, v9;
	v59 =	vld [tilespmem:$0x1FD60];
	v3 =	vadd.f32 v26, v3  }
0x230: {  	v4 =	vadd.f32 v47, v4;
	v47 =	vld [tilespmem:$0x10CB0]  }
0x231: {  	v62 =	vld [tilespmem:$0x1FD90];
	v3 =	vadd.f32 v32, v3  }
0x232: {  	v9 =	vadd.f32 v56, v9;
	v56 =	vld [tilespmem:$0x1FDE0]  }
0x233: {  	v26 =	vld [tilespmem:$0x102B0];
	v3 =	vadd.f32 v37, v3  }
0x234: {  	v8 =	vadd.f32 v51, v8;
	v51 =	vld [tilespmem:$0x10EB0]  }
0x235: {  	v4 =	vadd.f32 v52, v4;
	v52 =	vld [tilespmem:$0x1FDA0];
	v3 =	vadd.f32 v45, v3  }
0x236: {  	v8 =	vadd.f32 v54, v8;
	v54 =	vld [tilespmem:$0x1FDC0]  }
0x237: {  	v9 =	vadd.f32 v61, v9;
	v61 =	vld [tilespmem:$0x1FE20];
	v3 =	vadd.f32 v50, v3  }
0x238: {  	v4 =	vadd.f32 v55, v4;
	v8 =	vadd.f32 v59, v8;
	v59 =	vld [tilespmem:$0x1FE00]  }
0x239: {  	v55 =	vld [tilespmem:$0x1FDD0];
	v3 =	vadd.f32 v53, v3  }
0x23a: {  	v4 =	vadd.f32 v60, v4;
	v53 =	vld [tilespmem:$0x1FDB0]  }
0x23b: {  	v60 =	vld [tilespmem:$0x1FE10];
	v9 =	vadd.f32 v54, v9;
	v3 =	vadd.f32 v58, v3  }
0x23c: {  	v58 =	vld [tilespmem:$0x1FDF0]  }
0x23d: {  	v9 =	vadd.f32 v59, v9;
	v59 =	vld [tilespmem:$0x1FE50];
	v3 =	vadd.f32 v62, v3  }
0x23e: {  	v62 =	vld [tilespmem:$0x1FE30]  }
0x23f: {  	v32 =	vld [tilespmem:$0x104B0];
	v4 =	vadd.f32 v53, v4;
	v3 =	vadd.f32 v55, v3  }
0x240: {  	v37 =	vld [tilespmem:$0x106B0];
	v5 =	vadd.f32 v26, v5;
	v8 =	vadd.f32 v52, v8  }
0x241: {  	v26 =	vld [tilespmem:$0x1FEF0];
	v4 =	vadd.f32 v58, v4;
	v3 =	vadd.f32 v60, v3  }
0x242: {  	v45 =	vld [tilespmem:$0x10AB0];
	v8 =	vadd.f32 v56, v8  }
0x243: {  	v13 =	vadd.f32 v62, v4;
	v4 =	vadd.f32 v59, v3;
	v3 =	vld [tilespmem:$0x1FE60]  }
0x244: {  	v52 =	vld [tilespmem:$0x10FB0]  }
0x245: {  	v8 =	vadd.f32 v61, v8;
	v61 =	vld [tilespmem:$0x1FE90]  }
0x246: {  	v54 =	vld [tilespmem:$0x101C0]  }
0x247: {  	v34 =	vadd.f32 v29, v5;
	v5 =	vld [tilespmem:$0x10EC0]  }
0x248: {  	v62 =	vld [tilespmem:$0x1FEA0];
	v8 =	vadd.f32 v3, v8  }
0x249: {  	v3 =	vld [tilespmem:$0x1FE70]  }
0x24a: {  	v8 =	vadd.f32 v61, v8;
	v61 =	vld [tilespmem:$0x1FEB0]  }
0x24b: {  	v58 =	vld [tilespmem:$0x1FE40]  }
0x24c: {  	v29 =	vld [tilespmem:$0x100D0]  }
0x24d: {  	v60 =	vld [tilespmem:$0x1FE80]  }
0x24e: {  	v50 =	vld [tilespmem:$0x10DB0]  }
0x24f: {  	v3 =	vadd.f32 v3, v13;
	v13 =	vadd.f32 v61, v62;
	v62 =	vld [tilespmem:$0x1FEC0]  }
0x250: {  	v56 =	vld [tilespmem:$0x103C0];
	v9 =	vadd.f32 v58, v9  }
0x251: {  	v53 =	vld [tilespmem:$0x100C0]  }
0x252: {  	v55 =	vld [tilespmem:$0x102C0];
	v9 =	vadd.f32 v60, v9  }
0x253: {  	v59 =	vld [tilespmem:$0x105C0]  }
0x254: {  	v15 =	vadd.f32 v62, v9;
	v9 =	vld [tilespmem:$0x1FED0]  }
0x255: {  	v58 =	vld [tilespmem:$0x104C0]  }
0x256: {  	v60 =	vld [tilespmem:$0x106C0]  }
0x257: {  	v61 =	vld [tilespmem:$0x107C0]  }
0x258: {  	v62 =	vld [tilespmem:$0x108C0]  }
0x259: {  	v7 =	vadd.f32 v9, v13;
	v13 =	vld [tilespmem:$0x109C0]  }
0x25a: {  	v9 =	vld [tilespmem:$0x10AC0]  }
0x25b: {  	v7 =	vadd.f32 v20, v7;
	v20 =	vadd.f32 v36, v24;
	v36 =	vld [tilespmem:$0x1FF00]  }
0x25c: {  	v24 =	vadd.f32 v32, v34;
	v32 =	vld [tilespmem:$0x101D0]  }
0x25d: {  	v34 =	vld [tilespmem:$0x102D0]  }
0x25e: {  	v6 =	vadd.f32 v26, v7;
	v7 =	vld [tilespmem:$0x10DC0]  }
0x25f: {  	v20 =	vadd.f32 v42, v20;
	v42 =	vld [tilespmem:$0x1FF20]  }
0x260: {  	v24 =	vadd.f32 v35, v24;
	v35 =	vld [tilespmem:$0x105D0]  }
0x261: {  	v20 =	vadd.f32 v49, v20;
	v49 =	vld [tilespmem:$0x1FF40]  }
0x262: {  	v24 =	vadd.f32 v37, v24;
	v37 =	vld [tilespmem:$0x108D0]  }
0x263: {  	v26 =	vadd.f32 v36, v6;
	v6 =	vld [tilespmem:$0x10FC0]  }
0x264: {  	v36 =	vld [tilespmem:$0x106D0]  }
0x265: {  	v20 =	vadd.f32 v27, v20;
	v27 =	vld [tilespmem:$0x103D0]  }
0x266: {  	v24 =	vadd.f32 v40, v24;
	v40 =	vld [tilespmem:$0x1FF60]  }
0x267: {  	v26 =	vadd.f32 v41, v26;
	v41 =	vld [tilespmem:$0x1FF70]  }
0x268: {  	v24 =	vadd.f32 v43, v24;
	v43 =	vld [tilespmem:$0x1FF90]  }
0x269: {  	v20 =	vadd.f32 v39, v20;
	v39 =	vld [tilespmem:$0x10ED0]  }
0x26a: {  	v26 =	vadd.f32 v42, v26;
	v42 =	vld [tilespmem:$0x1FF80]  }
0x26b: {  	v20 =	vadd.f32 v33, v20;
	v33 =	vld [tilespmem:$0x107D0]  }
0x26c: {  	v24 =	vadd.f32 v44, v24;
	v44 =	vld [tilespmem:$0x1FFA0]  }
0x26d: {  	v29 =	vadd.f32 v32, v29;
	v26 =	vadd.f32 v48, v26;
	v48 =	vld [tilespmem:$0x1FFD0]  }
0x26e: {  	v16 =	vadd.f32 v16, v20;
	v20 =	vld [tilespmem:$0x109D0]  }
0x26f: {  	v29 =	vadd.f32 v34, v29;
	v24 =	vadd.f32 v45, v24;
	v45 =	vld [tilespmem:$0x1FFB0]  }
0x270: {  	v26 =	vadd.f32 v49, v26;
	v49 =	vld [tilespmem:$0x1FFE0]  }
0x271: {  	v27 =	vadd.f32 v27, v29;
	v16 =	vadd.f32 v21, v16;
	v21 =	vld [tilespmem:$0x10BD0]  }
0x272: {  	v2 =	vadd.f32 v42, v2;
	v24 =	vadd.f32 v46, v24;
	v46 =	vld [tilespmem:$0x1FFC0]  }
0x273: {  	v27 =	vadd.f32 v31, v27;
	v26 =	vadd.f32 v40, v26;
	v40 =	vld [tilespmem:$0x100E0]  }
0x274: {  	v16 =	vadd.f32 v25, v16;
	v25 =	vld [tilespmem:$0x10DD0];
	v2 =	vadd.f32 v44, v2  }
0x275: {  	v24 =	vadd.f32 v47, v24;
	v47 =	vld [tilespmem:$0x102E0];
	v26 =	vadd.f32 v41, v26  }
0x276: {  	v27 =	vadd.f32 v35, v27;
	v44 =	vld [tilespmem:$0x10BE0];
	v16 =	vadd.f32 v17, v16  }
0x277: {  	v26 =	vadd.f32 v43, v26;
	v2 =	vadd.f32 v46, v2;
	v46 =	vld [tilespmem:$0x101F0]  }
0x278: {  	v24 =	vadd.f32 v50, v24;
	v16 =	vadd.f32 v19, v16;
	v19 =	vld [tilespmem:$0x101E0]  }
0x279: {  	v26 =	vadd.f32 v45, v26;
	v2 =	vadd.f32 v49, v2;
	v49 =	vld [tilespmem:$0x102F0]  }
0x27a: {  	v50 =	vld [tilespmem:$0x103E0];
	v24 =	vadd.f32 v51, v24;
	v14 =	vadd.f32 v14, v16  }
0x27b: {  	v51 =	vld [tilespmem:$0x103F0];
	v26 =	vadd.f32 v48, v26;
	v48 =	vadd.f32 v54, v53  }
0x27c: {  	v45 =	vld [tilespmem:$0x1FFF0];
	v12 =	vadd.f32 v12, v14;
	v16 =	vadd.f32 v46, v57  }
0x27d: {  	v53 =	vld [tilespmem:$0x104F0];
	v14 =	vadd.f32 v55, v48;
	v19 =	vadd.f32 v19, v40  }
0x27e: {  	v24 =	vadd.f32 v52, v24;
	v52 =	vld [tilespmem:$0x104E0];
	v16 =	vadd.f32 v49, v16  }
0x27f: {  	v55 =	vld [tilespmem:$0x105F0];
	v14 =	vadd.f32 v56, v14;
	v19 =	vadd.f32 v47, v19  }
0x280: {  	v27 =	vadd.f32 v36, v27;
	v54 =	vld [tilespmem:$0x105E0];
	v16 =	vadd.f32 v51, v16  }
0x281: {  	v57 =	vld [tilespmem:$0x106F0];
	v14 =	vadd.f32 v58, v14;
	v19 =	vadd.f32 v50, v19  }
0x282: {  	v27 =	vadd.f32 v33, v27;
	v56 =	vld [tilespmem:$0x106E0];
	v16 =	vadd.f32 v53, v16  }
0x283: {  	v14 =	vadd.f32 v59, v14;
	v19 =	vadd.f32 v52, v19;
	v59 =	vld [tilespmem:$0x107F0]  }
0x284: {  	v2 =	vadd.f32 v63, v2;
	v58 =	vld [tilespmem:$0x107E0];
	v16 =	vadd.f32 v55, v16  }
0x285: {  	v63 =	vld [tilespmem:$0x108F0];
	v14 =	vadd.f32 v60, v14;
	v19 =	vadd.f32 v54, v19  }
0x286: {  	v27 =	vadd.f32 v37, v27;
	v60 =	vld [tilespmem:$0x108E0];
	v16 =	vadd.f32 v57, v16  }
0x287: {  	v40 =	vld [tilespmem:$0x109F0];
	v14 =	vadd.f32 v61, v14;
	v19 =	vadd.f32 v56, v19  }
0x288: {  	v36 =	vld [tilespmem:$0x109E0];
	v20 =	vadd.f32 v20, v27;
	v16 =	vadd.f32 v59, v16  }
0x289: {  	v43 =	vld [tilespmem:$0x10AF0];
	v14 =	vadd.f32 v62, v14;
	v19 =	vadd.f32 v58, v19  }
0x28a: {  	v41 =	vld [tilespmem:$0x10AE0];
	v26 =	vadd.f32 v45, v26;
	v16 =	vadd.f32 v63, v16  }
0x28b: {  	v46 =	vld [tilespmem:$0x10BF0];
	v13 =	vadd.f32 v13, v14;
	v42 =	vadd.f32 v60, v19  }
0x28c: {  	[tilespmem:$0x11030] =	vst v23;
	v17 =	vld [tilespmem:$0x10FD0];
	v47 =	vadd.f32 v30, v20;
	v16 =	vadd.f32 v40, v16  }
0x28d: {  	[tilespmem:$0x11000] =	vst v28;
	v50 =	vld [tilespmem:$0x10CF0];
	v9 =	vadd.f32 v9, v13;
	v45 =	vadd.f32 v36, v42  }
0x28e: {  	[tilespmem:$0x11010] =	vst v18;
	v48 =	vld [tilespmem:$0x10CE0];
	v18 =	vadd.f32 v21, v47;
	v16 =	vadd.f32 v43, v16  }
0x28f: {  	[tilespmem:$0x11020] =	vst v22;
	v54 =	vld [tilespmem:$0x10DF0];
	v9 =	vadd.f32 v11, v9;
	v49 =	vadd.f32 v41, v45  }
0x290: {  	[tilespmem:$0x11050] =	vst v3;
	v51 =	vld [tilespmem:$0x10DE0];
	v3 =	vadd.f32 v38, v18;
	v55 =	vadd.f32 v46, v16  }
0x291: {  	[tilespmem:$0x11040] =	vst v4;
	v58 =	vld [tilespmem:$0x10EF0];
	v52 =	vadd.f32 v10, v9;
	v53 =	vadd.f32 v44, v49  }
0x292: {  	[tilespmem:$0x11060] =	vst v8;
	v3 =	vadd.f32 v25, v3;
	v56 =	vld [tilespmem:$0x10EE0];
	v59 =	vadd.f32 v50, v55  }
0x293: {  	[tilespmem:$0x11070] =	vst v15;
	v62 =	vld [tilespmem:$0x10FF0];
	v4 =	vadd.f32 v7, v52;
	v57 =	vadd.f32 v48, v53  }
0x294: {  	[tilespmem:$0x11090] =	vst v2;
	v2 =	vadd.f32 v39, v3;
	v60 =	vld [tilespmem:$0x10FE0];
	v3 =	vadd.f32 v54, v59  }
0x295: {  	[tilespmem:$0x110B0] =	vst v24;
	v4 =	vadd.f32 v5, v4;
	v61 =	vadd.f32 v51, v57  }
0x296: {  	[tilespmem:$0x110A0] =	vst v12;
	v2 =	vadd.f32 v17, v2;
	v3 =	vadd.f32 v58, v3  }
0x297: {  	[tilespmem:$0x11080] =	vst v26;
	v4 =	vadd.f32 v6, v4;
	v5 =	vadd.f32 v56, v61  }
0x298: {  	[tilespmem:$0x110D0] =	vst v2;
	v2 =	vadd.f32 v62, v3  }
0x299: {  	s15 =	sadd.s32 $0x1, s15;
	[tilespmem:$0x110C0] =	vst v4;
	v63 =	vadd.f32 v60, v5  }
0x29a: {  	p0 =	sne.s32 s15, s6;
	[tilespmem:$0x110F0] =	vst v2  }
.Ltmp1:
0x29b: {  	[tilespmem:$0x110E0] =	vst v63;
	(pc) =	sbr.rel @p0 .LBB2_1-.Ltmp1, $4  }
0x29c: {  	[hbm4b:s5+s11] =	stream.strided.scatter [tilespmem:s13], [sflag:$0x3], $0x100, s12, s11, $0x38;
	[tilespmem:$0x11100] =	vst v63  }
0x29d: {  	_ =	swait.ge [sflag:s14], $0x100  }
0x29e: {  	[sflag:s14] =	ssyncset.done $0x0  }
0x29f: {  	[sflag:s14] =	ssyncadd.s32 $0xFFFFFF00  }
0x2a0: {  	_ =	sfence.sel $0x180000  }
0x2a1: {  	[bflag:$0x0] =	sbarrier.arrive $0xFFFF  }
0x2a2: {  	p0 =	sne.s32 s1, $0x0;
	_ =	strace $0x90000047  }
0x2a3: {  	s0 =	sadd.s32 @!p0 $0x100000, s0;
	[bflag:$0x2] =	sbarrier.arrive $0xFFFF  }
0x2a4: {  	[sflag:s0] =	ssyncadd.tile.s32 @!p0 $0x1;
	_ =	shalt  }
.Lfunc_end2:
_tile_overlayer_lowered:
.L_overlay_start_2:
0x2a5: {  	(tag) =	ssettag $0x2  }
0x2a6: {  	s0 =	rddreg [dreg:$0x0];
	s2 =	stileid.u32  }
0x2a7: {  	s1 =	rddreg [dreg:$0x1];
	p0 =	sne.s32 s2, $0x0  }
0x2a8: {  	s3 =	rddreg [dreg:$0x2];
	[bflag:$0x3] =	sbarrier.arrive $0xFFFF;
	s2 =	simm.s32 @!p0 $0x1C03  }
0x2a9: {  	[timem:s3], [sflag:s2] =	dma.local @!p0 [hbm:s0], s1  }
0x2aa: {  	s0 =	simm.s32 @!p0 $0x3  }
0x2ab: {  	_ =	swait.ge @!p0 [sflag:s0], s1  }
0x2ac: {  	s1 =	ssub.s32 @!p0 $0x0, s1;
	[sflag:s0] =	ssyncset.done @!p0 $0x0  }
0x2ad: {  	[sflag:s0] =	ssyncadd.s32 @!p0 s1  }
0x2ae: {  	[bflag:$0x3] =	sbarrier.arrive $0xFFFF  }
0x2af: {  	_ =	shalt  }

</sc_bundles>
